<compile_context>
chip_gen: v7x
topology: tpu7x:2x2x1
jax: 0.10.2.dev20260603
libtpu: 0.0.44.dev20260713+nightly
codegen_flags: <defaults>
</compile_context>

<pallas_src>
import functools

import jax
import jax.numpy as jnp
from jax import lax
from jax.experimental import pallas as pl
from jax.experimental.pallas import tpu as pltpu
from jax.experimental.pallas import tpu_sc as plsc

NC = 2
NS = 16
NW = NC * NS
CHUNK = 125
CNT_W = 8


def _sc_mesh():
    return plsc.VectorSubcoreMesh(
        core_axis_name="c", subcore_axis_name="s", num_cores=NC, num_subcores=NS
    )


def _make_sc_scatter(n_nodes, e_edges, width, with_count):
    assert e_edges % NW == 0
    per_w = e_edges // NW
    assert per_w % CHUNK == 0
    n_chunks = per_w // CHUNK
    assert n_chunks % 2 == 0
    row_step = (n_nodes // NS) // 8 * 8
    rows_per_sub = n_nodes - row_step * (NS - 1)
    assert rows_per_sub % 8 == 0 and rows_per_sub >= row_step

    out_type = [jax.ShapeDtypeStruct((NC, n_nodes, width), jnp.float32)]
    NBUF = 8
    assert n_chunks % NBUF == 0
    scratch = [
        pltpu.VMEM((n_chunks, CHUNK), jnp.int32),
        pltpu.VMEM((n_chunks, CHUNK), jnp.int32),
    ] + [pltpu.VMEM((CHUNK, width), jnp.float32) for _ in range(NBUF)] + [
        pltpu.VMEM_SHARED((n_nodes, width), jnp.float32),
        pltpu.VMEM_SHARED((n_nodes, width), jnp.float32),
    ] + [pltpu.SemaphoreType.DMA for _ in range(2 * NBUF)]
    if with_count:
        out_type.append(jax.ShapeDtypeStruct((NC, n_nodes, CNT_W), jnp.float32))
        scratch += [
            pltpu.VMEM((CHUNK, CNT_W), jnp.float32),
            pltpu.VMEM_SHARED((n_nodes, CNT_W), jnp.float32),
        ] + [pltpu.SemaphoreType.DMA for _ in range(NBUF)]

    def body(*refs):
        if with_count:
            (p_hbm, ei_hbm, zeros_hbm, zeros1_hbm, ones_hbm,
             s_out, cnt_out, sidx, didx, *rest) = refs
            rows = rest[:NBUF]
            acc, p_sh = rest[NBUF:NBUF + 2]
            sg = rest[NBUF + 2:2 * NBUF + 2]
            ss = rest[2 * NBUF + 2:3 * NBUF + 2]
            ones_v, cacc = rest[3 * NBUF + 2:3 * NBUF + 4]
            sc = rest[3 * NBUF + 4:]
        else:
            (p_hbm, ei_hbm, zeros_hbm,
             s_out, sidx, didx, *rest) = refs
            rows = rest[:NBUF]
            acc, p_sh = rest[NBUF:NBUF + 2]
            sg = rest[NBUF + 2:2 * NBUF + 2]
            ss = rest[2 * NBUF + 2:3 * NBUF + 2]
        cid = lax.axis_index("c")
        sid = lax.axis_index("s")
        wid = sid * NC + cid

        r0 = sid * row_step
        cs = pltpu.async_copy(ei_hbm.at[0, pl.ds(wid * n_chunks, n_chunks)],
                              sidx, sg[0])
        cd = pltpu.async_copy(ei_hbm.at[1, pl.ds(wid * n_chunks, n_chunks)],
                              didx, sg[1])
        cz = pltpu.async_copy(zeros_hbm.at[pl.ds(r0, rows_per_sub), :],
                              acc.at[pl.ds(r0, rows_per_sub), :], sg[2])
        cp = pltpu.async_copy(p_hbm.at[pl.ds(r0, rows_per_sub), :],
                              p_sh.at[pl.ds(r0, rows_per_sub), :], sg[3])
        if with_count:
            cc = pltpu.async_copy(zeros1_hbm.at[pl.ds(r0, rows_per_sub), :],
                                  cacc.at[pl.ds(r0, rows_per_sub), :], ss[0])
            co = pltpu.async_copy(ones_hbm, ones_v, ss[1])
            cc.wait()
            co.wait()
        cs.wait()
        cd.wait()
        cz.wait()
        cp.wait()
        plsc.subcore_barrier()

        for k in range(NBUF):
            pltpu.async_copy(p_sh.at[sidx.at[k]], rows[k], sg[k])

        def block(j, _):
            for k in range(NBUF):
                c = NBUF * j + k
                pltpu.make_async_copy(p_sh.at[sidx.at[c]], rows[k],
                                      sg[k]).wait()
                pltpu.async_copy(rows[k], acc.at[didx.at[c]], ss[k], add=True)
                if with_count:
                    pltpu.async_copy(ones_v, cacc.at[didx.at[c]], sc[k],
                                     add=True)

                @pl.when(c + NBUF < n_chunks)
                def _():
                    pltpu.make_async_copy(rows[k], acc.at[didx.at[c]],
                                          ss[k]).wait()
                    if with_count:
                        pltpu.make_async_copy(ones_v, cacc.at[didx.at[c]],
                                              sc[k]).wait()
                    pltpu.async_copy(p_sh.at[sidx.at[c + NBUF]], rows[k],
                                     sg[k])
            return 0

        lax.fori_loop(0, n_chunks // NBUF, block, 0)
        for k in range(NBUF):
            c = n_chunks - NBUF + k
            pltpu.make_async_copy(rows[k], acc.at[didx.at[c]], ss[k]).wait()
            if with_count:
                pltpu.make_async_copy(ones_v, cacc.at[didx.at[c]],
                                      sc[k]).wait()
        plsc.subcore_barrier()

        pltpu.sync_copy(acc.at[pl.ds(r0, rows_per_sub), :],
                        s_out.at[cid, pl.ds(r0, rows_per_sub), :])
        if with_count:
            pltpu.sync_copy(cacc.at[pl.ds(r0, rows_per_sub), :],
                            cnt_out.at[cid, pl.ds(r0, rows_per_sub), :])

    return pl.kernel(body, out_type=out_type, mesh=_sc_mesh(),
                     scratch_types=scratch,
                     compiler_params=pltpu.CompilerParams(
                         use_tc_tiling_on_sc=False))


def _blk(shape, idx_fn):
    return pl.BlockSpec(shape, idx_fn)


def _dense1(x, w1a, b1a, nb, rb):
    def body(x_ref, w_ref, b_ref, o_ref):
        o_ref[...] = jnp.maximum(
            jnp.dot(x_ref[...], w_ref[...], preferred_element_type=jnp.float32)
            + b_ref[...], 0.0)

    n, d = x.shape
    k = w1a.shape[1]
    return pl.pallas_call(
        body,
        grid=(nb,),
        in_specs=[_blk((rb, d), lambda i: (i, 0)),
                  _blk(w1a.shape, lambda i: (0, 0)),
                  _blk(b1a.shape, lambda i: (0, 0))],
        out_specs=_blk((rb, k), lambda i: (i, 0)),
        out_shape=jax.ShapeDtypeStruct((n, k), jnp.float32),
    )(x, w1a, b1a)


def _dense2(x, s1p, cntp, w2a, b2a, w1b, b1b, nb, rb):
    def body(x_ref, s_ref, c_ref, w2_ref, b2_ref, w1_ref, b1_ref,
             h1_ref, p2_ref, inv_ref):
        cnt = (c_ref[0] + c_ref[1])[:, 0:1]
        inv = 1.0 / jnp.maximum(cnt, 1.0)
        h = (s_ref[0] + s_ref[1]) * inv
        din = x_ref.shape[1]
        h1 = jnp.maximum(
            jnp.dot(x_ref[...], w2_ref[:din], preferred_element_type=jnp.float32)
            + jnp.dot(h, w2_ref[din:], preferred_element_type=jnp.float32)
            + b2_ref[...], 0.0)
        h1_ref[...] = h1
        p2_ref[...] = jnp.maximum(
            jnp.dot(h1, w1_ref[...], preferred_element_type=jnp.float32)
            + b1_ref[...], 0.0)
        inv_ref[...] = inv

    n, d = x.shape
    ks = s1p.shape[2]
    ko = w2a.shape[1]
    kp = w1b.shape[1]
    return pl.pallas_call(
        body,
        grid=(nb,),
        in_specs=[_blk((rb, d), lambda i: (i, 0)),
                  _blk((NC, rb, ks), lambda i: (0, i, 0)),
                  _blk((NC, rb, CNT_W), lambda i: (0, i, 0)),
                  _blk(w2a.shape, lambda i: (0, 0)),
                  _blk(b2a.shape, lambda i: (0, 0)),
                  _blk(w1b.shape, lambda i: (0, 0)),
                  _blk(b1b.shape, lambda i: (0, 0))],
        out_specs=[_blk((rb, ko), lambda i: (i, 0)),
                   _blk((rb, kp), lambda i: (i, 0)),
                   _blk((rb, 1), lambda i: (i, 0))],
        out_shape=[jax.ShapeDtypeStruct((n, ko), jnp.float32),
                   jax.ShapeDtypeStruct((n, kp), jnp.float32),
                   jax.ShapeDtypeStruct((n, 1), jnp.float32)],
    )(x, s1p, cntp, w2a, b2a, w1b, b1b)


def _dense3(h1, s2p, inv, w2b, b2b, wl, bl, nb, rb):
    def body(h1_ref, s_ref, i_ref, w2_ref, b2_ref, wl_ref, bl_ref, o_ref):
        h = (s_ref[0] + s_ref[1]) * i_ref[...]
        din = h1_ref.shape[1]
        h2 = jnp.maximum(
            jnp.dot(h1_ref[...], w2_ref[:din], preferred_element_type=jnp.float32)
            + jnp.dot(h, w2_ref[din:], preferred_element_type=jnp.float32)
            + b2_ref[...], 0.0)
        o_ref[...] = (
            jnp.dot(h2, wl_ref[...], preferred_element_type=jnp.float32)
            + bl_ref[...])

    n, d = h1.shape
    ks = s2p.shape[2]
    return pl.pallas_call(
        body,
        grid=(nb,),
        in_specs=[_blk((rb, d), lambda i: (i, 0)),
                  _blk((NC, rb, ks), lambda i: (0, i, 0)),
                  _blk((rb, 1), lambda i: (i, 0)),
                  _blk(w2b.shape, lambda i: (0, 0)),
                  _blk(b2b.shape, lambda i: (0, 0)),
                  _blk(wl.shape, lambda i: (0, 0)),
                  _blk(bl.shape, lambda i: (0, 0))],
        out_specs=_blk((rb, 1), lambda i: (i, 0)),
        out_shape=jax.ShapeDtypeStruct((n, 1), jnp.float32),
    )(h1, s2p, inv, w2b, b2b, wl, bl)


def kernel(x, edge_index, W1a, b1a, W2a, b2a, W1b, b1b, W2b, b2b, Wl, bl):
    n, d = x.shape
    e = edge_index.shape[1]
    ei3 = edge_index.reshape(2, e // CHUNK, CHUNK)
    zeros32 = jnp.zeros((n, 32), jnp.float32)
    zeros16 = jnp.zeros((n, 16), jnp.float32)
    zeros1 = jnp.zeros((n, CNT_W), jnp.float32)
    ones = jnp.ones((CHUNK, CNT_W), jnp.float32)

    nb = 2
    rb = n // nb

    p1 = _dense1(x, W1a, b1a.reshape(1, -1), nb, rb)
    sc1 = _make_sc_scatter(n, e, p1.shape[1], with_count=True)
    s1p, cntp = sc1(p1, ei3, zeros32, zeros1, ones)
    h1, p2, inv = _dense2(x, s1p, cntp, W2a, b2a.reshape(1, -1),
                          W1b, b1b.reshape(1, -1), nb, rb)
    sc2 = _make_sc_scatter(n, e, p2.shape[1], with_count=False)
    s2p = sc2(p2, ei3, zeros16)
    if isinstance(s2p, (list, tuple)):
        s2p = s2p[0]
    return _dense3(h1, s2p, inv, W2b, b2b.reshape(1, -1), Wl,
                   bl.reshape(1, -1), nb, rb)

# --- scband reference (transcript-rebuilt; emitter-appended) ---
"""Pipeline reference for scband-fae-exp-graph-conv-77653008712164 (READ-ONLY COPY).

The authoritative reference and input builder live on the scoring server;
editing this copy changes nothing except your own understanding.
"""

import jax, jax.numpy as jnp
import numpy as np

N = 10000
E = 320000
D = 128


def _glorot(key, shape):
    fan_in = shape[0]
    return jax.random.normal(key, shape, dtype=jnp.float32) * (1.0 / np.sqrt(fan_in))


def setup_inputs(seed: int = 0) -> dict:
    key = jax.random.key(seed)
    ks = jax.random.split(key, 16)
    x = jax.random.normal(ks[0], (N, D), dtype=jnp.float32)
    edge_index = jax.random.randint(ks[1], (2, E), 0, N)
    # conv1: ExpGraphConv(128, 32, 64): mlp Lin(128,32)+ReLU, then Lin(128+32, 64) on concat[x, mean_aggr]
    W1a = _glorot(ks[2], (128, 32)); b1a = jnp.zeros((32,), jnp.float32)
    W2a = _glorot(ks[3], (160, 64)); b2a = jnp.zeros((64,), jnp.float32)
    # conv2: ExpGraphConv(64, 16, 32)
    W1b = _glorot(ks[4], (64, 16)); b1b = jnp.zeros((16,), jnp.float32)
    W2b = _glorot(ks[5], (80, 32)); b2b = jnp.zeros((32,), jnp.float32)
    # final Lin(32, 1)
    Wl = _glorot(ks[6], (32, 1)); bl = jnp.zeros((1,), jnp.float32)
    return {"x": x, "edge_index": edge_index,
            "W1a": W1a, "b1a": b1a, "W2a": W2a, "b2a": b2a,
            "W1b": W1b, "b1b": b1b, "W2b": W2b, "b2b": b2b,
            "Wl": Wl, "bl": bl}


def _exp_graph_conv(x, src, dst, W1, b1, W2, b2):
    # message: ReLU(Lin(x_j)); aggr='mean' over destination nodes; update: Lin(concat[x_i, h_i])
    m = jax.nn.relu(x[src] @ W1 + b1)
    s = jax.ops.segment_sum(m, dst, num_segments=N)
    cnt = jax.ops.segment_sum(jnp.ones((dst.shape[0],), dtype=x.dtype), dst, num_segments=N)
    h = s / jnp.clip(cnt, 1.0, None)[:, None]
    return jnp.concatenate([x, h], axis=1) @ W2 + b2


def reference(x, edge_index, W1a, b1a, W2a, b2a, W1b, b1b, W2b, b2b, Wl, bl):
    src = edge_index[0]
    dst = edge_index[1]
    h1 = jax.nn.relu(_exp_graph_conv(x, src, dst, W1a, b1a, W2a, b2a))
    h2 = jax.nn.relu(_exp_graph_conv(h1, src, dst, W1b, b1b, W2b, b2b))
    return h2 @ Wl + bl

if __name__ == "__main__":
    import jax
    _d = setup_inputs()
    print(jax.jit(kernel)(*tuple(_d.values())))

</pallas_src>

<mosaic_0001>
#map = affine_map<(d0, d1) -> (0, 0)>
#map1 = affine_map<(d0, d1) -> (0, 0, 0)>
module attributes {stable_mosaic.version = 14 : i64} {
  func.func @body(%arg0: i32, %arg1: i32, %arg2: memref<10000x32xf32, #tpu.memory_space<hbm>>, %arg3: memref<2x2560x125xi32, #tpu.memory_space<hbm>>, %arg4: memref<10000x32xf32, #tpu.memory_space<hbm>>, %arg5: memref<10000x8xf32, #tpu.memory_space<hbm>>, %arg6: memref<125x8xf32, #tpu.memory_space<hbm>>, %arg7: memref<2x10000x32xf32, #tpu.memory_space<hbm>>, %arg8: memref<2x10000x8xf32, #tpu.memory_space<hbm>>, %arg9: memref<80x125xi32, #tpu.memory_space<vmem>>, %arg10: memref<80x125xi32, #tpu.memory_space<vmem>>, %arg11: memref<125x32xf32, #tpu.memory_space<vmem>>, %arg12: memref<125x32xf32, #tpu.memory_space<vmem>>, %arg13: memref<125x32xf32, #tpu.memory_space<vmem>>, %arg14: memref<125x32xf32, #tpu.memory_space<vmem>>, %arg15: memref<125x32xf32, #tpu.memory_space<vmem>>, %arg16: memref<125x32xf32, #tpu.memory_space<vmem>>, %arg17: memref<125x32xf32, #tpu.memory_space<vmem>>, %arg18: memref<125x32xf32, #tpu.memory_space<vmem>>, %arg19: memref<10000x32xf32, #tpu.memory_space<vmem_shared>>, %arg20: memref<10000x32xf32, #tpu.memory_space<vmem_shared>>, %arg21: memref<!tpu.dma_semaphore, #tpu.memory_space<semaphore_mem>>, %arg22: memref<!tpu.dma_semaphore, #tpu.memory_space<semaphore_mem>>, %arg23: memref<!tpu.dma_semaphore, #tpu.memory_space<semaphore_mem>>, %arg24: memref<!tpu.dma_semaphore, #tpu.memory_space<semaphore_mem>>, %arg25: memref<!tpu.dma_semaphore, #tpu.memory_space<semaphore_mem>>, %arg26: memref<!tpu.dma_semaphore, #tpu.memory_space<semaphore_mem>>, %arg27: memref<!tpu.dma_semaphore, #tpu.memory_space<semaphore_mem>>, %arg28: memref<!tpu.dma_semaphore, #tpu.memory_space<semaphore_mem>>, %arg29: memref<!tpu.dma_semaphore, #tpu.memory_space<semaphore_mem>>, %arg30: memref<!tpu.dma_semaphore, #tpu.memory_space<semaphore_mem>>, %arg31: memref<!tpu.dma_semaphore, #tpu.memory_space<semaphore_mem>>, %arg32: memref<!tpu.dma_semaphore, #tpu.memory_space<semaphore_mem>>, %arg33: memref<!tpu.dma_semaphore, #tpu.memory_space<semaphore_mem>>, %arg34: memref<!tpu.dma_semaphore, #tpu.memory_space<semaphore_mem>>, %arg35: memref<!tpu.dma_semaphore, #tpu.memory_space<semaphore_mem>>, %arg36: memref<!tpu.dma_semaphore, #tpu.memory_space<semaphore_mem>>, %arg37: memref<125x8xf32, #tpu.memory_space<vmem>>, %arg38: memref<10000x8xf32, #tpu.memory_space<vmem_shared>>, %arg39: memref<!tpu.dma_semaphore, #tpu.memory_space<semaphore_mem>>, %arg40: memref<!tpu.dma_semaphore, #tpu.memory_space<semaphore_mem>>, %arg41: memref<!tpu.dma_semaphore, #tpu.memory_space<semaphore_mem>>, %arg42: memref<!tpu.dma_semaphore, #tpu.memory_space<semaphore_mem>>, %arg43: memref<!tpu.dma_semaphore, #tpu.memory_space<semaphore_mem>>, %arg44: memref<!tpu.dma_semaphore, #tpu.memory_space<semaphore_mem>>, %arg45: memref<!tpu.dma_semaphore, #tpu.memory_space<semaphore_mem>>, %arg46: memref<!tpu.dma_semaphore, #tpu.memory_space<semaphore_mem>>) attributes {dimension_semantics = [#tpu.dimension_semantics<core_parallel>, #tpu.dimension_semantics<subcore_parallel>], iteration_bounds = array<i64: 2, 16>, scalar_prefetch = 0 : i64, scratch_operands = 38 : i64, tpu.core_type = #tpu.core_type<sc_vector_subcore>, window_params = [{transform_indices = #map}, {transform_indices = #map1}, {transform_indices = #map}, {transform_indices = #map}, {transform_indices = #map}, {transform_indices = #map1}, {transform_indices = #map1}]} {
    %mul3A = arith.constant 2 : i32
    %mul3A_0 = arith.muli %arg1, %mul3A : i32
    %add3A = arith.addi %mul3A_0, %arg0 : i32
    %mul3A_1 = arith.constant 624 : i32
    %mul3A_2 = arith.muli %arg1, %mul3A_1 : i32
    %mul3A_3 = arith.constant 80 : i32
    %mul3A_4 = arith.muli %add3A, %mul3A_3 : i32
    %dma_start3A = arith.constant 0 : i32
    %dma_start3A_5 = arith.constant 0 : i32
    %dma_start3A_6 = tpu.memref_slice %arg3[%dma_start3A, %mul3A_4, %dma_start3A_5] : memref<2x2560x125xi32, #tpu.memory_space<hbm>> -> memref<1x80x125xi32, #tpu.memory_space<hbm>>
    %dma_start3A_7 = tpu.memref_squeeze %dma_start3A_6 : memref<1x80x125xi32, #tpu.memory_space<hbm>> -> memref<80x125xi32, #tpu.memory_space<hbm>>
    %dma_start3A_8 = arith.constant 0 : i32
    %dma_start3A_9 = tpu.memref_slice %arg3[%dma_start3A, %mul3A_4, %dma_start3A_8] : memref<2x2560x125xi32, #tpu.memory_space<hbm>> -> memref<1x80x125xi32, #tpu.memory_space<hbm>>
    %dma_start3A_10 = tpu.memref_squeeze %dma_start3A_9 : memref<1x80x125xi32, #tpu.memory_space<hbm>> -> memref<80x125xi32, #tpu.memory_space<hbm>>
    tpu.enqueue_dma source(%dma_start3A_10 : memref<80x125xi32, #tpu.memory_space<hbm>>) target(%arg9 : memref<80x125xi32, #tpu.memory_space<vmem>>) target_semaphore(%arg21 : memref<!tpu.dma_semaphore, #tpu.memory_space<semaphore_mem>>)
    %mul3A_11 = arith.constant 80 : i32
    %mul3A_12 = arith.muli %add3A, %mul3A_11 : i32
    %dma_start3A_13 = arith.constant 1 : i32
    %dma_start3A_14 = arith.constant 0 : i32
    %dma_start3A_15 = tpu.memref_slice %arg3[%dma_start3A_13, %mul3A_12, %dma_start3A_14] : memref<2x2560x125xi32, #tpu.memory_space<hbm>> -> memref<1x80x125xi32, #tpu.memory_space<hbm>>
    %dma_start3A_16 = tpu.memref_squeeze %dma_start3A_15 : memref<1x80x125xi32, #tpu.memory_space<hbm>> -> memref<80x125xi32, #tpu.memory_space<hbm>>
    %dma_start3A_17 = arith.constant 0 : i32
    %dma_start3A_18 = tpu.memref_slice %arg3[%dma_start3A_13, %mul3A_12, %dma_start3A_17] : memref<2x2560x125xi32, #tpu.memory_space<hbm>> -> memref<1x80x125xi32, #tpu.memory_space<hbm>>
    %dma_start3A_19 = tpu.memref_squeeze %dma_start3A_18 : memref<1x80x125xi32, #tpu.memory_space<hbm>> -> memref<80x125xi32, #tpu.memory_space<hbm>>
    tpu.enqueue_dma source(%dma_start3A_19 : memref<80x125xi32, #tpu.memory_space<hbm>>) target(%arg10 : memref<80x125xi32, #tpu.memory_space<vmem>>) target_semaphore(%arg22 : memref<!tpu.dma_semaphore, #tpu.memory_space<semaphore_mem>>)
    %dma_start3A_20 = arith.constant 0 : i32
    %dma_start3A_21 = tpu.memref_slice %arg19[%mul3A_2, %dma_start3A_20] : memref<10000x32xf32, #tpu.memory_space<vmem_shared>> -> memref<640x32xf32, #tpu.memory_space<vmem_shared>>
    %dma_start3A_22 = arith.constant 0 : i32
    %dma_start3A_23 = tpu.memref_slice %arg4[%mul3A_2, %dma_start3A_22] : memref<10000x32xf32, #tpu.memory_space<hbm>> -> memref<640x32xf32, #tpu.memory_space<hbm>>
    tpu.enqueue_dma source(%dma_start3A_23 : memref<640x32xf32, #tpu.memory_space<hbm>>) target(%dma_start3A_21 : memref<640x32xf32, #tpu.memory_space<vmem_shared>>) target_semaphore(%arg23 : memref<!tpu.dma_semaphore, #tpu.memory_space<semaphore_mem>>)
    %dma_start3A_24 = arith.constant 0 : i32
    %dma_start3A_25 = tpu.memref_slice %arg20[%mul3A_2, %dma_start3A_24] : memref<10000x32xf32, #tpu.memory_space<vmem_shared>> -> memref<640x32xf32, #tpu.memory_space<vmem_shared>>
    %dma_start3A_26 = arith.constant 0 : i32
    %dma_start3A_27 = tpu.memref_slice %arg2[%mul3A_2, %dma_start3A_26] : memref<10000x32xf32, #tpu.memory_space<hbm>> -> memref<640x32xf32, #tpu.memory_space<hbm>>
    tpu.enqueue_dma source(%dma_start3A_27 : memref<640x32xf32, #tpu.memory_space<hbm>>) target(%dma_start3A_25 : memref<640x32xf32, #tpu.memory_space<vmem_shared>>) target_semaphore(%arg24 : memref<!tpu.dma_semaphore, #tpu.memory_space<semaphore_mem>>)
    %dma_start3A_28 = arith.constant 0 : i32
    %dma_start3A_29 = tpu.memref_slice %arg38[%mul3A_2, %dma_start3A_28] : memref<10000x8xf32, #tpu.memory_space<vmem_shared>> -> memref<640x8xf32, #tpu.memory_space<vmem_shared>>
    %dma_start3A_30 = arith.constant 0 : i32
    %dma_start3A_31 = tpu.memref_slice %arg5[%mul3A_2, %dma_start3A_30] : memref<10000x8xf32, #tpu.memory_space<hbm>> -> memref<640x8xf32, #tpu.memory_space<hbm>>
    tpu.enqueue_dma source(%dma_start3A_31 : memref<640x8xf32, #tpu.memory_space<hbm>>) target(%dma_start3A_29 : memref<640x8xf32, #tpu.memory_space<vmem_shared>>) target_semaphore(%arg29 : memref<!tpu.dma_semaphore, #tpu.memory_space<semaphore_mem>>)
    tpu.enqueue_dma source(%arg6 : memref<125x8xf32, #tpu.memory_space<hbm>>) target(%arg37 : memref<125x8xf32, #tpu.memory_space<vmem>>) target_semaphore(%arg30 : memref<!tpu.dma_semaphore, #tpu.memory_space<semaphore_mem>>)
    %dma_wait3A = arith.constant 0 : i32
    %dma_wait3A_32 = tpu.memref_slice %arg38[%mul3A_2, %dma_wait3A] : memref<10000x8xf32, #tpu.memory_space<vmem_shared>> -> memref<640x8xf32, #tpu.memory_space<vmem_shared>>
    %dma_wait3A_33 = arith.constant 0 : i32
    %dma_wait3A_34 = tpu.memref_slice %arg5[%mul3A_2, %dma_wait3A_33] : memref<10000x8xf32, #tpu.memory_space<hbm>> -> memref<640x8xf32, #tpu.memory_space<hbm>>
    tpu.wait_dma2 semaphore(%arg29 : memref<!tpu.dma_semaphore, #tpu.memory_space<semaphore_mem>>) src(%dma_wait3A_34 : memref<640x8xf32, #tpu.memory_space<hbm>>) dst(%dma_wait3A_32 : memref<640x8xf32, #tpu.memory_space<vmem_shared>>)
    tpu.wait_dma2 semaphore(%arg30 : memref<!tpu.dma_semaphore, #tpu.memory_space<semaphore_mem>>) src(%arg6 : memref<125x8xf32, #tpu.memory_space<hbm>>) dst(%arg37 : memref<125x8xf32, #tpu.memory_space<vmem>>)
    %dma_wait3A_35 = arith.constant 0 : i32
    %dma_wait3A_36 = arith.constant 0 : i32
    %dma_wait3A_37 = tpu.memref_slice %arg3[%dma_wait3A_35, %mul3A_4, %dma_wait3A_36] : memref<2x2560x125xi32, #tpu.memory_space<hbm>> -> memref<1x80x125xi32, #tpu.memory_space<hbm>>
    %dma_wait3A_38 = tpu.memref_squeeze %dma_wait3A_37 : memref<1x80x125xi32, #tpu.memory_space<hbm>> -> memref<80x125xi32, #tpu.memory_space<hbm>>
    %dma_wait3A_39 = arith.constant 0 : i32
    %dma_wait3A_40 = tpu.memref_slice %arg3[%dma_wait3A_35, %mul3A_4, %dma_wait3A_39] : memref<2x2560x125xi32, #tpu.memory_space<hbm>> -> memref<1x80x125xi32, #tpu.memory_space<hbm>>
    %dma_wait3A_41 = tpu.memref_squeeze %dma_wait3A_40 : memref<1x80x125xi32, #tpu.memory_space<hbm>> -> memref<80x125xi32, #tpu.memory_space<hbm>>
    tpu.wait_dma2 semaphore(%arg21 : memref<!tpu.dma_semaphore, #tpu.memory_space<semaphore_mem>>) src(%dma_wait3A_41 : memref<80x125xi32, #tpu.memory_space<hbm>>) dst(%arg9 : memref<80x125xi32, #tpu.memory_space<vmem>>)
    %dma_wait3A_42 = arith.constant 1 : i32
    %dma_wait3A_43 = arith.constant 0 : i32
    %dma_wait3A_44 = tpu.memref_slice %arg3[%dma_wait3A_42, %mul3A_12, %dma_wait3A_43] : memref<2x2560x125xi32, #tpu.memory_space<hbm>> -> memref<1x80x125xi32, #tpu.memory_space<hbm>>
    %dma_wait3A_45 = tpu.memref_squeeze %dma_wait3A_44 : memref<1x80x125xi32, #tpu.memory_space<hbm>> -> memref<80x125xi32, #tpu.memory_space<hbm>>
    %dma_wait3A_46 = arith.constant 0 : i32
    %dma_wait3A_47 = tpu.memref_slice %arg3[%dma_wait3A_42, %mul3A_12, %dma_wait3A_46] : memref<2x2560x125xi32, #tpu.memory_space<hbm>> -> memref<1x80x125xi32, #tpu.memory_space<hbm>>
    %dma_wait3A_48 = tpu.memref_squeeze %dma_wait3A_47 : memref<1x80x125xi32, #tpu.memory_space<hbm>> -> memref<80x125xi32, #tpu.memory_space<hbm>>
    tpu.wait_dma2 semaphore(%arg22 : memref<!tpu.dma_semaphore, #tpu.memory_space<semaphore_mem>>) src(%dma_wait3A_48 : memref<80x125xi32, #tpu.memory_space<hbm>>) dst(%arg10 : memref<80x125xi32, #tpu.memory_space<vmem>>)
    %dma_wait3A_49 = arith.constant 0 : i32
    %dma_wait3A_50 = tpu.memref_slice %arg19[%mul3A_2, %dma_wait3A_49] : memref<10000x32xf32, #tpu.memory_space<vmem_shared>> -> memref<640x32xf32, #tpu.memory_space<vmem_shared>>
    %dma_wait3A_51 = arith.constant 0 : i32
    %dma_wait3A_52 = tpu.memref_slice %arg4[%mul3A_2, %dma_wait3A_51] : memref<10000x32xf32, #tpu.memory_space<hbm>> -> memref<640x32xf32, #tpu.memory_space<hbm>>
    tpu.wait_dma2 semaphore(%arg23 : memref<!tpu.dma_semaphore, #tpu.memory_space<semaphore_mem>>) src(%dma_wait3A_52 : memref<640x32xf32, #tpu.memory_space<hbm>>) dst(%dma_wait3A_50 : memref<640x32xf32, #tpu.memory_space<vmem_shared>>)
    %dma_wait3A_53 = arith.constant 0 : i32
    %dma_wait3A_54 = tpu.memref_slice %arg20[%mul3A_2, %dma_wait3A_53] : memref<10000x32xf32, #tpu.memory_space<vmem_shared>> -> memref<640x32xf32, #tpu.memory_space<vmem_shared>>
    %dma_wait3A_55 = arith.constant 0 : i32
    %dma_wait3A_56 = tpu.memref_slice %arg2[%mul3A_2, %dma_wait3A_55] : memref<10000x32xf32, #tpu.memory_space<hbm>> -> memref<640x32xf32, #tpu.memory_space<hbm>>
    tpu.wait_dma2 semaphore(%arg24 : memref<!tpu.dma_semaphore, #tpu.memory_space<semaphore_mem>>) src(%dma_wait3A_56 : memref<640x32xf32, #tpu.memory_space<hbm>>) dst(%dma_wait3A_54 : memref<640x32xf32, #tpu.memory_space<vmem_shared>>)
    %barrier3A = arith.constant 0 : index
    tpu.barrier barrier_id(%barrier3A)
    %dma_start3A_57 = arith.constant 0 : i32
    %dma_start3A_58 = arith.constant 0 : i32
    %dma_start3A_59 = tpu.memref_slice %arg9[%dma_start3A_57, %dma_start3A_58] : memref<80x125xi32, #tpu.memory_space<vmem>> -> memref<1x125xi32, #tpu.memory_space<vmem>>
    %dma_start3A_60 = tpu.memref_squeeze %dma_start3A_59 : memref<1x125xi32, #tpu.memory_space<vmem>> -> memref<125xi32, #tpu.memory_space<vmem>>
    %dma_start3A_61 = arith.constant 0 : i32
    %dma_start3A_62 = arith.constant 0 : i32
    %dma_start3A_63 = tpu.memref_slice %arg20[%dma_start3A_61, %dma_start3A_62] : memref<10000x32xf32, #tpu.memory_space<vmem_shared>> -> memref<10000x32xf32, #tpu.memory_space<vmem_shared>>
    tpu.enqueue_indirect_dma source(%dma_start3A_63 : memref<10000x32xf32, #tpu.memory_space<vmem_shared>>) target(%arg11 : memref<125x32xf32, #tpu.memory_space<vmem>>) offsets(%dma_start3A_60 : memref<125xi32, #tpu.memory_space<vmem>>) semaphore(%arg21 : memref<!tpu.dma_semaphore, #tpu.memory_space<semaphore_mem>>)
    %dma_start3A_64 = arith.constant 1 : i32
    %dma_start3A_65 = arith.constant 0 : i32
    %dma_start3A_66 = tpu.memref_slice %arg9[%dma_start3A_64, %dma_start3A_65] : memref<80x125xi32, #tpu.memory_space<vmem>> -> memref<1x125xi32, #tpu.memory_space<vmem>>
    %dma_start3A_67 = tpu.memref_squeeze %dma_start3A_66 : memref<1x125xi32, #tpu.memory_space<vmem>> -> memref<125xi32, #tpu.memory_space<vmem>>
    %dma_start3A_68 = arith.constant 0 : i32
    %dma_start3A_69 = arith.constant 0 : i32
    %dma_start3A_70 = tpu.memref_slice %arg20[%dma_start3A_68, %dma_start3A_69] : memref<10000x32xf32, #tpu.memory_space<vmem_shared>> -> memref<10000x32xf32, #tpu.memory_space<vmem_shared>>
    tpu.enqueue_indirect_dma source(%dma_start3A_70 : memref<10000x32xf32, #tpu.memory_space<vmem_shared>>) target(%arg12 : memref<125x32xf32, #tpu.memory_space<vmem>>) offsets(%dma_start3A_67 : memref<125xi32, #tpu.memory_space<vmem>>) semaphore(%arg22 : memref<!tpu.dma_semaphore, #tpu.memory_space<semaphore_mem>>)
    %dma_start3A_71 = arith.constant 2 : i32
    %dma_start3A_72 = arith.constant 0 : i32
    %dma_start3A_73 = tpu.memref_slice %arg9[%dma_start3A_71, %dma_start3A_72] : memref<80x125xi32, #tpu.memory_space<vmem>> -> memref<1x125xi32, #tpu.memory_space<vmem>>
    %dma_start3A_74 = tpu.memref_squeeze %dma_start3A_73 : memref<1x125xi32, #tpu.memory_space<vmem>> -> memref<125xi32, #tpu.memory_space<vmem>>
    %dma_start3A_75 = arith.constant 0 : i32
    %dma_start3A_76 = arith.constant 0 : i32
    %dma_start3A_77 = tpu.memref_slice %arg20[%dma_start3A_75, %dma_start3A_76] : memref<10000x32xf32, #tpu.memory_space<vmem_shared>> -> memref<10000x32xf32, #tpu.memory_space<vmem_shared>>
    tpu.enqueue_indirect_dma source(%dma_start3A_77 : memref<10000x32xf32, #tpu.memory_space<vmem_shared>>) target(%arg13 : memref<125x32xf32, #tpu.memory_space<vmem>>) offsets(%dma_start3A_74 : memref<125xi32, #tpu.memory_space<vmem>>) semaphore(%arg23 : memref<!tpu.dma_semaphore, #tpu.memory_space<semaphore_mem>>)
    %dma_start3A_78 = arith.constant 3 : i32
    %dma_start3A_79 = arith.constant 0 : i32
    %dma_start3A_80 = tpu.memref_slice %arg9[%dma_start3A_78, %dma_start3A_79] : memref<80x125xi32, #tpu.memory_space<vmem>> -> memref<1x125xi32, #tpu.memory_space<vmem>>
    %dma_start3A_81 = tpu.memref_squeeze %dma_start3A_80 : memref<1x125xi32, #tpu.memory_space<vmem>> -> memref<125xi32, #tpu.memory_space<vmem>>
    %dma_start3A_82 = arith.constant 0 : i32
    %dma_start3A_83 = arith.constant 0 : i32
    %dma_start3A_84 = tpu.memref_slice %arg20[%dma_start3A_82, %dma_start3A_83] : memref<10000x32xf32, #tpu.memory_space<vmem_shared>> -> memref<10000x32xf32, #tpu.memory_space<vmem_shared>>
    tpu.enqueue_indirect_dma source(%dma_start3A_84 : memref<10000x32xf32, #tpu.memory_space<vmem_shared>>) target(%arg14 : memref<125x32xf32, #tpu.memory_space<vmem>>) offsets(%dma_start3A_81 : memref<125xi32, #tpu.memory_space<vmem>>) semaphore(%arg24 : memref<!tpu.dma_semaphore, #tpu.memory_space<semaphore_mem>>)
    %dma_start3A_85 = arith.constant 4 : i32
    %dma_start3A_86 = arith.constant 0 : i32
    %dma_start3A_87 = tpu.memref_slice %arg9[%dma_start3A_85, %dma_start3A_86] : memref<80x125xi32, #tpu.memory_space<vmem>> -> memref<1x125xi32, #tpu.memory_space<vmem>>
    %dma_start3A_88 = tpu.memref_squeeze %dma_start3A_87 : memref<1x125xi32, #tpu.memory_space<vmem>> -> memref<125xi32, #tpu.memory_space<vmem>>
    %dma_start3A_89 = arith.constant 0 : i32
    %dma_start3A_90 = arith.constant 0 : i32
    %dma_start3A_91 = tpu.memref_slice %arg20[%dma_start3A_89, %dma_start3A_90] : memref<10000x32xf32, #tpu.memory_space<vmem_shared>> -> memref<10000x32xf32, #tpu.memory_space<vmem_shared>>
    tpu.enqueue_indirect_dma source(%dma_start3A_91 : memref<10000x32xf32, #tpu.memory_space<vmem_shared>>) target(%arg15 : memref<125x32xf32, #tpu.memory_space<vmem>>) offsets(%dma_start3A_88 : memref<125xi32, #tpu.memory_space<vmem>>) semaphore(%arg25 : memref<!tpu.dma_semaphore, #tpu.memory_space<semaphore_mem>>)
    %dma_start3A_92 = arith.constant 5 : i32
    %dma_start3A_93 = arith.constant 0 : i32
    %dma_start3A_94 = tpu.memref_slice %arg9[%dma_start3A_92, %dma_start3A_93] : memref<80x125xi32, #tpu.memory_space<vmem>> -> memref<1x125xi32, #tpu.memory_space<vmem>>
    %dma_start3A_95 = tpu.memref_squeeze %dma_start3A_94 : memref<1x125xi32, #tpu.memory_space<vmem>> -> memref<125xi32, #tpu.memory_space<vmem>>
    %dma_start3A_96 = arith.constant 0 : i32
    %dma_start3A_97 = arith.constant 0 : i32
    %dma_start3A_98 = tpu.memref_slice %arg20[%dma_start3A_96, %dma_start3A_97] : memref<10000x32xf32, #tpu.memory_space<vmem_shared>> -> memref<10000x32xf32, #tpu.memory_space<vmem_shared>>
    tpu.enqueue_indirect_dma source(%dma_start3A_98 : memref<10000x32xf32, #tpu.memory_space<vmem_shared>>) target(%arg16 : memref<125x32xf32, #tpu.memory_space<vmem>>) offsets(%dma_start3A_95 : memref<125xi32, #tpu.memory_space<vmem>>) semaphore(%arg26 : memref<!tpu.dma_semaphore, #tpu.memory_space<semaphore_mem>>)
    %dma_start3A_99 = arith.constant 6 : i32
    %dma_start3A_100 = arith.constant 0 : i32
    %dma_start3A_101 = tpu.memref_slice %arg9[%dma_start3A_99, %dma_start3A_100] : memref<80x125xi32, #tpu.memory_space<vmem>> -> memref<1x125xi32, #tpu.memory_space<vmem>>
    %dma_start3A_102 = tpu.memref_squeeze %dma_start3A_101 : memref<1x125xi32, #tpu.memory_space<vmem>> -> memref<125xi32, #tpu.memory_space<vmem>>
    %dma_start3A_103 = arith.constant 0 : i32
    %dma_start3A_104 = arith.constant 0 : i32
    %dma_start3A_105 = tpu.memref_slice %arg20[%dma_start3A_103, %dma_start3A_104] : memref<10000x32xf32, #tpu.memory_space<vmem_shared>> -> memref<10000x32xf32, #tpu.memory_space<vmem_shared>>
    tpu.enqueue_indirect_dma source(%dma_start3A_105 : memref<10000x32xf32, #tpu.memory_space<vmem_shared>>) target(%arg17 : memref<125x32xf32, #tpu.memory_space<vmem>>) offsets(%dma_start3A_102 : memref<125xi32, #tpu.memory_space<vmem>>) semaphore(%arg27 : memref<!tpu.dma_semaphore, #tpu.memory_space<semaphore_mem>>)
    %dma_start3A_106 = arith.constant 7 : i32
    %dma_start3A_107 = arith.constant 0 : i32
    %dma_start3A_108 = tpu.memref_slice %arg9[%dma_start3A_106, %dma_start3A_107] : memref<80x125xi32, #tpu.memory_space<vmem>> -> memref<1x125xi32, #tpu.memory_space<vmem>>
    %dma_start3A_109 = tpu.memref_squeeze %dma_start3A_108 : memref<1x125xi32, #tpu.memory_space<vmem>> -> memref<125xi32, #tpu.memory_space<vmem>>
    %dma_start3A_110 = arith.constant 0 : i32
    %dma_start3A_111 = arith.constant 0 : i32
    %dma_start3A_112 = tpu.memref_slice %arg20[%dma_start3A_110, %dma_start3A_111] : memref<10000x32xf32, #tpu.memory_space<vmem_shared>> -> memref<10000x32xf32, #tpu.memory_space<vmem_shared>>
    tpu.enqueue_indirect_dma source(%dma_start3A_112 : memref<10000x32xf32, #tpu.memory_space<vmem_shared>>) target(%arg18 : memref<125x32xf32, #tpu.memory_space<vmem>>) offsets(%dma_start3A_109 : memref<125xi32, #tpu.memory_space<vmem>>) semaphore(%arg28 : memref<!tpu.dma_semaphore, #tpu.memory_space<semaphore_mem>>)
    %scan3A = arith.constant 0 : i32
    %scan3A_113 = arith.constant 0 : i32
    %scan3A_114 = arith.constant 10 : i32
    %scan3A_115 = arith.addi %scan3A_113, %scan3A_114 : i32
    %scan3A_116 = arith.constant 1 : i32
    %scan3A_117 = scf.for %scan3A_232 = %scan3A_113 to %scan3A_115 step %scan3A_116 iter_args(%scan3A_233 = %scan3A) -> (i32)  : i32 {
      %mul3A_234 = arith.constant 8 : i32
      %mul3A_235 = arith.muli %mul3A_234, %scan3A_232 : i32
      %add3A_236 = arith.constant 0 : i32
      %add3A_237 = arith.addi %mul3A_235, %add3A_236 : i32
      %dma_wait3A_238 = arith.constant 0 : i32
      %dma_wait3A_239 = tpu.memref_slice %arg9[%add3A_237, %dma_wait3A_238] : memref<80x125xi32, #tpu.memory_space<vmem>> -> memref<1x125xi32, #tpu.memory_space<vmem>>
      %dma_wait3A_240 = tpu.memref_squeeze %dma_wait3A_239 : memref<1x125xi32, #tpu.memory_space<vmem>> -> memref<125xi32, #tpu.memory_space<vmem>>
      %dma_wait3A_241 = arith.constant 0 : i32
      %dma_wait3A_242 = arith.constant 0 : i32
      %dma_wait3A_243 = tpu.memref_slice %arg20[%dma_wait3A_241, %dma_wait3A_242] : memref<10000x32xf32, #tpu.memory_space<vmem_shared>> -> memref<10000x32xf32, #tpu.memory_space<vmem_shared>>
      tpu.wait_indirect_dma semaphore(%arg21 : memref<!tpu.dma_semaphore, #tpu.memory_space<semaphore_mem>>) src(%dma_wait3A_243 : memref<10000x32xf32, #tpu.memory_space<vmem_shared>>) dst(%arg11 : memref<125x32xf32, #tpu.memory_space<vmem>>)
      %dma_start3A_244 = arith.constant 0 : i32
      %dma_start3A_245 = tpu.memref_slice %arg10[%add3A_237, %dma_start3A_244] : memref<80x125xi32, #tpu.memory_space<vmem>> -> memref<1x125xi32, #tpu.memory_space<vmem>>
      %dma_start3A_246 = tpu.memref_squeeze %dma_start3A_245 : memref<1x125xi32, #tpu.memory_space<vmem>> -> memref<125xi32, #tpu.memory_space<vmem>>
      %dma_start3A_247 = arith.constant 0 : i32
      %dma_start3A_248 = arith.constant 0 : i32
      %dma_start3A_249 = tpu.memref_slice %arg19[%dma_start3A_247, %dma_start3A_248] : memref<10000x32xf32, #tpu.memory_space<vmem_shared>> -> memref<10000x32xf32, #tpu.memory_space<vmem_shared>>
      tpu.enqueue_indirect_dma source(%arg11 : memref<125x32xf32, #tpu.memory_space<vmem>>) target(%dma_start3A_249 : memref<10000x32xf32, #tpu.memory_space<vmem_shared>>) offsets(%dma_start3A_246 : memref<125xi32, #tpu.memory_space<vmem>>) semaphore(%arg29 : memref<!tpu.dma_semaphore, #tpu.memory_space<semaphore_mem>>) {add = true}
      %dma_start3A_250 = arith.constant 0 : i32
      %dma_start3A_251 = tpu.memref_slice %arg10[%add3A_237, %dma_start3A_250] : memref<80x125xi32, #tpu.memory_space<vmem>> -> memref<1x125xi32, #tpu.memory_space<vmem>>
      %dma_start3A_252 = tpu.memref_squeeze %dma_start3A_251 : memref<1x125xi32, #tpu.memory_space<vmem>> -> memref<125xi32, #tpu.memory_space<vmem>>
      %dma_start3A_253 = arith.constant 0 : i32
      %dma_start3A_254 = arith.constant 0 : i32
      %dma_start3A_255 = tpu.memref_slice %arg38[%dma_start3A_253, %dma_start3A_254] : memref<10000x8xf32, #tpu.memory_space<vmem_shared>> -> memref<10000x8xf32, #tpu.memory_space<vmem_shared>>
      tpu.enqueue_indirect_dma source(%arg37 : memref<125x8xf32, #tpu.memory_space<vmem>>) target(%dma_start3A_255 : memref<10000x8xf32, #tpu.memory_space<vmem_shared>>) offsets(%dma_start3A_252 : memref<125xi32, #tpu.memory_space<vmem>>) semaphore(%arg39 : memref<!tpu.dma_semaphore, #tpu.memory_space<semaphore_mem>>) {add = true}
      %add3A_256 = arith.constant 8 : i32
      %add3A_257 = arith.addi %add3A_237, %add3A_256 : i32
      %lt3A = arith.constant 80 : i32
      %lt3A_258 = arith.cmpi slt, %add3A_257, %lt3A : i32
      %convert_element_type3A = arith.extui %lt3A_258 : i1 to i32
      %cond3A = arith.constant 0 : i32
      %cond3A_259 = arith.cmpi ne, %convert_element_type3A, %cond3A : i32
      scf.if %cond3A_259 {
        %dma_wait3A_464 = arith.constant 0 : i32
        %dma_wait3A_465 = tpu.memref_slice %arg10[%add3A_237, %dma_wait3A_464] : memref<80x125xi32, #tpu.memory_space<vmem>> -> memref<1x125xi32, #tpu.memory_space<vmem>>
        %dma_wait3A_466 = tpu.memref_squeeze %dma_wait3A_465 : memref<1x125xi32, #tpu.memory_space<vmem>> -> memref<125xi32, #tpu.memory_space<vmem>>
        %dma_wait3A_467 = arith.constant 0 : i32
        %dma_wait3A_468 = arith.constant 0 : i32
        %dma_wait3A_469 = tpu.memref_slice %arg19[%dma_wait3A_467, %dma_wait3A_468] : memref<10000x32xf32, #tpu.memory_space<vmem_shared>> -> memref<10000x32xf32, #tpu.memory_space<vmem_shared>>
        tpu.wait_indirect_dma semaphore(%arg29 : memref<!tpu.dma_semaphore, #tpu.memory_space<semaphore_mem>>) src(%arg11 : memref<125x32xf32, #tpu.memory_space<vmem>>) dst(%dma_wait3A_469 : memref<10000x32xf32, #tpu.memory_space<vmem_shared>>)
        %dma_wait3A_470 = arith.constant 0 : i32
        %dma_wait3A_471 = tpu.memref_slice %arg10[%add3A_237, %dma_wait3A_470] : memref<80x125xi32, #tpu.memory_space<vmem>> -> memref<1x125xi32, #tpu.memory_space<vmem>>
        %dma_wait3A_472 = tpu.memref_squeeze %dma_wait3A_471 : memref<1x125xi32, #tpu.memory_space<vmem>> -> memref<125xi32, #tpu.memory_space<vmem>>
        %dma_wait3A_473 = arith.constant 0 : i32
        %dma_wait3A_474 = arith.constant 0 : i32
        %dma_wait3A_475 = tpu.memref_slice %arg38[%dma_wait3A_473, %dma_wait3A_474] : memref<10000x8xf32, #tpu.memory_space<vmem_shared>> -> memref<10000x8xf32, #tpu.memory_space<vmem_shared>>
        tpu.wait_indirect_dma semaphore(%arg39 : memref<!tpu.dma_semaphore, #tpu.memory_space<semaphore_mem>>) src(%arg37 : memref<125x8xf32, #tpu.memory_space<vmem>>) dst(%dma_wait3A_475 : memref<10000x8xf32, #tpu.memory_space<vmem_shared>>)
        %add3A_476 = arith.constant 8 : i32
        %add3A_477 = arith.addi %add3A_237, %add3A_476 : i32
        %dma_start3A_478 = arith.constant 0 : i32
        %dma_start3A_479 = tpu.memref_slice %arg9[%add3A_477, %dma_start3A_478] : memref<80x125xi32, #tpu.memory_space<vmem>> -> memref<1x125xi32, #tpu.memory_space<vmem>>
        %dma_start3A_480 = tpu.memref_squeeze %dma_start3A_479 : memref<1x125xi32, #tpu.memory_space<vmem>> -> memref<125xi32, #tpu.memory_space<vmem>>
        %dma_start3A_481 = arith.constant 0 : i32
        %dma_start3A_482 = arith.constant 0 : i32
        %dma_start3A_483 = tpu.memref_slice %arg20[%dma_start3A_481, %dma_start3A_482] : memref<10000x32xf32, #tpu.memory_space<vmem_shared>> -> memref<10000x32xf32, #tpu.memory_space<vmem_shared>>
        tpu.enqueue_indirect_dma source(%dma_start3A_483 : memref<10000x32xf32, #tpu.memory_space<vmem_shared>>) target(%arg11 : memref<125x32xf32, #tpu.memory_space<vmem>>) offsets(%dma_start3A_480 : memref<125xi32, #tpu.memory_space<vmem>>) semaphore(%arg21 : memref<!tpu.dma_semaphore, #tpu.memory_space<semaphore_mem>>)
      } else {
      }
      %mul3A_260 = arith.constant 8 : i32
      %mul3A_261 = arith.muli %mul3A_260, %scan3A_232 : i32
      %add3A_262 = arith.constant 1 : i32
      %add3A_263 = arith.addi %mul3A_261, %add3A_262 : i32
      %dma_wait3A_264 = arith.constant 0 : i32
      %dma_wait3A_265 = tpu.memref_slice %arg9[%add3A_263, %dma_wait3A_264] : memref<80x125xi32, #tpu.memory_space<vmem>> -> memref<1x125xi32, #tpu.memory_space<vmem>>
      %dma_wait3A_266 = tpu.memref_squeeze %dma_wait3A_265 : memref<1x125xi32, #tpu.memory_space<vmem>> -> memref<125xi32, #tpu.memory_space<vmem>>
      %dma_wait3A_267 = arith.constant 0 : i32
      %dma_wait3A_268 = arith.constant 0 : i32
      %dma_wait3A_269 = tpu.memref_slice %arg20[%dma_wait3A_267, %dma_wait3A_268] : memref<10000x32xf32, #tpu.memory_space<vmem_shared>> -> memref<10000x32xf32, #tpu.memory_space<vmem_shared>>
      tpu.wait_indirect_dma semaphore(%arg22 : memref<!tpu.dma_semaphore, #tpu.memory_space<semaphore_mem>>) src(%dma_wait3A_269 : memref<10000x32xf32, #tpu.memory_space<vmem_shared>>) dst(%arg12 : memref<125x32xf32, #tpu.memory_space<vmem>>)
      %dma_start3A_270 = arith.constant 0 : i32
      %dma_start3A_271 = tpu.memref_slice %arg10[%add3A_263, %dma_start3A_270] : memref<80x125xi32, #tpu.memory_space<vmem>> -> memref<1x125xi32, #tpu.memory_space<vmem>>
      %dma_start3A_272 = tpu.memref_squeeze %dma_start3A_271 : memref<1x125xi32, #tpu.memory_space<vmem>> -> memref<125xi32, #tpu.memory_space<vmem>>
      %dma_start3A_273 = arith.constant 0 : i32
      %dma_start3A_274 = arith.constant 0 : i32
      %dma_start3A_275 = tpu.memref_slice %arg19[%dma_start3A_273, %dma_start3A_274] : memref<10000x32xf32, #tpu.memory_space<vmem_shared>> -> memref<10000x32xf32, #tpu.memory_space<vmem_shared>>
      tpu.enqueue_indirect_dma source(%arg12 : memref<125x32xf32, #tpu.memory_space<vmem>>) target(%dma_start3A_275 : memref<10000x32xf32, #tpu.memory_space<vmem_shared>>) offsets(%dma_start3A_272 : memref<125xi32, #tpu.memory_space<vmem>>) semaphore(%arg30 : memref<!tpu.dma_semaphore, #tpu.memory_space<semaphore_mem>>) {add = true}
      %dma_start3A_276 = arith.constant 0 : i32
      %dma_start3A_277 = tpu.memref_slice %arg10[%add3A_263, %dma_start3A_276] : memref<80x125xi32, #tpu.memory_space<vmem>> -> memref<1x125xi32, #tpu.memory_space<vmem>>
      %dma_start3A_278 = tpu.memref_squeeze %dma_start3A_277 : memref<1x125xi32, #tpu.memory_space<vmem>> -> memref<125xi32, #tpu.memory_space<vmem>>
      %dma_start3A_279 = arith.constant 0 : i32
      %dma_start3A_280 = arith.constant 0 : i32
      %dma_start3A_281 = tpu.memref_slice %arg38[%dma_start3A_279, %dma_start3A_280] : memref<10000x8xf32, #tpu.memory_space<vmem_shared>> -> memref<10000x8xf32, #tpu.memory_space<vmem_shared>>
      tpu.enqueue_indirect_dma source(%arg37 : memref<125x8xf32, #tpu.memory_space<vmem>>) target(%dma_start3A_281 : memref<10000x8xf32, #tpu.memory_space<vmem_shared>>) offsets(%dma_start3A_278 : memref<125xi32, #tpu.memory_space<vmem>>) semaphore(%arg40 : memref<!tpu.dma_semaphore, #tpu.memory_space<semaphore_mem>>) {add = true}
      %add3A_282 = arith.constant 8 : i32
      %add3A_283 = arith.addi %add3A_263, %add3A_282 : i32
      %lt3A_284 = arith.constant 80 : i32
      %lt3A_285 = arith.cmpi slt, %add3A_283, %lt3A_284 : i32
      %convert_element_type3A_286 = arith.extui %lt3A_285 : i1 to i32
      %cond3A_287 = arith.constant 0 : i32
      %cond3A_288 = arith.cmpi ne, %convert_element_type3A_286, %cond3A_287 : i32
      scf.if %cond3A_288 {
        %dma_wait3A_464 = arith.constant 0 : i32
        %dma_wait3A_465 = tpu.memref_slice %arg10[%add3A_263, %dma_wait3A_464] : memref<80x125xi32, #tpu.memory_space<vmem>> -> memref<1x125xi32, #tpu.memory_space<vmem>>
        %dma_wait3A_466 = tpu.memref_squeeze %dma_wait3A_465 : memref<1x125xi32, #tpu.memory_space<vmem>> -> memref<125xi32, #tpu.memory_space<vmem>>
        %dma_wait3A_467 = arith.constant 0 : i32
        %dma_wait3A_468 = arith.constant 0 : i32
        %dma_wait3A_469 = tpu.memref_slice %arg19[%dma_wait3A_467, %dma_wait3A_468] : memref<10000x32xf32, #tpu.memory_space<vmem_shared>> -> memref<10000x32xf32, #tpu.memory_space<vmem_shared>>
        tpu.wait_indirect_dma semaphore(%arg30 : memref<!tpu.dma_semaphore, #tpu.memory_space<semaphore_mem>>) src(%arg12 : memref<125x32xf32, #tpu.memory_space<vmem>>) dst(%dma_wait3A_469 : memref<10000x32xf32, #tpu.memory_space<vmem_shared>>)
        %dma_wait3A_470 = arith.constant 0 : i32
        %dma_wait3A_471 = tpu.memref_slice %arg10[%add3A_263, %dma_wait3A_470] : memref<80x125xi32, #tpu.memory_space<vmem>> -> memref<1x125xi32, #tpu.memory_space<vmem>>
        %dma_wait3A_472 = tpu.memref_squeeze %dma_wait3A_471 : memref<1x125xi32, #tpu.memory_space<vmem>> -> memref<125xi32, #tpu.memory_space<vmem>>
        %dma_wait3A_473 = arith.constant 0 : i32
        %dma_wait3A_474 = arith.constant 0 : i32
        %dma_wait3A_475 = tpu.memref_slice %arg38[%dma_wait3A_473, %dma_wait3A_474] : memref<10000x8xf32, #tpu.memory_space<vmem_shared>> -> memref<10000x8xf32, #tpu.memory_space<vmem_shared>>
        tpu.wait_indirect_dma semaphore(%arg40 : memref<!tpu.dma_semaphore, #tpu.memory_space<semaphore_mem>>) src(%arg37 : memref<125x8xf32, #tpu.memory_space<vmem>>) dst(%dma_wait3A_475 : memref<10000x8xf32, #tpu.memory_space<vmem_shared>>)
        %add3A_476 = arith.constant 8 : i32
        %add3A_477 = arith.addi %add3A_263, %add3A_476 : i32
        %dma_start3A_478 = arith.constant 0 : i32
        %dma_start3A_479 = tpu.memref_slice %arg9[%add3A_477, %dma_start3A_478] : memref<80x125xi32, #tpu.memory_space<vmem>> -> memref<1x125xi32, #tpu.memory_space<vmem>>
        %dma_start3A_480 = tpu.memref_squeeze %dma_start3A_479 : memref<1x125xi32, #tpu.memory_space<vmem>> -> memref<125xi32, #tpu.memory_space<vmem>>
        %dma_start3A_481 = arith.constant 0 : i32
        %dma_start3A_482 = arith.constant 0 : i32
        %dma_start3A_483 = tpu.memref_slice %arg20[%dma_start3A_481, %dma_start3A_482] : memref<10000x32xf32, #tpu.memory_space<vmem_shared>> -> memref<10000x32xf32, #tpu.memory_space<vmem_shared>>
        tpu.enqueue_indirect_dma source(%dma_start3A_483 : memref<10000x32xf32, #tpu.memory_space<vmem_shared>>) target(%arg12 : memref<125x32xf32, #tpu.memory_space<vmem>>) offsets(%dma_start3A_480 : memref<125xi32, #tpu.memory_space<vmem>>) semaphore(%arg22 : memref<!tpu.dma_semaphore, #tpu.memory_space<semaphore_mem>>)
      } else {
      }
      %mul3A_289 = arith.constant 8 : i32
      %mul3A_290 = arith.muli %mul3A_289, %scan3A_232 : i32
      %add3A_291 = arith.constant 2 : i32
      %add3A_292 = arith.addi %mul3A_290, %add3A_291 : i32
      %dma_wait3A_293 = arith.constant 0 : i32
      %dma_wait3A_294 = tpu.memref_slice %arg9[%add3A_292, %dma_wait3A_293] : memref<80x125xi32, #tpu.memory_space<vmem>> -> memref<1x125xi32, #tpu.memory_space<vmem>>
      %dma_wait3A_295 = tpu.memref_squeeze %dma_wait3A_294 : memref<1x125xi32, #tpu.memory_space<vmem>> -> memref<125xi32, #tpu.memory_space<vmem>>
      %dma_wait3A_296 = arith.constant 0 : i32
      %dma_wait3A_297 = arith.constant 0 : i32
      %dma_wait3A_298 = tpu.memref_slice %arg20[%dma_wait3A_296, %dma_wait3A_297] : memref<10000x32xf32, #tpu.memory_space<vmem_shared>> -> memref<10000x32xf32, #tpu.memory_space<vmem_shared>>
      tpu.wait_indirect_dma semaphore(%arg23 : memref<!tpu.dma_semaphore, #tpu.memory_space<semaphore_mem>>) src(%dma_wait3A_298 : memref<10000x32xf32, #tpu.memory_space<vmem_shared>>) dst(%arg13 : memref<125x32xf32, #tpu.memory_space<vmem>>)
      %dma_start3A_299 = arith.constant 0 : i32
      %dma_start3A_300 = tpu.memref_slice %arg10[%add3A_292, %dma_start3A_299] : memref<80x125xi32, #tpu.memory_space<vmem>> -> memref<1x125xi32, #tpu.memory_space<vmem>>
      %dma_start3A_301 = tpu.memref_squeeze %dma_start3A_300 : memref<1x125xi32, #tpu.memory_space<vmem>> -> memref<125xi32, #tpu.memory_space<vmem>>
      %dma_start3A_302 = arith.constant 0 : i32
      %dma_start3A_303 = arith.constant 0 : i32
      %dma_start3A_304 = tpu.memref_slice %arg19[%dma_start3A_302, %dma_start3A_303] : memref<10000x32xf32, #tpu.memory_space<vmem_shared>> -> memref<10000x32xf32, #tpu.memory_space<vmem_shared>>
      tpu.enqueue_indirect_dma source(%arg13 : memref<125x32xf32, #tpu.memory_space<vmem>>) target(%dma_start3A_304 : memref<10000x32xf32, #tpu.memory_space<vmem_shared>>) offsets(%dma_start3A_301 : memref<125xi32, #tpu.memory_space<vmem>>) semaphore(%arg31 : memref<!tpu.dma_semaphore, #tpu.memory_space<semaphore_mem>>) {add = true}
      %dma_start3A_305 = arith.constant 0 : i32
      %dma_start3A_306 = tpu.memref_slice %arg10[%add3A_292, %dma_start3A_305] : memref<80x125xi32, #tpu.memory_space<vmem>> -> memref<1x125xi32, #tpu.memory_space<vmem>>
      %dma_start3A_307 = tpu.memref_squeeze %dma_start3A_306 : memref<1x125xi32, #tpu.memory_space<vmem>> -> memref<125xi32, #tpu.memory_space<vmem>>
      %dma_start3A_308 = arith.constant 0 : i32
      %dma_start3A_309 = arith.constant 0 : i32
      %dma_start3A_310 = tpu.memref_slice %arg38[%dma_start3A_308, %dma_start3A_309] : memref<10000x8xf32, #tpu.memory_space<vmem_shared>> -> memref<10000x8xf32, #tpu.memory_space<vmem_shared>>
      tpu.enqueue_indirect_dma source(%arg37 : memref<125x8xf32, #tpu.memory_space<vmem>>) target(%dma_start3A_310 : memref<10000x8xf32, #tpu.memory_space<vmem_shared>>) offsets(%dma_start3A_307 : memref<125xi32, #tpu.memory_space<vmem>>) semaphore(%arg41 : memref<!tpu.dma_semaphore, #tpu.memory_space<semaphore_mem>>) {add = true}
      %add3A_311 = arith.constant 8 : i32
      %add3A_312 = arith.addi %add3A_292, %add3A_311 : i32
      %lt3A_313 = arith.constant 80 : i32
      %lt3A_314 = arith.cmpi slt, %add3A_312, %lt3A_313 : i32
      %convert_element_type3A_315 = arith.extui %lt3A_314 : i1 to i32
      %cond3A_316 = arith.constant 0 : i32
      %cond3A_317 = arith.cmpi ne, %convert_element_type3A_315, %cond3A_316 : i32
      scf.if %cond3A_317 {
        %dma_wait3A_464 = arith.constant 0 : i32
        %dma_wait3A_465 = tpu.memref_slice %arg10[%add3A_292, %dma_wait3A_464] : memref<80x125xi32, #tpu.memory_space<vmem>> -> memref<1x125xi32, #tpu.memory_space<vmem>>
        %dma_wait3A_466 = tpu.memref_squeeze %dma_wait3A_465 : memref<1x125xi32, #tpu.memory_space<vmem>> -> memref<125xi32, #tpu.memory_space<vmem>>
        %dma_wait3A_467 = arith.constant 0 : i32
        %dma_wait3A_468 = arith.constant 0 : i32
        %dma_wait3A_469 = tpu.memref_slice %arg19[%dma_wait3A_467, %dma_wait3A_468] : memref<10000x32xf32, #tpu.memory_space<vmem_shared>> -> memref<10000x32xf32, #tpu.memory_space<vmem_shared>>
        tpu.wait_indirect_dma semaphore(%arg31 : memref<!tpu.dma_semaphore, #tpu.memory_space<semaphore_mem>>) src(%arg13 : memref<125x32xf32, #tpu.memory_space<vmem>>) dst(%dma_wait3A_469 : memref<10000x32xf32, #tpu.memory_space<vmem_shared>>)
        %dma_wait3A_470 = arith.constant 0 : i32
        %dma_wait3A_471 = tpu.memref_slice %arg10[%add3A_292, %dma_wait3A_470] : memref<80x125xi32, #tpu.memory_space<vmem>> -> memref<1x125xi32, #tpu.memory_space<vmem>>
        %dma_wait3A_472 = tpu.memref_squeeze %dma_wait3A_471 : memref<1x125xi32, #tpu.memory_space<vmem>> -> memref<125xi32, #tpu.memory_space<vmem>>
        %dma_wait3A_473 = arith.constant 0 : i32
        %dma_wait3A_474 = arith.constant 0 : i32
        %dma_wait3A_475 = tpu.memref_slice %arg38[%dma_wait3A_473, %dma_wait3A_474] : memref<10000x8xf32, #tpu.memory_space<vmem_shared>> -> memref<10000x8xf32, #tpu.memory_space<vmem_shared>>
        tpu.wait_indirect_dma semaphore(%arg41 : memref<!tpu.dma_semaphore, #tpu.memory_space<semaphore_mem>>) src(%arg37 : memref<125x8xf32, #tpu.memory_space<vmem>>) dst(%dma_wait3A_475 : memref<10000x8xf32, #tpu.memory_space<vmem_shared>>)
        %add3A_476 = arith.constant 8 : i32
        %add3A_477 = arith.addi %add3A_292, %add3A_476 : i32
        %dma_start3A_478 = arith.constant 0 : i32
        %dma_start3A_479 = tpu.memref_slice %arg9[%add3A_477, %dma_start3A_478] : memref<80x125xi32, #tpu.memory_space<vmem>> -> memref<1x125xi32, #tpu.memory_space<vmem>>
        %dma_start3A_480 = tpu.memref_squeeze %dma_start3A_479 : memref<1x125xi32, #tpu.memory_space<vmem>> -> memref<125xi32, #tpu.memory_space<vmem>>
        %dma_start3A_481 = arith.constant 0 : i32
        %dma_start3A_482 = arith.constant 0 : i32
        %dma_start3A_483 = tpu.memref_slice %arg20[%dma_start3A_481, %dma_start3A_482] : memref<10000x32xf32, #tpu.memory_space<vmem_shared>> -> memref<10000x32xf32, #tpu.memory_space<vmem_shared>>
        tpu.enqueue_indirect_dma source(%dma_start3A_483 : memref<10000x32xf32, #tpu.memory_space<vmem_shared>>) target(%arg13 : memref<125x32xf32, #tpu.memory_space<vmem>>) offsets(%dma_start3A_480 : memref<125xi32, #tpu.memory_space<vmem>>) semaphore(%arg23 : memref<!tpu.dma_semaphore, #tpu.memory_space<semaphore_mem>>)
      } else {
      }
      %mul3A_318 = arith.constant 8 : i32
      %mul3A_319 = arith.muli %mul3A_318, %scan3A_232 : i32
      %add3A_320 = arith.constant 3 : i32
      %add3A_321 = arith.addi %mul3A_319, %add3A_320 : i32
      %dma_wait3A_322 = arith.constant 0 : i32
      %dma_wait3A_323 = tpu.memref_slice %arg9[%add3A_321, %dma_wait3A_322] : memref<80x125xi32, #tpu.memory_space<vmem>> -> memref<1x125xi32, #tpu.memory_space<vmem>>
      %dma_wait3A_324 = tpu.memref_squeeze %dma_wait3A_323 : memref<1x125xi32, #tpu.memory_space<vmem>> -> memref<125xi32, #tpu.memory_space<vmem>>
      %dma_wait3A_325 = arith.constant 0 : i32
      %dma_wait3A_326 = arith.constant 0 : i32
      %dma_wait3A_327 = tpu.memref_slice %arg20[%dma_wait3A_325, %dma_wait3A_326] : memref<10000x32xf32, #tpu.memory_space<vmem_shared>> -> memref<10000x32xf32, #tpu.memory_space<vmem_shared>>
      tpu.wait_indirect_dma semaphore(%arg24 : memref<!tpu.dma_semaphore, #tpu.memory_space<semaphore_mem>>) src(%dma_wait3A_327 : memref<10000x32xf32, #tpu.memory_space<vmem_shared>>) dst(%arg14 : memref<125x32xf32, #tpu.memory_space<vmem>>)
      %dma_start3A_328 = arith.constant 0 : i32
      %dma_start3A_329 = tpu.memref_slice %arg10[%add3A_321, %dma_start3A_328] : memref<80x125xi32, #tpu.memory_space<vmem>> -> memref<1x125xi32, #tpu.memory_space<vmem>>
      %dma_start3A_330 = tpu.memref_squeeze %dma_start3A_329 : memref<1x125xi32, #tpu.memory_space<vmem>> -> memref<125xi32, #tpu.memory_space<vmem>>
      %dma_start3A_331 = arith.constant 0 : i32
      %dma_start3A_332 = arith.constant 0 : i32
      %dma_start3A_333 = tpu.memref_slice %arg19[%dma_start3A_331, %dma_start3A_332] : memref<10000x32xf32, #tpu.memory_space<vmem_shared>> -> memref<10000x32xf32, #tpu.memory_space<vmem_shared>>
      tpu.enqueue_indirect_dma source(%arg14 : memref<125x32xf32, #tpu.memory_space<vmem>>) target(%dma_start3A_333 : memref<10000x32xf32, #tpu.memory_space<vmem_shared>>) offsets(%dma_start3A_330 : memref<125xi32, #tpu.memory_space<vmem>>) semaphore(%arg32 : memref<!tpu.dma_semaphore, #tpu.memory_space<semaphore_mem>>) {add = true}
      %dma_start3A_334 = arith.constant 0 : i32
      %dma_start3A_335 = tpu.memref_slice %arg10[%add3A_321, %dma_start3A_334] : memref<80x125xi32, #tpu.memory_space<vmem>> -> memref<1x125xi32, #tpu.memory_space<vmem>>
      %dma_start3A_336 = tpu.memref_squeeze %dma_start3A_335 : memref<1x125xi32, #tpu.memory_space<vmem>> -> memref<125xi32, #tpu.memory_space<vmem>>
      %dma_start3A_337 = arith.constant 0 : i32
      %dma_start3A_338 = arith.constant 0 : i32
      %dma_start3A_339 = tpu.memref_slice %arg38[%dma_start3A_337, %dma_start3A_338] : memref<10000x8xf32, #tpu.memory_space<vmem_shared>> -> memref<10000x8xf32, #tpu.memory_space<vmem_shared>>
      tpu.enqueue_indirect_dma source(%arg37 : memref<125x8xf32, #tpu.memory_space<vmem>>) target(%dma_start3A_339 : memref<10000x8xf32, #tpu.memory_space<vmem_shared>>) offsets(%dma_start3A_336 : memref<125xi32, #tpu.memory_space<vmem>>) semaphore(%arg42 : memref<!tpu.dma_semaphore, #tpu.memory_space<semaphore_mem>>) {add = true}
      %add3A_340 = arith.constant 8 : i32
      %add3A_341 = arith.addi %add3A_321, %add3A_340 : i32
      %lt3A_342 = arith.constant 80 : i32
      %lt3A_343 = arith.cmpi slt, %add3A_341, %lt3A_342 : i32
      %convert_element_type3A_344 = arith.extui %lt3A_343 : i1 to i32
      %cond3A_345 = arith.constant 0 : i32
      %cond3A_346 = arith.cmpi ne, %convert_element_type3A_344, %cond3A_345 : i32
      scf.if %cond3A_346 {
        %dma_wait3A_464 = arith.constant 0 : i32
        %dma_wait3A_465 = tpu.memref_slice %arg10[%add3A_321, %dma_wait3A_464] : memref<80x125xi32, #tpu.memory_space<vmem>> -> memref<1x125xi32, #tpu.memory_space<vmem>>
        %dma_wait3A_466 = tpu.memref_squeeze %dma_wait3A_465 : memref<1x125xi32, #tpu.memory_space<vmem>> -> memref<125xi32, #tpu.memory_space<vmem>>
        %dma_wait3A_467 = arith.constant 0 : i32
        %dma_wait3A_468 = arith.constant 0 : i32
        %dma_wait3A_469 = tpu.memref_slice %arg19[%dma_wait3A_467, %dma_wait3A_468] : memref<10000x32xf32, #tpu.memory_space<vmem_shared>> -> memref<10000x32xf32, #tpu.memory_space<vmem_shared>>
        tpu.wait_indirect_dma semaphore(%arg32 : memref<!tpu.dma_semaphore, #tpu.memory_space<semaphore_mem>>) src(%arg14 : memref<125x32xf32, #tpu.memory_space<vmem>>) dst(%dma_wait3A_469 : memref<10000x32xf32, #tpu.memory_space<vmem_shared>>)
        %dma_wait3A_470 = arith.constant 0 : i32
        %dma_wait3A_471 = tpu.memref_slice %arg10[%add3A_321, %dma_wait3A_470] : memref<80x125xi32, #tpu.memory_space<vmem>> -> memref<1x125xi32, #tpu.memory_space<vmem>>
        %dma_wait3A_472 = tpu.memref_squeeze %dma_wait3A_471 : memref<1x125xi32, #tpu.memory_space<vmem>> -> memref<125xi32, #tpu.memory_space<vmem>>
        %dma_wait3A_473 = arith.constant 0 : i32
        %dma_wait3A_474 = arith.constant 0 : i32
        %dma_wait3A_475 = tpu.memref_slice %arg38[%dma_wait3A_473, %dma_wait3A_474] : memref<10000x8xf32, #tpu.memory_space<vmem_shared>> -> memref<10000x8xf32, #tpu.memory_space<vmem_shared>>
        tpu.wait_indirect_dma semaphore(%arg42 : memref<!tpu.dma_semaphore, #tpu.memory_space<semaphore_mem>>) src(%arg37 : memref<125x8xf32, #tpu.memory_space<vmem>>) dst(%dma_wait3A_475 : memref<10000x8xf32, #tpu.memory_space<vmem_shared>>)
        %add3A_476 = arith.constant 8 : i32
        %add3A_477 = arith.addi %add3A_321, %add3A_476 : i32
        %dma_start3A_478 = arith.constant 0 : i32
        %dma_start3A_479 = tpu.memref_slice %arg9[%add3A_477, %dma_start3A_478] : memref<80x125xi32, #tpu.memory_space<vmem>> -> memref<1x125xi32, #tpu.memory_space<vmem>>
        %dma_start3A_480 = tpu.memref_squeeze %dma_start3A_479 : memref<1x125xi32, #tpu.memory_space<vmem>> -> memref<125xi32, #tpu.memory_space<vmem>>
        %dma_start3A_481 = arith.constant 0 : i32
        %dma_start3A_482 = arith.constant 0 : i32
        %dma_start3A_483 = tpu.memref_slice %arg20[%dma_start3A_481, %dma_start3A_482] : memref<10000x32xf32, #tpu.memory_space<vmem_shared>> -> memref<10000x32xf32, #tpu.memory_space<vmem_shared>>
        tpu.enqueue_indirect_dma source(%dma_start3A_483 : memref<10000x32xf32, #tpu.memory_space<vmem_shared>>) target(%arg14 : memref<125x32xf32, #tpu.memory_space<vmem>>) offsets(%dma_start3A_480 : memref<125xi32, #tpu.memory_space<vmem>>) semaphore(%arg24 : memref<!tpu.dma_semaphore, #tpu.memory_space<semaphore_mem>>)
      } else {
      }
      %mul3A_347 = arith.constant 8 : i32
      %mul3A_348 = arith.muli %mul3A_347, %scan3A_232 : i32
      %add3A_349 = arith.constant 4 : i32
      %add3A_350 = arith.addi %mul3A_348, %add3A_349 : i32
      %dma_wait3A_351 = arith.constant 0 : i32
      %dma_wait3A_352 = tpu.memref_slice %arg9[%add3A_350, %dma_wait3A_351] : memref<80x125xi32, #tpu.memory_space<vmem>> -> memref<1x125xi32, #tpu.memory_space<vmem>>
      %dma_wait3A_353 = tpu.memref_squeeze %dma_wait3A_352 : memref<1x125xi32, #tpu.memory_space<vmem>> -> memref<125xi32, #tpu.memory_space<vmem>>
      %dma_wait3A_354 = arith.constant 0 : i32
      %dma_wait3A_355 = arith.constant 0 : i32
      %dma_wait3A_356 = tpu.memref_slice %arg20[%dma_wait3A_354, %dma_wait3A_355] : memref<10000x32xf32, #tpu.memory_space<vmem_shared>> -> memref<10000x32xf32, #tpu.memory_space<vmem_shared>>
      tpu.wait_indirect_dma semaphore(%arg25 : memref<!tpu.dma_semaphore, #tpu.memory_space<semaphore_mem>>) src(%dma_wait3A_356 : memref<10000x32xf32, #tpu.memory_space<vmem_shared>>) dst(%arg15 : memref<125x32xf32, #tpu.memory_space<vmem>>)
      %dma_start3A_357 = arith.constant 0 : i32
      %dma_start3A_358 = tpu.memref_slice %arg10[%add3A_350, %dma_start3A_357] : memref<80x125xi32, #tpu.memory_space<vmem>> -> memref<1x125xi32, #tpu.memory_space<vmem>>
      %dma_start3A_359 = tpu.memref_squeeze %dma_start3A_358 : memref<1x125xi32, #tpu.memory_space<vmem>> -> memref<125xi32, #tpu.memory_space<vmem>>
      %dma_start3A_360 = arith.constant 0 : i32
      %dma_start3A_361 = arith.constant 0 : i32
      %dma_start3A_362 = tpu.memref_slice %arg19[%dma_start3A_360, %dma_start3A_361] : memref<10000x32xf32, #tpu.memory_space<vmem_shared>> -> memref<10000x32xf32, #tpu.memory_space<vmem_shared>>
      tpu.enqueue_indirect_dma source(%arg15 : memref<125x32xf32, #tpu.memory_space<vmem>>) target(%dma_start3A_362 : memref<10000x32xf32, #tpu.memory_space<vmem_shared>>) offsets(%dma_start3A_359 : memref<125xi32, #tpu.memory_space<vmem>>) semaphore(%arg33 : memref<!tpu.dma_semaphore, #tpu.memory_space<semaphore_mem>>) {add = true}
      %dma_start3A_363 = arith.constant 0 : i32
      %dma_start3A_364 = tpu.memref_slice %arg10[%add3A_350, %dma_start3A_363] : memref<80x125xi32, #tpu.memory_space<vmem>> -> memref<1x125xi32, #tpu.memory_space<vmem>>
      %dma_start3A_365 = tpu.memref_squeeze %dma_start3A_364 : memref<1x125xi32, #tpu.memory_space<vmem>> -> memref<125xi32, #tpu.memory_space<vmem>>
      %dma_start3A_366 = arith.constant 0 : i32
      %dma_start3A_367 = arith.constant 0 : i32
      %dma_start3A_368 = tpu.memref_slice %arg38[%dma_start3A_366, %dma_start3A_367] : memref<10000x8xf32, #tpu.memory_space<vmem_shared>> -> memref<10000x8xf32, #tpu.memory_space<vmem_shared>>
      tpu.enqueue_indirect_dma source(%arg37 : memref<125x8xf32, #tpu.memory_space<vmem>>) target(%dma_start3A_368 : memref<10000x8xf32, #tpu.memory_space<vmem_shared>>) offsets(%dma_start3A_365 : memref<125xi32, #tpu.memory_space<vmem>>) semaphore(%arg43 : memref<!tpu.dma_semaphore, #tpu.memory_space<semaphore_mem>>) {add = true}
      %add3A_369 = arith.constant 8 : i32
      %add3A_370 = arith.addi %add3A_350, %add3A_369 : i32
      %lt3A_371 = arith.constant 80 : i32
      %lt3A_372 = arith.cmpi slt, %add3A_370, %lt3A_371 : i32
      %convert_element_type3A_373 = arith.extui %lt3A_372 : i1 to i32
      %cond3A_374 = arith.constant 0 : i32
      %cond3A_375 = arith.cmpi ne, %convert_element_type3A_373, %cond3A_374 : i32
      scf.if %cond3A_375 {
        %dma_wait3A_464 = arith.constant 0 : i32
        %dma_wait3A_465 = tpu.memref_slice %arg10[%add3A_350, %dma_wait3A_464] : memref<80x125xi32, #tpu.memory_space<vmem>> -> memref<1x125xi32, #tpu.memory_space<vmem>>
        %dma_wait3A_466 = tpu.memref_squeeze %dma_wait3A_465 : memref<1x125xi32, #tpu.memory_space<vmem>> -> memref<125xi32, #tpu.memory_space<vmem>>
        %dma_wait3A_467 = arith.constant 0 : i32
        %dma_wait3A_468 = arith.constant 0 : i32
        %dma_wait3A_469 = tpu.memref_slice %arg19[%dma_wait3A_467, %dma_wait3A_468] : memref<10000x32xf32, #tpu.memory_space<vmem_shared>> -> memref<10000x32xf32, #tpu.memory_space<vmem_shared>>
        tpu.wait_indirect_dma semaphore(%arg33 : memref<!tpu.dma_semaphore, #tpu.memory_space<semaphore_mem>>) src(%arg15 : memref<125x32xf32, #tpu.memory_space<vmem>>) dst(%dma_wait3A_469 : memref<10000x32xf32, #tpu.memory_space<vmem_shared>>)
        %dma_wait3A_470 = arith.constant 0 : i32
        %dma_wait3A_471 = tpu.memref_slice %arg10[%add3A_350, %dma_wait3A_470] : memref<80x125xi32, #tpu.memory_space<vmem>> -> memref<1x125xi32, #tpu.memory_space<vmem>>
        %dma_wait3A_472 = tpu.memref_squeeze %dma_wait3A_471 : memref<1x125xi32, #tpu.memory_space<vmem>> -> memref<125xi32, #tpu.memory_space<vmem>>
        %dma_wait3A_473 = arith.constant 0 : i32
        %dma_wait3A_474 = arith.constant 0 : i32
        %dma_wait3A_475 = tpu.memref_slice %arg38[%dma_wait3A_473, %dma_wait3A_474] : memref<10000x8xf32, #tpu.memory_space<vmem_shared>> -> memref<10000x8xf32, #tpu.memory_space<vmem_shared>>
        tpu.wait_indirect_dma semaphore(%arg43 : memref<!tpu.dma_semaphore, #tpu.memory_space<semaphore_mem>>) src(%arg37 : memref<125x8xf32, #tpu.memory_space<vmem>>) dst(%dma_wait3A_475 : memref<10000x8xf32, #tpu.memory_space<vmem_shared>>)
        %add3A_476 = arith.constant 8 : i32
        %add3A_477 = arith.addi %add3A_350, %add3A_476 : i32
        %dma_start3A_478 = arith.constant 0 : i32
        %dma_start3A_479 = tpu.memref_slice %arg9[%add3A_477, %dma_start3A_478] : memref<80x125xi32, #tpu.memory_space<vmem>> -> memref<1x125xi32, #tpu.memory_space<vmem>>
        %dma_start3A_480 = tpu.memref_squeeze %dma_start3A_479 : memref<1x125xi32, #tpu.memory_space<vmem>> -> memref<125xi32, #tpu.memory_space<vmem>>
        %dma_start3A_481 = arith.constant 0 : i32
        %dma_start3A_482 = arith.constant 0 : i32
        %dma_start3A_483 = tpu.memref_slice %arg20[%dma_start3A_481, %dma_start3A_482] : memref<10000x32xf32, #tpu.memory_space<vmem_shared>> -> memref<10000x32xf32, #tpu.memory_space<vmem_shared>>
        tpu.enqueue_indirect_dma source(%dma_start3A_483 : memref<10000x32xf32, #tpu.memory_space<vmem_shared>>) target(%arg15 : memref<125x32xf32, #tpu.memory_space<vmem>>) offsets(%dma_start3A_480 : memref<125xi32, #tpu.memory_space<vmem>>) semaphore(%arg25 : memref<!tpu.dma_semaphore, #tpu.memory_space<semaphore_mem>>)
      } else {
      }
      %mul3A_376 = arith.constant 8 : i32
      %mul3A_377 = arith.muli %mul3A_376, %scan3A_232 : i32
      %add3A_378 = arith.constant 5 : i32
      %add3A_379 = arith.addi %mul3A_377, %add3A_378 : i32
      %dma_wait3A_380 = arith.constant 0 : i32
      %dma_wait3A_381 = tpu.memref_slice %arg9[%add3A_379, %dma_wait3A_380] : memref<80x125xi32, #tpu.memory_space<vmem>> -> memref<1x125xi32, #tpu.memory_space<vmem>>
      %dma_wait3A_382 = tpu.memref_squeeze %dma_wait3A_381 : memref<1x125xi32, #tpu.memory_space<vmem>> -> memref<125xi32, #tpu.memory_space<vmem>>
      %dma_wait3A_383 = arith.constant 0 : i32
      %dma_wait3A_384 = arith.constant 0 : i32
      %dma_wait3A_385 = tpu.memref_slice %arg20[%dma_wait3A_383, %dma_wait3A_384] : memref<10000x32xf32, #tpu.memory_space<vmem_shared>> -> memref<10000x32xf32, #tpu.memory_space<vmem_shared>>
      tpu.wait_indirect_dma semaphore(%arg26 : memref<!tpu.dma_semaphore, #tpu.memory_space<semaphore_mem>>) src(%dma_wait3A_385 : memref<10000x32xf32, #tpu.memory_space<vmem_shared>>) dst(%arg16 : memref<125x32xf32, #tpu.memory_space<vmem>>)
      %dma_start3A_386 = arith.constant 0 : i32
      %dma_start3A_387 = tpu.memref_slice %arg10[%add3A_379, %dma_start3A_386] : memref<80x125xi32, #tpu.memory_space<vmem>> -> memref<1x125xi32, #tpu.memory_space<vmem>>
      %dma_start3A_388 = tpu.memref_squeeze %dma_start3A_387 : memref<1x125xi32, #tpu.memory_space<vmem>> -> memref<125xi32, #tpu.memory_space<vmem>>
      %dma_start3A_389 = arith.constant 0 : i32
      %dma_start3A_390 = arith.constant 0 : i32
      %dma_start3A_391 = tpu.memref_slice %arg19[%dma_start3A_389, %dma_start3A_390] : memref<10000x32xf32, #tpu.memory_space<vmem_shared>> -> memref<10000x32xf32, #tpu.memory_space<vmem_shared>>
      tpu.enqueue_indirect_dma source(%arg16 : memref<125x32xf32, #tpu.memory_space<vmem>>) target(%dma_start3A_391 : memref<10000x32xf32, #tpu.memory_space<vmem_shared>>) offsets(%dma_start3A_388 : memref<125xi32, #tpu.memory_space<vmem>>) semaphore(%arg34 : memref<!tpu.dma_semaphore, #tpu.memory_space<semaphore_mem>>) {add = true}
      %dma_start3A_392 = arith.constant 0 : i32
      %dma_start3A_393 = tpu.memref_slice %arg10[%add3A_379, %dma_start3A_392] : memref<80x125xi32, #tpu.memory_space<vmem>> -> memref<1x125xi32, #tpu.memory_space<vmem>>
      %dma_start3A_394 = tpu.memref_squeeze %dma_start3A_393 : memref<1x125xi32, #tpu.memory_space<vmem>> -> memref<125xi32, #tpu.memory_space<vmem>>
      %dma_start3A_395 = arith.constant 0 : i32
      %dma_start3A_396 = arith.constant 0 : i32
      %dma_start3A_397 = tpu.memref_slice %arg38[%dma_start3A_395, %dma_start3A_396] : memref<10000x8xf32, #tpu.memory_space<vmem_shared>> -> memref<10000x8xf32, #tpu.memory_space<vmem_shared>>
      tpu.enqueue_indirect_dma source(%arg37 : memref<125x8xf32, #tpu.memory_space<vmem>>) target(%dma_start3A_397 : memref<10000x8xf32, #tpu.memory_space<vmem_shared>>) offsets(%dma_start3A_394 : memref<125xi32, #tpu.memory_space<vmem>>) semaphore(%arg44 : memref<!tpu.dma_semaphore, #tpu.memory_space<semaphore_mem>>) {add = true}
      %add3A_398 = arith.constant 8 : i32
      %add3A_399 = arith.addi %add3A_379, %add3A_398 : i32
      %lt3A_400 = arith.constant 80 : i32
      %lt3A_401 = arith.cmpi slt, %add3A_399, %lt3A_400 : i32
      %convert_element_type3A_402 = arith.extui %lt3A_401 : i1 to i32
      %cond3A_403 = arith.constant 0 : i32
      %cond3A_404 = arith.cmpi ne, %convert_element_type3A_402, %cond3A_403 : i32
      scf.if %cond3A_404 {
        %dma_wait3A_464 = arith.constant 0 : i32
        %dma_wait3A_465 = tpu.memref_slice %arg10[%add3A_379, %dma_wait3A_464] : memref<80x125xi32, #tpu.memory_space<vmem>> -> memref<1x125xi32, #tpu.memory_space<vmem>>
        %dma_wait3A_466 = tpu.memref_squeeze %dma_wait3A_465 : memref<1x125xi32, #tpu.memory_space<vmem>> -> memref<125xi32, #tpu.memory_space<vmem>>
        %dma_wait3A_467 = arith.constant 0 : i32
        %dma_wait3A_468 = arith.constant 0 : i32
        %dma_wait3A_469 = tpu.memref_slice %arg19[%dma_wait3A_467, %dma_wait3A_468] : memref<10000x32xf32, #tpu.memory_space<vmem_shared>> -> memref<10000x32xf32, #tpu.memory_space<vmem_shared>>
        tpu.wait_indirect_dma semaphore(%arg34 : memref<!tpu.dma_semaphore, #tpu.memory_space<semaphore_mem>>) src(%arg16 : memref<125x32xf32, #tpu.memory_space<vmem>>) dst(%dma_wait3A_469 : memref<10000x32xf32, #tpu.memory_space<vmem_shared>>)
        %dma_wait3A_470 = arith.constant 0 : i32
        %dma_wait3A_471 = tpu.memref_slice %arg10[%add3A_379, %dma_wait3A_470] : memref<80x125xi32, #tpu.memory_space<vmem>> -> memref<1x125xi32, #tpu.memory_space<vmem>>
        %dma_wait3A_472 = tpu.memref_squeeze %dma_wait3A_471 : memref<1x125xi32, #tpu.memory_space<vmem>> -> memref<125xi32, #tpu.memory_space<vmem>>
        %dma_wait3A_473 = arith.constant 0 : i32
        %dma_wait3A_474 = arith.constant 0 : i32
        %dma_wait3A_475 = tpu.memref_slice %arg38[%dma_wait3A_473, %dma_wait3A_474] : memref<10000x8xf32, #tpu.memory_space<vmem_shared>> -> memref<10000x8xf32, #tpu.memory_space<vmem_shared>>
        tpu.wait_indirect_dma semaphore(%arg44 : memref<!tpu.dma_semaphore, #tpu.memory_space<semaphore_mem>>) src(%arg37 : memref<125x8xf32, #tpu.memory_space<vmem>>) dst(%dma_wait3A_475 : memref<10000x8xf32, #tpu.memory_space<vmem_shared>>)
        %add3A_476 = arith.constant 8 : i32
        %add3A_477 = arith.addi %add3A_379, %add3A_476 : i32
        %dma_start3A_478 = arith.constant 0 : i32
        %dma_start3A_479 = tpu.memref_slice %arg9[%add3A_477, %dma_start3A_478] : memref<80x125xi32, #tpu.memory_space<vmem>> -> memref<1x125xi32, #tpu.memory_space<vmem>>
        %dma_start3A_480 = tpu.memref_squeeze %dma_start3A_479 : memref<1x125xi32, #tpu.memory_space<vmem>> -> memref<125xi32, #tpu.memory_space<vmem>>
        %dma_start3A_481 = arith.constant 0 : i32
        %dma_start3A_482 = arith.constant 0 : i32
        %dma_start3A_483 = tpu.memref_slice %arg20[%dma_start3A_481, %dma_start3A_482] : memref<10000x32xf32, #tpu.memory_space<vmem_shared>> -> memref<10000x32xf32, #tpu.memory_space<vmem_shared>>
        tpu.enqueue_indirect_dma source(%dma_start3A_483 : memref<10000x32xf32, #tpu.memory_space<vmem_shared>>) target(%arg16 : memref<125x32xf32, #tpu.memory_space<vmem>>) offsets(%dma_start3A_480 : memref<125xi32, #tpu.memory_space<vmem>>) semaphore(%arg26 : memref<!tpu.dma_semaphore, #tpu.memory_space<semaphore_mem>>)
      } else {
      }
      %mul3A_405 = arith.constant 8 : i32
      %mul3A_406 = arith.muli %mul3A_405, %scan3A_232 : i32
      %add3A_407 = arith.constant 6 : i32
      %add3A_408 = arith.addi %mul3A_406, %add3A_407 : i32
      %dma_wait3A_409 = arith.constant 0 : i32
      %dma_wait3A_410 = tpu.memref_slice %arg9[%add3A_408, %dma_wait3A_409] : memref<80x125xi32, #tpu.memory_space<vmem>> -> memref<1x125xi32, #tpu.memory_space<vmem>>
      %dma_wait3A_411 = tpu.memref_squeeze %dma_wait3A_410 : memref<1x125xi32, #tpu.memory_space<vmem>> -> memref<125xi32, #tpu.memory_space<vmem>>
      %dma_wait3A_412 = arith.constant 0 : i32
      %dma_wait3A_413 = arith.constant 0 : i32
      %dma_wait3A_414 = tpu.memref_slice %arg20[%dma_wait3A_412, %dma_wait3A_413] : memref<10000x32xf32, #tpu.memory_space<vmem_shared>> -> memref<10000x32xf32, #tpu.memory_space<vmem_shared>>
      tpu.wait_indirect_dma semaphore(%arg27 : memref<!tpu.dma_semaphore, #tpu.memory_space<semaphore_mem>>) src(%dma_wait3A_414 : memref<10000x32xf32, #tpu.memory_space<vmem_shared>>) dst(%arg17 : memref<125x32xf32, #tpu.memory_space<vmem>>)
      %dma_start3A_415 = arith.constant 0 : i32
      %dma_start3A_416 = tpu.memref_slice %arg10[%add3A_408, %dma_start3A_415] : memref<80x125xi32, #tpu.memory_space<vmem>> -> memref<1x125xi32, #tpu.memory_space<vmem>>
      %dma_start3A_417 = tpu.memref_squeeze %dma_start3A_416 : memref<1x125xi32, #tpu.memory_space<vmem>> -> memref<125xi32, #tpu.memory_space<vmem>>
      %dma_start3A_418 = arith.constant 0 : i32
      %dma_start3A_419 = arith.constant 0 : i32
      %dma_start3A_420 = tpu.memref_slice %arg19[%dma_start3A_418, %dma_start3A_419] : memref<10000x32xf32, #tpu.memory_space<vmem_shared>> -> memref<10000x32xf32, #tpu.memory_space<vmem_shared>>
      tpu.enqueue_indirect_dma source(%arg17 : memref<125x32xf32, #tpu.memory_space<vmem>>) target(%dma_start3A_420 : memref<10000x32xf32, #tpu.memory_space<vmem_shared>>) offsets(%dma_start3A_417 : memref<125xi32, #tpu.memory_space<vmem>>) semaphore(%arg35 : memref<!tpu.dma_semaphore, #tpu.memory_space<semaphore_mem>>) {add = true}
      %dma_start3A_421 = arith.constant 0 : i32
      %dma_start3A_422 = tpu.memref_slice %arg10[%add3A_408, %dma_start3A_421] : memref<80x125xi32, #tpu.memory_space<vmem>> -> memref<1x125xi32, #tpu.memory_space<vmem>>
      %dma_start3A_423 = tpu.memref_squeeze %dma_start3A_422 : memref<1x125xi32, #tpu.memory_space<vmem>> -> memref<125xi32, #tpu.memory_space<vmem>>
      %dma_start3A_424 = arith.constant 0 : i32
      %dma_start3A_425 = arith.constant 0 : i32
      %dma_start3A_426 = tpu.memref_slice %arg38[%dma_start3A_424, %dma_start3A_425] : memref<10000x8xf32, #tpu.memory_space<vmem_shared>> -> memref<10000x8xf32, #tpu.memory_space<vmem_shared>>
      tpu.enqueue_indirect_dma source(%arg37 : memref<125x8xf32, #tpu.memory_space<vmem>>) target(%dma_start3A_426 : memref<10000x8xf32, #tpu.memory_space<vmem_shared>>) offsets(%dma_start3A_423 : memref<125xi32, #tpu.memory_space<vmem>>) semaphore(%arg45 : memref<!tpu.dma_semaphore, #tpu.memory_space<semaphore_mem>>) {add = true}
      %add3A_427 = arith.constant 8 : i32
      %add3A_428 = arith.addi %add3A_408, %add3A_427 : i32
      %lt3A_429 = arith.constant 80 : i32
      %lt3A_430 = arith.cmpi slt, %add3A_428, %lt3A_429 : i32
      %convert_element_type3A_431 = arith.extui %lt3A_430 : i1 to i32
      %cond3A_432 = arith.constant 0 : i32
      %cond3A_433 = arith.cmpi ne, %convert_element_type3A_431, %cond3A_432 : i32
      scf.if %cond3A_433 {
        %dma_wait3A_464 = arith.constant 0 : i32
        %dma_wait3A_465 = tpu.memref_slice %arg10[%add3A_408, %dma_wait3A_464] : memref<80x125xi32, #tpu.memory_space<vmem>> -> memref<1x125xi32, #tpu.memory_space<vmem>>
        %dma_wait3A_466 = tpu.memref_squeeze %dma_wait3A_465 : memref<1x125xi32, #tpu.memory_space<vmem>> -> memref<125xi32, #tpu.memory_space<vmem>>
        %dma_wait3A_467 = arith.constant 0 : i32
        %dma_wait3A_468 = arith.constant 0 : i32
        %dma_wait3A_469 = tpu.memref_slice %arg19[%dma_wait3A_467, %dma_wait3A_468] : memref<10000x32xf32, #tpu.memory_space<vmem_shared>> -> memref<10000x32xf32, #tpu.memory_space<vmem_shared>>
        tpu.wait_indirect_dma semaphore(%arg35 : memref<!tpu.dma_semaphore, #tpu.memory_space<semaphore_mem>>) src(%arg17 : memref<125x32xf32, #tpu.memory_space<vmem>>) dst(%dma_wait3A_469 : memref<10000x32xf32, #tpu.memory_space<vmem_shared>>)
        %dma_wait3A_470 = arith.constant 0 : i32
        %dma_wait3A_471 = tpu.memref_slice %arg10[%add3A_408, %dma_wait3A_470] : memref<80x125xi32, #tpu.memory_space<vmem>> -> memref<1x125xi32, #tpu.memory_space<vmem>>
        %dma_wait3A_472 = tpu.memref_squeeze %dma_wait3A_471 : memref<1x125xi32, #tpu.memory_space<vmem>> -> memref<125xi32, #tpu.memory_space<vmem>>
        %dma_wait3A_473 = arith.constant 0 : i32
        %dma_wait3A_474 = arith.constant 0 : i32
        %dma_wait3A_475 = tpu.memref_slice %arg38[%dma_wait3A_473, %dma_wait3A_474] : memref<10000x8xf32, #tpu.memory_space<vmem_shared>> -> memref<10000x8xf32, #tpu.memory_space<vmem_shared>>
        tpu.wait_indirect_dma semaphore(%arg45 : memref<!tpu.dma_semaphore, #tpu.memory_space<semaphore_mem>>) src(%arg37 : memref<125x8xf32, #tpu.memory_space<vmem>>) dst(%dma_wait3A_475 : memref<10000x8xf32, #tpu.memory_space<vmem_shared>>)
        %add3A_476 = arith.constant 8 : i32
        %add3A_477 = arith.addi %add3A_408, %add3A_476 : i32
        %dma_start3A_478 = arith.constant 0 : i32
        %dma_start3A_479 = tpu.memref_slice %arg9[%add3A_477, %dma_start3A_478] : memref<80x125xi32, #tpu.memory_space<vmem>> -> memref<1x125xi32, #tpu.memory_space<vmem>>
        %dma_start3A_480 = tpu.memref_squeeze %dma_start3A_479 : memref<1x125xi32, #tpu.memory_space<vmem>> -> memref<125xi32, #tpu.memory_space<vmem>>
        %dma_start3A_481 = arith.constant 0 : i32
        %dma_start3A_482 = arith.constant 0 : i32
        %dma_start3A_483 = tpu.memref_slice %arg20[%dma_start3A_481, %dma_start3A_482] : memref<10000x32xf32, #tpu.memory_space<vmem_shared>> -> memref<10000x32xf32, #tpu.memory_space<vmem_shared>>
        tpu.enqueue_indirect_dma source(%dma_start3A_483 : memref<10000x32xf32, #tpu.memory_space<vmem_shared>>) target(%arg17 : memref<125x32xf32, #tpu.memory_space<vmem>>) offsets(%dma_start3A_480 : memref<125xi32, #tpu.memory_space<vmem>>) semaphore(%arg27 : memref<!tpu.dma_semaphore, #tpu.memory_space<semaphore_mem>>)
      } else {
      }
      %mul3A_434 = arith.constant 8 : i32
      %mul3A_435 = arith.muli %mul3A_434, %scan3A_232 : i32
      %add3A_436 = arith.constant 7 : i32
      %add3A_437 = arith.addi %mul3A_435, %add3A_436 : i32
      %dma_wait3A_438 = arith.constant 0 : i32
      %dma_wait3A_439 = tpu.memref_slice %arg9[%add3A_437, %dma_wait3A_438] : memref<80x125xi32, #tpu.memory_space<vmem>> -> memref<1x125xi32, #tpu.memory_space<vmem>>
      %dma_wait3A_440 = tpu.memref_squeeze %dma_wait3A_439 : memref<1x125xi32, #tpu.memory_space<vmem>> -> memref<125xi32, #tpu.memory_space<vmem>>
      %dma_wait3A_441 = arith.constant 0 : i32
      %dma_wait3A_442 = arith.constant 0 : i32
      %dma_wait3A_443 = tpu.memref_slice %arg20[%dma_wait3A_441, %dma_wait3A_442] : memref<10000x32xf32, #tpu.memory_space<vmem_shared>> -> memref<10000x32xf32, #tpu.memory_space<vmem_shared>>
      tpu.wait_indirect_dma semaphore(%arg28 : memref<!tpu.dma_semaphore, #tpu.memory_space<semaphore_mem>>) src(%dma_wait3A_443 : memref<10000x32xf32, #tpu.memory_space<vmem_shared>>) dst(%arg18 : memref<125x32xf32, #tpu.memory_space<vmem>>)
      %dma_start3A_444 = arith.constant 0 : i32
      %dma_start3A_445 = tpu.memref_slice %arg10[%add3A_437, %dma_start3A_444] : memref<80x125xi32, #tpu.memory_space<vmem>> -> memref<1x125xi32, #tpu.memory_space<vmem>>
      %dma_start3A_446 = tpu.memref_squeeze %dma_start3A_445 : memref<1x125xi32, #tpu.memory_space<vmem>> -> memref<125xi32, #tpu.memory_space<vmem>>
      %dma_start3A_447 = arith.constant 0 : i32
      %dma_start3A_448 = arith.constant 0 : i32
      %dma_start3A_449 = tpu.memref_slice %arg19[%dma_start3A_447, %dma_start3A_448] : memref<10000x32xf32, #tpu.memory_space<vmem_shared>> -> memref<10000x32xf32, #tpu.memory_space<vmem_shared>>
      tpu.enqueue_indirect_dma source(%arg18 : memref<125x32xf32, #tpu.memory_space<vmem>>) target(%dma_start3A_449 : memref<10000x32xf32, #tpu.memory_space<vmem_shared>>) offsets(%dma_start3A_446 : memref<125xi32, #tpu.memory_space<vmem>>) semaphore(%arg36 : memref<!tpu.dma_semaphore, #tpu.memory_space<semaphore_mem>>) {add = true}
      %dma_start3A_450 = arith.constant 0 : i32
      %dma_start3A_451 = tpu.memref_slice %arg10[%add3A_437, %dma_start3A_450] : memref<80x125xi32, #tpu.memory_space<vmem>> -> memref<1x125xi32, #tpu.memory_space<vmem>>
      %dma_start3A_452 = tpu.memref_squeeze %dma_start3A_451 : memref<1x125xi32, #tpu.memory_space<vmem>> -> memref<125xi32, #tpu.memory_space<vmem>>
      %dma_start3A_453 = arith.constant 0 : i32
      %dma_start3A_454 = arith.constant 0 : i32
      %dma_start3A_455 = tpu.memref_slice %arg38[%dma_start3A_453, %dma_start3A_454] : memref<10000x8xf32, #tpu.memory_space<vmem_shared>> -> memref<10000x8xf32, #tpu.memory_space<vmem_shared>>
      tpu.enqueue_indirect_dma source(%arg37 : memref<125x8xf32, #tpu.memory_space<vmem>>) target(%dma_start3A_455 : memref<10000x8xf32, #tpu.memory_space<vmem_shared>>) offsets(%dma_start3A_452 : memref<125xi32, #tpu.memory_space<vmem>>) semaphore(%arg46 : memref<!tpu.dma_semaphore, #tpu.memory_space<semaphore_mem>>) {add = true}
      %add3A_456 = arith.constant 8 : i32
      %add3A_457 = arith.addi %add3A_437, %add3A_456 : i32
      %lt3A_458 = arith.constant 80 : i32
      %lt3A_459 = arith.cmpi slt, %add3A_457, %lt3A_458 : i32
      %convert_element_type3A_460 = arith.extui %lt3A_459 : i1 to i32
      %cond3A_461 = arith.constant 0 : i32
      %cond3A_462 = arith.cmpi ne, %convert_element_type3A_460, %cond3A_461 : i32
      scf.if %cond3A_462 {
        %dma_wait3A_464 = arith.constant 0 : i32
        %dma_wait3A_465 = tpu.memref_slice %arg10[%add3A_437, %dma_wait3A_464] : memref<80x125xi32, #tpu.memory_space<vmem>> -> memref<1x125xi32, #tpu.memory_space<vmem>>
        %dma_wait3A_466 = tpu.memref_squeeze %dma_wait3A_465 : memref<1x125xi32, #tpu.memory_space<vmem>> -> memref<125xi32, #tpu.memory_space<vmem>>
        %dma_wait3A_467 = arith.constant 0 : i32
        %dma_wait3A_468 = arith.constant 0 : i32
        %dma_wait3A_469 = tpu.memref_slice %arg19[%dma_wait3A_467, %dma_wait3A_468] : memref<10000x32xf32, #tpu.memory_space<vmem_shared>> -> memref<10000x32xf32, #tpu.memory_space<vmem_shared>>
        tpu.wait_indirect_dma semaphore(%arg36 : memref<!tpu.dma_semaphore, #tpu.memory_space<semaphore_mem>>) src(%arg18 : memref<125x32xf32, #tpu.memory_space<vmem>>) dst(%dma_wait3A_469 : memref<10000x32xf32, #tpu.memory_space<vmem_shared>>)
        %dma_wait3A_470 = arith.constant 0 : i32
        %dma_wait3A_471 = tpu.memref_slice %arg10[%add3A_437, %dma_wait3A_470] : memref<80x125xi32, #tpu.memory_space<vmem>> -> memref<1x125xi32, #tpu.memory_space<vmem>>
        %dma_wait3A_472 = tpu.memref_squeeze %dma_wait3A_471 : memref<1x125xi32, #tpu.memory_space<vmem>> -> memref<125xi32, #tpu.memory_space<vmem>>
        %dma_wait3A_473 = arith.constant 0 : i32
        %dma_wait3A_474 = arith.constant 0 : i32
        %dma_wait3A_475 = tpu.memref_slice %arg38[%dma_wait3A_473, %dma_wait3A_474] : memref<10000x8xf32, #tpu.memory_space<vmem_shared>> -> memref<10000x8xf32, #tpu.memory_space<vmem_shared>>
        tpu.wait_indirect_dma semaphore(%arg46 : memref<!tpu.dma_semaphore, #tpu.memory_space<semaphore_mem>>) src(%arg37 : memref<125x8xf32, #tpu.memory_space<vmem>>) dst(%dma_wait3A_475 : memref<10000x8xf32, #tpu.memory_space<vmem_shared>>)
        %add3A_476 = arith.constant 8 : i32
        %add3A_477 = arith.addi %add3A_437, %add3A_476 : i32
        %dma_start3A_478 = arith.constant 0 : i32
        %dma_start3A_479 = tpu.memref_slice %arg9[%add3A_477, %dma_start3A_478] : memref<80x125xi32, #tpu.memory_space<vmem>> -> memref<1x125xi32, #tpu.memory_space<vmem>>
        %dma_start3A_480 = tpu.memref_squeeze %dma_start3A_479 : memref<1x125xi32, #tpu.memory_space<vmem>> -> memref<125xi32, #tpu.memory_space<vmem>>
        %dma_start3A_481 = arith.constant 0 : i32
        %dma_start3A_482 = arith.constant 0 : i32
        %dma_start3A_483 = tpu.memref_slice %arg20[%dma_start3A_481, %dma_start3A_482] : memref<10000x32xf32, #tpu.memory_space<vmem_shared>> -> memref<10000x32xf32, #tpu.memory_space<vmem_shared>>
        tpu.enqueue_indirect_dma source(%dma_start3A_483 : memref<10000x32xf32, #tpu.memory_space<vmem_shared>>) target(%arg18 : memref<125x32xf32, #tpu.memory_space<vmem>>) offsets(%dma_start3A_480 : memref<125xi32, #tpu.memory_space<vmem>>) semaphore(%arg28 : memref<!tpu.dma_semaphore, #tpu.memory_space<semaphore_mem>>)
      } else {
      }
      %scan3A_463 = arith.constant 0 : i32
      scf.yield %scan3A_463 : i32
    }
    %scan3A_118 = arith.constant 10 : i32
    %dma_wait3A_119 = arith.constant 72 : i32
    %dma_wait3A_120 = arith.constant 0 : i32
    %dma_wait3A_121 = tpu.memref_slice %arg10[%dma_wait3A_119, %dma_wait3A_120] : memref<80x125xi32, #tpu.memory_space<vmem>> -> memref<1x125xi32, #tpu.memory_space<vmem>>
    %dma_wait3A_122 = tpu.memref_squeeze %dma_wait3A_121 : memref<1x125xi32, #tpu.memory_space<vmem>> -> memref<125xi32, #tpu.memory_space<vmem>>
    %dma_wait3A_123 = arith.constant 0 : i32
    %dma_wait3A_124 = arith.constant 0 : i32
    %dma_wait3A_125 = tpu.memref_slice %arg19[%dma_wait3A_123, %dma_wait3A_124] : memref<10000x32xf32, #tpu.memory_space<vmem_shared>> -> memref<10000x32xf32, #tpu.memory_space<vmem_shared>>
    tpu.wait_indirect_dma semaphore(%arg29 : memref<!tpu.dma_semaphore, #tpu.memory_space<semaphore_mem>>) src(%arg11 : memref<125x32xf32, #tpu.memory_space<vmem>>) dst(%dma_wait3A_125 : memref<10000x32xf32, #tpu.memory_space<vmem_shared>>)
    %dma_wait3A_126 = arith.constant 72 : i32
    %dma_wait3A_127 = arith.constant 0 : i32
    %dma_wait3A_128 = tpu.memref_slice %arg10[%dma_wait3A_126, %dma_wait3A_127] : memref<80x125xi32, #tpu.memory_space<vmem>> -> memref<1x125xi32, #tpu.memory_space<vmem>>
    %dma_wait3A_129 = tpu.memref_squeeze %dma_wait3A_128 : memref<1x125xi32, #tpu.memory_space<vmem>> -> memref<125xi32, #tpu.memory_space<vmem>>
    %dma_wait3A_130 = arith.constant 0 : i32
    %dma_wait3A_131 = arith.constant 0 : i32
    %dma_wait3A_132 = tpu.memref_slice %arg38[%dma_wait3A_130, %dma_wait3A_131] : memref<10000x8xf32, #tpu.memory_space<vmem_shared>> -> memref<10000x8xf32, #tpu.memory_space<vmem_shared>>
    tpu.wait_indirect_dma semaphore(%arg39 : memref<!tpu.dma_semaphore, #tpu.memory_space<semaphore_mem>>) src(%arg37 : memref<125x8xf32, #tpu.memory_space<vmem>>) dst(%dma_wait3A_132 : memref<10000x8xf32, #tpu.memory_space<vmem_shared>>)
    %dma_wait3A_133 = arith.constant 73 : i32
    %dma_wait3A_134 = arith.constant 0 : i32
    %dma_wait3A_135 = tpu.memref_slice %arg10[%dma_wait3A_133, %dma_wait3A_134] : memref<80x125xi32, #tpu.memory_space<vmem>> -> memref<1x125xi32, #tpu.memory_space<vmem>>
    %dma_wait3A_136 = tpu.memref_squeeze %dma_wait3A_135 : memref<1x125xi32, #tpu.memory_space<vmem>> -> memref<125xi32, #tpu.memory_space<vmem>>
    %dma_wait3A_137 = arith.constant 0 : i32
    %dma_wait3A_138 = arith.constant 0 : i32
    %dma_wait3A_139 = tpu.memref_slice %arg19[%dma_wait3A_137, %dma_wait3A_138] : memref<10000x32xf32, #tpu.memory_space<vmem_shared>> -> memref<10000x32xf32, #tpu.memory_space<vmem_shared>>
    tpu.wait_indirect_dma semaphore(%arg30 : memref<!tpu.dma_semaphore, #tpu.memory_space<semaphore_mem>>) src(%arg12 : memref<125x32xf32, #tpu.memory_space<vmem>>) dst(%dma_wait3A_139 : memref<10000x32xf32, #tpu.memory_space<vmem_shared>>)
    %dma_wait3A_140 = arith.constant 73 : i32
    %dma_wait3A_141 = arith.constant 0 : i32
    %dma_wait3A_142 = tpu.memref_slice %arg10[%dma_wait3A_140, %dma_wait3A_141] : memref<80x125xi32, #tpu.memory_space<vmem>> -> memref<1x125xi32, #tpu.memory_space<vmem>>
    %dma_wait3A_143 = tpu.memref_squeeze %dma_wait3A_142 : memref<1x125xi32, #tpu.memory_space<vmem>> -> memref<125xi32, #tpu.memory_space<vmem>>
    %dma_wait3A_144 = arith.constant 0 : i32
    %dma_wait3A_145 = arith.constant 0 : i32
    %dma_wait3A_146 = tpu.memref_slice %arg38[%dma_wait3A_144, %dma_wait3A_145] : memref<10000x8xf32, #tpu.memory_space<vmem_shared>> -> memref<10000x8xf32, #tpu.memory_space<vmem_shared>>
    tpu.wait_indirect_dma semaphore(%arg40 : memref<!tpu.dma_semaphore, #tpu.memory_space<semaphore_mem>>) src(%arg37 : memref<125x8xf32, #tpu.memory_space<vmem>>) dst(%dma_wait3A_146 : memref<10000x8xf32, #tpu.memory_space<vmem_shared>>)
    %dma_wait3A_147 = arith.constant 74 : i32
    %dma_wait3A_148 = arith.constant 0 : i32
    %dma_wait3A_149 = tpu.memref_slice %arg10[%dma_wait3A_147, %dma_wait3A_148] : memref<80x125xi32, #tpu.memory_space<vmem>> -> memref<1x125xi32, #tpu.memory_space<vmem>>
    %dma_wait3A_150 = tpu.memref_squeeze %dma_wait3A_149 : memref<1x125xi32, #tpu.memory_space<vmem>> -> memref<125xi32, #tpu.memory_space<vmem>>
    %dma_wait3A_151 = arith.constant 0 : i32
    %dma_wait3A_152 = arith.constant 0 : i32
    %dma_wait3A_153 = tpu.memref_slice %arg19[%dma_wait3A_151, %dma_wait3A_152] : memref<10000x32xf32, #tpu.memory_space<vmem_shared>> -> memref<10000x32xf32, #tpu.memory_space<vmem_shared>>
    tpu.wait_indirect_dma semaphore(%arg31 : memref<!tpu.dma_semaphore, #tpu.memory_space<semaphore_mem>>) src(%arg13 : memref<125x32xf32, #tpu.memory_space<vmem>>) dst(%dma_wait3A_153 : memref<10000x32xf32, #tpu.memory_space<vmem_shared>>)
    %dma_wait3A_154 = arith.constant 74 : i32
    %dma_wait3A_155 = arith.constant 0 : i32
    %dma_wait3A_156 = tpu.memref_slice %arg10[%dma_wait3A_154, %dma_wait3A_155] : memref<80x125xi32, #tpu.memory_space<vmem>> -> memref<1x125xi32, #tpu.memory_space<vmem>>
    %dma_wait3A_157 = tpu.memref_squeeze %dma_wait3A_156 : memref<1x125xi32, #tpu.memory_space<vmem>> -> memref<125xi32, #tpu.memory_space<vmem>>
    %dma_wait3A_158 = arith.constant 0 : i32
    %dma_wait3A_159 = arith.constant 0 : i32
    %dma_wait3A_160 = tpu.memref_slice %arg38[%dma_wait3A_158, %dma_wait3A_159] : memref<10000x8xf32, #tpu.memory_space<vmem_shared>> -> memref<10000x8xf32, #tpu.memory_space<vmem_shared>>
    tpu.wait_indirect_dma semaphore(%arg41 : memref<!tpu.dma_semaphore, #tpu.memory_space<semaphore_mem>>) src(%arg37 : memref<125x8xf32, #tpu.memory_space<vmem>>) dst(%dma_wait3A_160 : memref<10000x8xf32, #tpu.memory_space<vmem_shared>>)
    %dma_wait3A_161 = arith.constant 75 : i32
    %dma_wait3A_162 = arith.constant 0 : i32
    %dma_wait3A_163 = tpu.memref_slice %arg10[%dma_wait3A_161, %dma_wait3A_162] : memref<80x125xi32, #tpu.memory_space<vmem>> -> memref<1x125xi32, #tpu.memory_space<vmem>>
    %dma_wait3A_164 = tpu.memref_squeeze %dma_wait3A_163 : memref<1x125xi32, #tpu.memory_space<vmem>> -> memref<125xi32, #tpu.memory_space<vmem>>
    %dma_wait3A_165 = arith.constant 0 : i32
    %dma_wait3A_166 = arith.constant 0 : i32
    %dma_wait3A_167 = tpu.memref_slice %arg19[%dma_wait3A_165, %dma_wait3A_166] : memref<10000x32xf32, #tpu.memory_space<vmem_shared>> -> memref<10000x32xf32, #tpu.memory_space<vmem_shared>>
    tpu.wait_indirect_dma semaphore(%arg32 : memref<!tpu.dma_semaphore, #tpu.memory_space<semaphore_mem>>) src(%arg14 : memref<125x32xf32, #tpu.memory_space<vmem>>) dst(%dma_wait3A_167 : memref<10000x32xf32, #tpu.memory_space<vmem_shared>>)
    %dma_wait3A_168 = arith.constant 75 : i32
    %dma_wait3A_169 = arith.constant 0 : i32
    %dma_wait3A_170 = tpu.memref_slice %arg10[%dma_wait3A_168, %dma_wait3A_169] : memref<80x125xi32, #tpu.memory_space<vmem>> -> memref<1x125xi32, #tpu.memory_space<vmem>>
    %dma_wait3A_171 = tpu.memref_squeeze %dma_wait3A_170 : memref<1x125xi32, #tpu.memory_space<vmem>> -> memref<125xi32, #tpu.memory_space<vmem>>
    %dma_wait3A_172 = arith.constant 0 : i32
    %dma_wait3A_173 = arith.constant 0 : i32
    %dma_wait3A_174 = tpu.memref_slice %arg38[%dma_wait3A_172, %dma_wait3A_173] : memref<10000x8xf32, #tpu.memory_space<vmem_shared>> -> memref<10000x8xf32, #tpu.memory_space<vmem_shared>>
    tpu.wait_indirect_dma semaphore(%arg42 : memref<!tpu.dma_semaphore, #tpu.memory_space<semaphore_mem>>) src(%arg37 : memref<125x8xf32, #tpu.memory_space<vmem>>) dst(%dma_wait3A_174 : memref<10000x8xf32, #tpu.memory_space<vmem_shared>>)
    %dma_wait3A_175 = arith.constant 76 : i32
    %dma_wait3A_176 = arith.constant 0 : i32
    %dma_wait3A_177 = tpu.memref_slice %arg10[%dma_wait3A_175, %dma_wait3A_176] : memref<80x125xi32, #tpu.memory_space<vmem>> -> memref<1x125xi32, #tpu.memory_space<vmem>>
    %dma_wait3A_178 = tpu.memref_squeeze %dma_wait3A_177 : memref<1x125xi32, #tpu.memory_space<vmem>> -> memref<125xi32, #tpu.memory_space<vmem>>
    %dma_wait3A_179 = arith.constant 0 : i32
    %dma_wait3A_180 = arith.constant 0 : i32
    %dma_wait3A_181 = tpu.memref_slice %arg19[%dma_wait3A_179, %dma_wait3A_180] : memref<10000x32xf32, #tpu.memory_space<vmem_shared>> -> memref<10000x32xf32, #tpu.memory_space<vmem_shared>>
    tpu.wait_indirect_dma semaphore(%arg33 : memref<!tpu.dma_semaphore, #tpu.memory_space<semaphore_mem>>) src(%arg15 : memref<125x32xf32, #tpu.memory_space<vmem>>) dst(%dma_wait3A_181 : memref<10000x32xf32, #tpu.memory_space<vmem_shared>>)
    %dma_wait3A_182 = arith.constant 76 : i32
    %dma_wait3A_183 = arith.constant 0 : i32
    %dma_wait3A_184 = tpu.memref_slice %arg10[%dma_wait3A_182, %dma_wait3A_183] : memref<80x125xi32, #tpu.memory_space<vmem>> -> memref<1x125xi32, #tpu.memory_space<vmem>>
    %dma_wait3A_185 = tpu.memref_squeeze %dma_wait3A_184 : memref<1x125xi32, #tpu.memory_space<vmem>> -> memref<125xi32, #tpu.memory_space<vmem>>
    %dma_wait3A_186 = arith.constant 0 : i32
    %dma_wait3A_187 = arith.constant 0 : i32
    %dma_wait3A_188 = tpu.memref_slice %arg38[%dma_wait3A_186, %dma_wait3A_187] : memref<10000x8xf32, #tpu.memory_space<vmem_shared>> -> memref<10000x8xf32, #tpu.memory_space<vmem_shared>>
    tpu.wait_indirect_dma semaphore(%arg43 : memref<!tpu.dma_semaphore, #tpu.memory_space<semaphore_mem>>) src(%arg37 : memref<125x8xf32, #tpu.memory_space<vmem>>) dst(%dma_wait3A_188 : memref<10000x8xf32, #tpu.memory_space<vmem_shared>>)
    %dma_wait3A_189 = arith.constant 77 : i32
    %dma_wait3A_190 = arith.constant 0 : i32
    %dma_wait3A_191 = tpu.memref_slice %arg10[%dma_wait3A_189, %dma_wait3A_190] : memref<80x125xi32, #tpu.memory_space<vmem>> -> memref<1x125xi32, #tpu.memory_space<vmem>>
    %dma_wait3A_192 = tpu.memref_squeeze %dma_wait3A_191 : memref<1x125xi32, #tpu.memory_space<vmem>> -> memref<125xi32, #tpu.memory_space<vmem>>
    %dma_wait3A_193 = arith.constant 0 : i32
    %dma_wait3A_194 = arith.constant 0 : i32
    %dma_wait3A_195 = tpu.memref_slice %arg19[%dma_wait3A_193, %dma_wait3A_194] : memref<10000x32xf32, #tpu.memory_space<vmem_shared>> -> memref<10000x32xf32, #tpu.memory_space<vmem_shared>>
    tpu.wait_indirect_dma semaphore(%arg34 : memref<!tpu.dma_semaphore, #tpu.memory_space<semaphore_mem>>) src(%arg16 : memref<125x32xf32, #tpu.memory_space<vmem>>) dst(%dma_wait3A_195 : memref<10000x32xf32, #tpu.memory_space<vmem_shared>>)
    %dma_wait3A_196 = arith.constant 77 : i32
    %dma_wait3A_197 = arith.constant 0 : i32
    %dma_wait3A_198 = tpu.memref_slice %arg10[%dma_wait3A_196, %dma_wait3A_197] : memref<80x125xi32, #tpu.memory_space<vmem>> -> memref<1x125xi32, #tpu.memory_space<vmem>>
    %dma_wait3A_199 = tpu.memref_squeeze %dma_wait3A_198 : memref<1x125xi32, #tpu.memory_space<vmem>> -> memref<125xi32, #tpu.memory_space<vmem>>
    %dma_wait3A_200 = arith.constant 0 : i32
    %dma_wait3A_201 = arith.constant 0 : i32
    %dma_wait3A_202 = tpu.memref_slice %arg38[%dma_wait3A_200, %dma_wait3A_201] : memref<10000x8xf32, #tpu.memory_space<vmem_shared>> -> memref<10000x8xf32, #tpu.memory_space<vmem_shared>>
    tpu.wait_indirect_dma semaphore(%arg44 : memref<!tpu.dma_semaphore, #tpu.memory_space<semaphore_mem>>) src(%arg37 : memref<125x8xf32, #tpu.memory_space<vmem>>) dst(%dma_wait3A_202 : memref<10000x8xf32, #tpu.memory_space<vmem_shared>>)
    %dma_wait3A_203 = arith.constant 78 : i32
    %dma_wait3A_204 = arith.constant 0 : i32
    %dma_wait3A_205 = tpu.memref_slice %arg10[%dma_wait3A_203, %dma_wait3A_204] : memref<80x125xi32, #tpu.memory_space<vmem>> -> memref<1x125xi32, #tpu.memory_space<vmem>>
    %dma_wait3A_206 = tpu.memref_squeeze %dma_wait3A_205 : memref<1x125xi32, #tpu.memory_space<vmem>> -> memref<125xi32, #tpu.memory_space<vmem>>
    %dma_wait3A_207 = arith.constant 0 : i32
    %dma_wait3A_208 = arith.constant 0 : i32
    %dma_wait3A_209 = tpu.memref_slice %arg19[%dma_wait3A_207, %dma_wait3A_208] : memref<10000x32xf32, #tpu.memory_space<vmem_shared>> -> memref<10000x32xf32, #tpu.memory_space<vmem_shared>>
    tpu.wait_indirect_dma semaphore(%arg35 : memref<!tpu.dma_semaphore, #tpu.memory_space<semaphore_mem>>) src(%arg17 : memref<125x32xf32, #tpu.memory_space<vmem>>) dst(%dma_wait3A_209 : memref<10000x32xf32, #tpu.memory_space<vmem_shared>>)
    %dma_wait3A_210 = arith.constant 78 : i32
    %dma_wait3A_211 = arith.constant 0 : i32
    %dma_wait3A_212 = tpu.memref_slice %arg10[%dma_wait3A_210, %dma_wait3A_211] : memref<80x125xi32, #tpu.memory_space<vmem>> -> memref<1x125xi32, #tpu.memory_space<vmem>>
    %dma_wait3A_213 = tpu.memref_squeeze %dma_wait3A_212 : memref<1x125xi32, #tpu.memory_space<vmem>> -> memref<125xi32, #tpu.memory_space<vmem>>
    %dma_wait3A_214 = arith.constant 0 : i32
    %dma_wait3A_215 = arith.constant 0 : i32
    %dma_wait3A_216 = tpu.memref_slice %arg38[%dma_wait3A_214, %dma_wait3A_215] : memref<10000x8xf32, #tpu.memory_space<vmem_shared>> -> memref<10000x8xf32, #tpu.memory_space<vmem_shared>>
    tpu.wait_indirect_dma semaphore(%arg45 : memref<!tpu.dma_semaphore, #tpu.memory_space<semaphore_mem>>) src(%arg37 : memref<125x8xf32, #tpu.memory_space<vmem>>) dst(%dma_wait3A_216 : memref<10000x8xf32, #tpu.memory_space<vmem_shared>>)
    %dma_wait3A_217 = arith.constant 79 : i32
    %dma_wait3A_218 = arith.constant 0 : i32
    %dma_wait3A_219 = tpu.memref_slice %arg10[%dma_wait3A_217, %dma_wait3A_218] : memref<80x125xi32, #tpu.memory_space<vmem>> -> memref<1x125xi32, #tpu.memory_space<vmem>>
    %dma_wait3A_220 = tpu.memref_squeeze %dma_wait3A_219 : memref<1x125xi32, #tpu.memory_space<vmem>> -> memref<125xi32, #tpu.memory_space<vmem>>
    %dma_wait3A_221 = arith.constant 0 : i32
    %dma_wait3A_222 = arith.constant 0 : i32
    %dma_wait3A_223 = tpu.memref_slice %arg19[%dma_wait3A_221, %dma_wait3A_222] : memref<10000x32xf32, #tpu.memory_space<vmem_shared>> -> memref<10000x32xf32, #tpu.memory_space<vmem_shared>>
    tpu.wait_indirect_dma semaphore(%arg36 : memref<!tpu.dma_semaphore, #tpu.memory_space<semaphore_mem>>) src(%arg18 : memref<125x32xf32, #tpu.memory_space<vmem>>) dst(%dma_wait3A_223 : memref<10000x32xf32, #tpu.memory_space<vmem_shared>>)
    %dma_wait3A_224 = arith.constant 79 : i32
    %dma_wait3A_225 = arith.constant 0 : i32
    %dma_wait3A_226 = tpu.memref_slice %arg10[%dma_wait3A_224, %dma_wait3A_225] : memref<80x125xi32, #tpu.memory_space<vmem>> -> memref<1x125xi32, #tpu.memory_space<vmem>>
    %dma_wait3A_227 = tpu.memref_squeeze %dma_wait3A_226 : memref<1x125xi32, #tpu.memory_space<vmem>> -> memref<125xi32, #tpu.memory_space<vmem>>
    %dma_wait3A_228 = arith.constant 0 : i32
    %dma_wait3A_229 = arith.constant 0 : i32
    %dma_wait3A_230 = tpu.memref_slice %arg38[%dma_wait3A_228, %dma_wait3A_229] : memref<10000x8xf32, #tpu.memory_space<vmem_shared>> -> memref<10000x8xf32, #tpu.memory_space<vmem_shared>>
    tpu.wait_indirect_dma semaphore(%arg46 : memref<!tpu.dma_semaphore, #tpu.memory_space<semaphore_mem>>) src(%arg37 : memref<125x8xf32, #tpu.memory_space<vmem>>) dst(%dma_wait3A_230 : memref<10000x8xf32, #tpu.memory_space<vmem_shared>>)
    %barrier3A_231 = arith.constant 0 : index
    tpu.barrier barrier_id(%barrier3A_231)
    "tpu.region"() ({
      %run_scoped3A = tpu.sem_alloc : memref<!tpu.dma_semaphore, #tpu.memory_space<semaphore_mem>>
      %dma_start3A_232 = arith.constant 0 : i32
      %dma_start3A_233 = tpu.memref_slice %arg7[%arg0, %mul3A_2, %dma_start3A_232] : memref<2x10000x32xf32, #tpu.memory_space<hbm>> -> memref<1x640x32xf32, #tpu.memory_space<hbm>>
      %dma_start3A_234 = tpu.memref_squeeze %dma_start3A_233 : memref<1x640x32xf32, #tpu.memory_space<hbm>> -> memref<640x32xf32, #tpu.memory_space<hbm>>
      %dma_start3A_235 = arith.constant 0 : i32
      %dma_start3A_236 = tpu.memref_slice %arg19[%mul3A_2, %dma_start3A_235] : memref<10000x32xf32, #tpu.memory_space<vmem_shared>> -> memref<640x32xf32, #tpu.memory_space<vmem_shared>>
      tpu.enqueue_dma source(%dma_start3A_236 : memref<640x32xf32, #tpu.memory_space<vmem_shared>>) target(%dma_start3A_234 : memref<640x32xf32, #tpu.memory_space<hbm>>) target_semaphore(%run_scoped3A : memref<!tpu.dma_semaphore, #tpu.memory_space<semaphore_mem>>)
      %dma_wait3A_237 = arith.constant 0 : i32
      %dma_wait3A_238 = tpu.memref_slice %arg7[%arg0, %mul3A_2, %dma_wait3A_237] : memref<2x10000x32xf32, #tpu.memory_space<hbm>> -> memref<1x640x32xf32, #tpu.memory_space<hbm>>
      %dma_wait3A_239 = tpu.memref_squeeze %dma_wait3A_238 : memref<1x640x32xf32, #tpu.memory_space<hbm>> -> memref<640x32xf32, #tpu.memory_space<hbm>>
      %dma_wait3A_240 = arith.constant 0 : i32
      %dma_wait3A_241 = tpu.memref_slice %arg19[%mul3A_2, %dma_wait3A_240] : memref<10000x32xf32, #tpu.memory_space<vmem_shared>> -> memref<640x32xf32, #tpu.memory_space<vmem_shared>>
      tpu.wait_dma2 semaphore(%run_scoped3A : memref<!tpu.dma_semaphore, #tpu.memory_space<semaphore_mem>>) src(%dma_wait3A_241 : memref<640x32xf32, #tpu.memory_space<vmem_shared>>) dst(%dma_wait3A_239 : memref<640x32xf32, #tpu.memory_space<hbm>>)
      tpu.yield
    }) : () -> ()
    "tpu.region"() ({
      %run_scoped3A = tpu.sem_alloc : memref<!tpu.dma_semaphore, #tpu.memory_space<semaphore_mem>>
      %dma_start3A_232 = arith.constant 0 : i32
      %dma_start3A_233 = tpu.memref_slice %arg8[%arg0, %mul3A_2, %dma_start3A_232] : memref<2x10000x8xf32, #tpu.memory_space<hbm>> -> memref<1x640x8xf32, #tpu.memory_space<hbm>>
      %dma_start3A_234 = tpu.memref_squeeze %dma_start3A_233 : memref<1x640x8xf32, #tpu.memory_space<hbm>> -> memref<640x8xf32, #tpu.memory_space<hbm>>
      %dma_start3A_235 = arith.constant 0 : i32
      %dma_start3A_236 = tpu.memref_slice %arg38[%mul3A_2, %dma_start3A_235] : memref<10000x8xf32, #tpu.memory_space<vmem_shared>> -> memref<640x8xf32, #tpu.memory_space<vmem_shared>>
      tpu.enqueue_dma source(%dma_start3A_236 : memref<640x8xf32, #tpu.memory_space<vmem_shared>>) target(%dma_start3A_234 : memref<640x8xf32, #tpu.memory_space<hbm>>) target_semaphore(%run_scoped3A : memref<!tpu.dma_semaphore, #tpu.memory_space<semaphore_mem>>)
      %dma_wait3A_237 = arith.constant 0 : i32
      %dma_wait3A_238 = tpu.memref_slice %arg8[%arg0, %mul3A_2, %dma_wait3A_237] : memref<2x10000x8xf32, #tpu.memory_space<hbm>> -> memref<1x640x8xf32, #tpu.memory_space<hbm>>
      %dma_wait3A_239 = tpu.memref_squeeze %dma_wait3A_238 : memref<1x640x8xf32, #tpu.memory_space<hbm>> -> memref<640x8xf32, #tpu.memory_space<hbm>>
      %dma_wait3A_240 = arith.constant 0 : i32
      %dma_wait3A_241 = tpu.memref_slice %arg38[%mul3A_2, %dma_wait3A_240] : memref<10000x8xf32, #tpu.memory_space<vmem_shared>> -> memref<640x8xf32, #tpu.memory_space<vmem_shared>>
      tpu.wait_dma2 semaphore(%run_scoped3A : memref<!tpu.dma_semaphore, #tpu.memory_space<semaphore_mem>>) src(%dma_wait3A_241 : memref<640x8xf32, #tpu.memory_space<vmem_shared>>) dst(%dma_wait3A_239 : memref<640x8xf32, #tpu.memory_space<hbm>>)
      tpu.yield
    }) : () -> ()
    return
  }
}

#map = affine_map<(d0, d1) -> (0, 0)>
#map1 = affine_map<(d0, d1) -> (0, 0, 0)>
module attributes {stable_mosaic.version = 14 : i64} {
  func.func @body(%arg0: i32, %arg1: i32, %arg2: memref<10000x16xf32, #tpu.memory_space<hbm>>, %arg3: memref<2x2560x125xi32, #tpu.memory_space<hbm>>, %arg4: memref<10000x16xf32, #tpu.memory_space<hbm>>, %arg5: memref<2x10000x16xf32, #tpu.memory_space<hbm>>, %arg6: memref<80x125xi32, #tpu.memory_space<vmem>>, %arg7: memref<80x125xi32, #tpu.memory_space<vmem>>, %arg8: memref<125x16xf32, #tpu.memory_space<vmem>>, %arg9: memref<125x16xf32, #tpu.memory_space<vmem>>, %arg10: memref<125x16xf32, #tpu.memory_space<vmem>>, %arg11: memref<125x16xf32, #tpu.memory_space<vmem>>, %arg12: memref<125x16xf32, #tpu.memory_space<vmem>>, %arg13: memref<125x16xf32, #tpu.memory_space<vmem>>, %arg14: memref<125x16xf32, #tpu.memory_space<vmem>>, %arg15: memref<125x16xf32, #tpu.memory_space<vmem>>, %arg16: memref<10000x16xf32, #tpu.memory_space<vmem_shared>>, %arg17: memref<10000x16xf32, #tpu.memory_space<vmem_shared>>, %arg18: memref<!tpu.dma_semaphore, #tpu.memory_space<semaphore_mem>>, %arg19: memref<!tpu.dma_semaphore, #tpu.memory_space<semaphore_mem>>, %arg20: memref<!tpu.dma_semaphore, #tpu.memory_space<semaphore_mem>>, %arg21: memref<!tpu.dma_semaphore, #tpu.memory_space<semaphore_mem>>, %arg22: memref<!tpu.dma_semaphore, #tpu.memory_space<semaphore_mem>>, %arg23: memref<!tpu.dma_semaphore, #tpu.memory_space<semaphore_mem>>, %arg24: memref<!tpu.dma_semaphore, #tpu.memory_space<semaphore_mem>>, %arg25: memref<!tpu.dma_semaphore, #tpu.memory_space<semaphore_mem>>, %arg26: memref<!tpu.dma_semaphore, #tpu.memory_space<semaphore_mem>>, %arg27: memref<!tpu.dma_semaphore, #tpu.memory_space<semaphore_mem>>, %arg28: memref<!tpu.dma_semaphore, #tpu.memory_space<semaphore_mem>>, %arg29: memref<!tpu.dma_semaphore, #tpu.memory_space<semaphore_mem>>, %arg30: memref<!tpu.dma_semaphore, #tpu.memory_space<semaphore_mem>>, %arg31: memref<!tpu.dma_semaphore, #tpu.memory_space<semaphore_mem>>, %arg32: memref<!tpu.dma_semaphore, #tpu.memory_space<semaphore_mem>>, %arg33: memref<!tpu.dma_semaphore, #tpu.memory_space<semaphore_mem>>) attributes {dimension_semantics = [#tpu.dimension_semantics<core_parallel>, #tpu.dimension_semantics<subcore_parallel>], iteration_bounds = array<i64: 2, 16>, scalar_prefetch = 0 : i64, scratch_operands = 28 : i64, tpu.core_type = #tpu.core_type<sc_vector_subcore>, window_params = [{transform_indices = #map}, {transform_indices = #map1}, {transform_indices = #map}, {transform_indices = #map1}]} {
    %mul3A = arith.constant 2 : i32
    %mul3A_0 = arith.muli %arg1, %mul3A : i32
    %add3A = arith.addi %mul3A_0, %arg0 : i32
    %mul3A_1 = arith.constant 624 : i32
    %mul3A_2 = arith.muli %arg1, %mul3A_1 : i32
    %mul3A_3 = arith.constant 80 : i32
    %mul3A_4 = arith.muli %add3A, %mul3A_3 : i32
    %dma_start3A = arith.constant 0 : i32
    %dma_start3A_5 = arith.constant 0 : i32
    %dma_start3A_6 = tpu.memref_slice %arg3[%dma_start3A, %mul3A_4, %dma_start3A_5] : memref<2x2560x125xi32, #tpu.memory_space<hbm>> -> memref<1x80x125xi32, #tpu.memory_space<hbm>>
    %dma_start3A_7 = tpu.memref_squeeze %dma_start3A_6 : memref<1x80x125xi32, #tpu.memory_space<hbm>> -> memref<80x125xi32, #tpu.memory_space<hbm>>
    %dma_start3A_8 = arith.constant 0 : i32
    %dma_start3A_9 = tpu.memref_slice %arg3[%dma_start3A, %mul3A_4, %dma_start3A_8] : memref<2x2560x125xi32, #tpu.memory_space<hbm>> -> memref<1x80x125xi32, #tpu.memory_space<hbm>>
    %dma_start3A_10 = tpu.memref_squeeze %dma_start3A_9 : memref<1x80x125xi32, #tpu.memory_space<hbm>> -> memref<80x125xi32, #tpu.memory_space<hbm>>
    tpu.enqueue_dma source(%dma_start3A_10 : memref<80x125xi32, #tpu.memory_space<hbm>>) target(%arg6 : memref<80x125xi32, #tpu.memory_space<vmem>>) target_semaphore(%arg18 : memref<!tpu.dma_semaphore, #tpu.memory_space<semaphore_mem>>)
    %mul3A_11 = arith.constant 80 : i32
    %mul3A_12 = arith.muli %add3A, %mul3A_11 : i32
    %dma_start3A_13 = arith.constant 1 : i32
    %dma_start3A_14 = arith.constant 0 : i32
    %dma_start3A_15 = tpu.memref_slice %arg3[%dma_start3A_13, %mul3A_12, %dma_start3A_14] : memref<2x2560x125xi32, #tpu.memory_space<hbm>> -> memref<1x80x125xi32, #tpu.memory_space<hbm>>
    %dma_start3A_16 = tpu.memref_squeeze %dma_start3A_15 : memref<1x80x125xi32, #tpu.memory_space<hbm>> -> memref<80x125xi32, #tpu.memory_space<hbm>>
    %dma_start3A_17 = arith.constant 0 : i32
    %dma_start3A_18 = tpu.memref_slice %arg3[%dma_start3A_13, %mul3A_12, %dma_start3A_17] : memref<2x2560x125xi32, #tpu.memory_space<hbm>> -> memref<1x80x125xi32, #tpu.memory_space<hbm>>
    %dma_start3A_19 = tpu.memref_squeeze %dma_start3A_18 : memref<1x80x125xi32, #tpu.memory_space<hbm>> -> memref<80x125xi32, #tpu.memory_space<hbm>>
    tpu.enqueue_dma source(%dma_start3A_19 : memref<80x125xi32, #tpu.memory_space<hbm>>) target(%arg7 : memref<80x125xi32, #tpu.memory_space<vmem>>) target_semaphore(%arg19 : memref<!tpu.dma_semaphore, #tpu.memory_space<semaphore_mem>>)
    %dma_start3A_20 = arith.constant 0 : i32
    %dma_start3A_21 = tpu.memref_slice %arg16[%mul3A_2, %dma_start3A_20] : memref<10000x16xf32, #tpu.memory_space<vmem_shared>> -> memref<640x16xf32, #tpu.memory_space<vmem_shared>>
    %dma_start3A_22 = arith.constant 0 : i32
    %dma_start3A_23 = tpu.memref_slice %arg4[%mul3A_2, %dma_start3A_22] : memref<10000x16xf32, #tpu.memory_space<hbm>> -> memref<640x16xf32, #tpu.memory_space<hbm>>
    tpu.enqueue_dma source(%dma_start3A_23 : memref<640x16xf32, #tpu.memory_space<hbm>>) target(%dma_start3A_21 : memref<640x16xf32, #tpu.memory_space<vmem_shared>>) target_semaphore(%arg20 : memref<!tpu.dma_semaphore, #tpu.memory_space<semaphore_mem>>)
    %dma_start3A_24 = arith.constant 0 : i32
    %dma_start3A_25 = tpu.memref_slice %arg17[%mul3A_2, %dma_start3A_24] : memref<10000x16xf32, #tpu.memory_space<vmem_shared>> -> memref<640x16xf32, #tpu.memory_space<vmem_shared>>
    %dma_start3A_26 = arith.constant 0 : i32
    %dma_start3A_27 = tpu.memref_slice %arg2[%mul3A_2, %dma_start3A_26] : memref<10000x16xf32, #tpu.memory_space<hbm>> -> memref<640x16xf32, #tpu.memory_space<hbm>>
    tpu.enqueue_dma source(%dma_start3A_27 : memref<640x16xf32, #tpu.memory_space<hbm>>) target(%dma_start3A_25 : memref<640x16xf32, #tpu.memory_space<vmem_shared>>) target_semaphore(%arg21 : memref<!tpu.dma_semaphore, #tpu.memory_space<semaphore_mem>>)
    %dma_wait3A = arith.constant 0 : i32
    %dma_wait3A_28 = arith.constant 0 : i32
    %dma_wait3A_29 = tpu.memref_slice %arg3[%dma_wait3A, %mul3A_4, %dma_wait3A_28] : memref<2x2560x125xi32, #tpu.memory_space<hbm>> -> memref<1x80x125xi32, #tpu.memory_space<hbm>>
    %dma_wait3A_30 = tpu.memref_squeeze %dma_wait3A_29 : memref<1x80x125xi32, #tpu.memory_space<hbm>> -> memref<80x125xi32, #tpu.memory_space<hbm>>
    %dma_wait3A_31 = arith.constant 0 : i32
    %dma_wait3A_32 = tpu.memref_slice %arg3[%dma_wait3A, %mul3A_4, %dma_wait3A_31] : memref<2x2560x125xi32, #tpu.memory_space<hbm>> -> memref<1x80x125xi32, #tpu.memory_space<hbm>>
    %dma_wait3A_33 = tpu.memref_squeeze %dma_wait3A_32 : memref<1x80x125xi32, #tpu.memory_space<hbm>> -> memref<80x125xi32, #tpu.memory_space<hbm>>
    tpu.wait_dma2 semaphore(%arg18 : memref<!tpu.dma_semaphore, #tpu.memory_space<semaphore_mem>>) src(%dma_wait3A_33 : memref<80x125xi32, #tpu.memory_space<hbm>>) dst(%arg6 : memref<80x125xi32, #tpu.memory_space<vmem>>)
    %dma_wait3A_34 = arith.constant 1 : i32
    %dma_wait3A_35 = arith.constant 0 : i32
    %dma_wait3A_36 = tpu.memref_slice %arg3[%dma_wait3A_34, %mul3A_12, %dma_wait3A_35] : memref<2x2560x125xi32, #tpu.memory_space<hbm>> -> memref<1x80x125xi32, #tpu.memory_space<hbm>>
    %dma_wait3A_37 = tpu.memref_squeeze %dma_wait3A_36 : memref<1x80x125xi32, #tpu.memory_space<hbm>> -> memref<80x125xi32, #tpu.memory_space<hbm>>
    %dma_wait3A_38 = arith.constant 0 : i32
    %dma_wait3A_39 = tpu.memref_slice %arg3[%dma_wait3A_34, %mul3A_12, %dma_wait3A_38] : memref<2x2560x125xi32, #tpu.memory_space<hbm>> -> memref<1x80x125xi32, #tpu.memory_space<hbm>>
    %dma_wait3A_40 = tpu.memref_squeeze %dma_wait3A_39 : memref<1x80x125xi32, #tpu.memory_space<hbm>> -> memref<80x125xi32, #tpu.memory_space<hbm>>
    tpu.wait_dma2 semaphore(%arg19 : memref<!tpu.dma_semaphore, #tpu.memory_space<semaphore_mem>>) src(%dma_wait3A_40 : memref<80x125xi32, #tpu.memory_space<hbm>>) dst(%arg7 : memref<80x125xi32, #tpu.memory_space<vmem>>)
    %dma_wait3A_41 = arith.constant 0 : i32
    %dma_wait3A_42 = tpu.memref_slice %arg16[%mul3A_2, %dma_wait3A_41] : memref<10000x16xf32, #tpu.memory_space<vmem_shared>> -> memref<640x16xf32, #tpu.memory_space<vmem_shared>>
    %dma_wait3A_43 = arith.constant 0 : i32
    %dma_wait3A_44 = tpu.memref_slice %arg4[%mul3A_2, %dma_wait3A_43] : memref<10000x16xf32, #tpu.memory_space<hbm>> -> memref<640x16xf32, #tpu.memory_space<hbm>>
    tpu.wait_dma2 semaphore(%arg20 : memref<!tpu.dma_semaphore, #tpu.memory_space<semaphore_mem>>) src(%dma_wait3A_44 : memref<640x16xf32, #tpu.memory_space<hbm>>) dst(%dma_wait3A_42 : memref<640x16xf32, #tpu.memory_space<vmem_shared>>)
    %dma_wait3A_45 = arith.constant 0 : i32
    %dma_wait3A_46 = tpu.memref_slice %arg17[%mul3A_2, %dma_wait3A_45] : memref<10000x16xf32, #tpu.memory_space<vmem_shared>> -> memref<640x16xf32, #tpu.memory_space<vmem_shared>>
    %dma_wait3A_47 = arith.constant 0 : i32
    %dma_wait3A_48 = tpu.memref_slice %arg2[%mul3A_2, %dma_wait3A_47] : memref<10000x16xf32, #tpu.memory_space<hbm>> -> memref<640x16xf32, #tpu.memory_space<hbm>>
    tpu.wait_dma2 semaphore(%arg21 : memref<!tpu.dma_semaphore, #tpu.memory_space<semaphore_mem>>) src(%dma_wait3A_48 : memref<640x16xf32, #tpu.memory_space<hbm>>) dst(%dma_wait3A_46 : memref<640x16xf32, #tpu.memory_space<vmem_shared>>)
    %barrier3A = arith.constant 0 : index
    tpu.barrier barrier_id(%barrier3A)
    %dma_start3A_49 = arith.constant 0 : i32
    %dma_start3A_50 = arith.constant 0 : i32
    %dma_start3A_51 = tpu.memref_slice %arg6[%dma_start3A_49, %dma_start3A_50] : memref<80x125xi32, #tpu.memory_space<vmem>> -> memref<1x125xi32, #tpu.memory_space<vmem>>
    %dma_start3A_52 = tpu.memref_squeeze %dma_start3A_51 : memref<1x125xi32, #tpu.memory_space<vmem>> -> memref<125xi32, #tpu.memory_space<vmem>>
    %dma_start3A_53 = arith.constant 0 : i32
    %dma_start3A_54 = arith.constant 0 : i32
    %dma_start3A_55 = tpu.memref_slice %arg17[%dma_start3A_53, %dma_start3A_54] : memref<10000x16xf32, #tpu.memory_space<vmem_shared>> -> memref<10000x16xf32, #tpu.memory_space<vmem_shared>>
    tpu.enqueue_indirect_dma source(%dma_start3A_55 : memref<10000x16xf32, #tpu.memory_space<vmem_shared>>) target(%arg8 : memref<125x16xf32, #tpu.memory_space<vmem>>) offsets(%dma_start3A_52 : memref<125xi32, #tpu.memory_space<vmem>>) semaphore(%arg18 : memref<!tpu.dma_semaphore, #tpu.memory_space<semaphore_mem>>)
    %dma_start3A_56 = arith.constant 1 : i32
    %dma_start3A_57 = arith.constant 0 : i32
    %dma_start3A_58 = tpu.memref_slice %arg6[%dma_start3A_56, %dma_start3A_57] : memref<80x125xi32, #tpu.memory_space<vmem>> -> memref<1x125xi32, #tpu.memory_space<vmem>>
    %dma_start3A_59 = tpu.memref_squeeze %dma_start3A_58 : memref<1x125xi32, #tpu.memory_space<vmem>> -> memref<125xi32, #tpu.memory_space<vmem>>
    %dma_start3A_60 = arith.constant 0 : i32
    %dma_start3A_61 = arith.constant 0 : i32
    %dma_start3A_62 = tpu.memref_slice %arg17[%dma_start3A_60, %dma_start3A_61] : memref<10000x16xf32, #tpu.memory_space<vmem_shared>> -> memref<10000x16xf32, #tpu.memory_space<vmem_shared>>
    tpu.enqueue_indirect_dma source(%dma_start3A_62 : memref<10000x16xf32, #tpu.memory_space<vmem_shared>>) target(%arg9 : memref<125x16xf32, #tpu.memory_space<vmem>>) offsets(%dma_start3A_59 : memref<125xi32, #tpu.memory_space<vmem>>) semaphore(%arg19 : memref<!tpu.dma_semaphore, #tpu.memory_space<semaphore_mem>>)
    %dma_start3A_63 = arith.constant 2 : i32
    %dma_start3A_64 = arith.constant 0 : i32
    %dma_start3A_65 = tpu.memref_slice %arg6[%dma_start3A_63, %dma_start3A_64] : memref<80x125xi32, #tpu.memory_space<vmem>> -> memref<1x125xi32, #tpu.memory_space<vmem>>
    %dma_start3A_66 = tpu.memref_squeeze %dma_start3A_65 : memref<1x125xi32, #tpu.memory_space<vmem>> -> memref<125xi32, #tpu.memory_space<vmem>>
    %dma_start3A_67 = arith.constant 0 : i32
    %dma_start3A_68 = arith.constant 0 : i32
    %dma_start3A_69 = tpu.memref_slice %arg17[%dma_start3A_67, %dma_start3A_68] : memref<10000x16xf32, #tpu.memory_space<vmem_shared>> -> memref<10000x16xf32, #tpu.memory_space<vmem_shared>>
    tpu.enqueue_indirect_dma source(%dma_start3A_69 : memref<10000x16xf32, #tpu.memory_space<vmem_shared>>) target(%arg10 : memref<125x16xf32, #tpu.memory_space<vmem>>) offsets(%dma_start3A_66 : memref<125xi32, #tpu.memory_space<vmem>>) semaphore(%arg20 : memref<!tpu.dma_semaphore, #tpu.memory_space<semaphore_mem>>)
    %dma_start3A_70 = arith.constant 3 : i32
    %dma_start3A_71 = arith.constant 0 : i32
    %dma_start3A_72 = tpu.memref_slice %arg6[%dma_start3A_70, %dma_start3A_71] : memref<80x125xi32, #tpu.memory_space<vmem>> -> memref<1x125xi32, #tpu.memory_space<vmem>>
    %dma_start3A_73 = tpu.memref_squeeze %dma_start3A_72 : memref<1x125xi32, #tpu.memory_space<vmem>> -> memref<125xi32, #tpu.memory_space<vmem>>
    %dma_start3A_74 = arith.constant 0 : i32
    %dma_start3A_75 = arith.constant 0 : i32
    %dma_start3A_76 = tpu.memref_slice %arg17[%dma_start3A_74, %dma_start3A_75] : memref<10000x16xf32, #tpu.memory_space<vmem_shared>> -> memref<10000x16xf32, #tpu.memory_space<vmem_shared>>
    tpu.enqueue_indirect_dma source(%dma_start3A_76 : memref<10000x16xf32, #tpu.memory_space<vmem_shared>>) target(%arg11 : memref<125x16xf32, #tpu.memory_space<vmem>>) offsets(%dma_start3A_73 : memref<125xi32, #tpu.memory_space<vmem>>) semaphore(%arg21 : memref<!tpu.dma_semaphore, #tpu.memory_space<semaphore_mem>>)
    %dma_start3A_77 = arith.constant 4 : i32
    %dma_start3A_78 = arith.constant 0 : i32
    %dma_start3A_79 = tpu.memref_slice %arg6[%dma_start3A_77, %dma_start3A_78] : memref<80x125xi32, #tpu.memory_space<vmem>> -> memref<1x125xi32, #tpu.memory_space<vmem>>
    %dma_start3A_80 = tpu.memref_squeeze %dma_start3A_79 : memref<1x125xi32, #tpu.memory_space<vmem>> -> memref<125xi32, #tpu.memory_space<vmem>>
    %dma_start3A_81 = arith.constant 0 : i32
    %dma_start3A_82 = arith.constant 0 : i32
    %dma_start3A_83 = tpu.memref_slice %arg17[%dma_start3A_81, %dma_start3A_82] : memref<10000x16xf32, #tpu.memory_space<vmem_shared>> -> memref<10000x16xf32, #tpu.memory_space<vmem_shared>>
    tpu.enqueue_indirect_dma source(%dma_start3A_83 : memref<10000x16xf32, #tpu.memory_space<vmem_shared>>) target(%arg12 : memref<125x16xf32, #tpu.memory_space<vmem>>) offsets(%dma_start3A_80 : memref<125xi32, #tpu.memory_space<vmem>>) semaphore(%arg22 : memref<!tpu.dma_semaphore, #tpu.memory_space<semaphore_mem>>)
    %dma_start3A_84 = arith.constant 5 : i32
    %dma_start3A_85 = arith.constant 0 : i32
    %dma_start3A_86 = tpu.memref_slice %arg6[%dma_start3A_84, %dma_start3A_85] : memref<80x125xi32, #tpu.memory_space<vmem>> -> memref<1x125xi32, #tpu.memory_space<vmem>>
    %dma_start3A_87 = tpu.memref_squeeze %dma_start3A_86 : memref<1x125xi32, #tpu.memory_space<vmem>> -> memref<125xi32, #tpu.memory_space<vmem>>
    %dma_start3A_88 = arith.constant 0 : i32
    %dma_start3A_89 = arith.constant 0 : i32
    %dma_start3A_90 = tpu.memref_slice %arg17[%dma_start3A_88, %dma_start3A_89] : memref<10000x16xf32, #tpu.memory_space<vmem_shared>> -> memref<10000x16xf32, #tpu.memory_space<vmem_shared>>
    tpu.enqueue_indirect_dma source(%dma_start3A_90 : memref<10000x16xf32, #tpu.memory_space<vmem_shared>>) target(%arg13 : memref<125x16xf32, #tpu.memory_space<vmem>>) offsets(%dma_start3A_87 : memref<125xi32, #tpu.memory_space<vmem>>) semaphore(%arg23 : memref<!tpu.dma_semaphore, #tpu.memory_space<semaphore_mem>>)
    %dma_start3A_91 = arith.constant 6 : i32
    %dma_start3A_92 = arith.constant 0 : i32
    %dma_start3A_93 = tpu.memref_slice %arg6[%dma_start3A_91, %dma_start3A_92] : memref<80x125xi32, #tpu.memory_space<vmem>> -> memref<1x125xi32, #tpu.memory_space<vmem>>
    %dma_start3A_94 = tpu.memref_squeeze %dma_start3A_93 : memref<1x125xi32, #tpu.memory_space<vmem>> -> memref<125xi32, #tpu.memory_space<vmem>>
    %dma_start3A_95 = arith.constant 0 : i32
    %dma_start3A_96 = arith.constant 0 : i32
    %dma_start3A_97 = tpu.memref_slice %arg17[%dma_start3A_95, %dma_start3A_96] : memref<10000x16xf32, #tpu.memory_space<vmem_shared>> -> memref<10000x16xf32, #tpu.memory_space<vmem_shared>>
    tpu.enqueue_indirect_dma source(%dma_start3A_97 : memref<10000x16xf32, #tpu.memory_space<vmem_shared>>) target(%arg14 : memref<125x16xf32, #tpu.memory_space<vmem>>) offsets(%dma_start3A_94 : memref<125xi32, #tpu.memory_space<vmem>>) semaphore(%arg24 : memref<!tpu.dma_semaphore, #tpu.memory_space<semaphore_mem>>)
    %dma_start3A_98 = arith.constant 7 : i32
    %dma_start3A_99 = arith.constant 0 : i32
    %dma_start3A_100 = tpu.memref_slice %arg6[%dma_start3A_98, %dma_start3A_99] : memref<80x125xi32, #tpu.memory_space<vmem>> -> memref<1x125xi32, #tpu.memory_space<vmem>>
    %dma_start3A_101 = tpu.memref_squeeze %dma_start3A_100 : memref<1x125xi32, #tpu.memory_space<vmem>> -> memref<125xi32, #tpu.memory_space<vmem>>
    %dma_start3A_102 = arith.constant 0 : i32
    %dma_start3A_103 = arith.constant 0 : i32
    %dma_start3A_104 = tpu.memref_slice %arg17[%dma_start3A_102, %dma_start3A_103] : memref<10000x16xf32, #tpu.memory_space<vmem_shared>> -> memref<10000x16xf32, #tpu.memory_space<vmem_shared>>
    tpu.enqueue_indirect_dma source(%dma_start3A_104 : memref<10000x16xf32, #tpu.memory_space<vmem_shared>>) target(%arg15 : memref<125x16xf32, #tpu.memory_space<vmem>>) offsets(%dma_start3A_101 : memref<125xi32, #tpu.memory_space<vmem>>) semaphore(%arg25 : memref<!tpu.dma_semaphore, #tpu.memory_space<semaphore_mem>>)
    %scan3A = arith.constant 0 : i32
    %scan3A_105 = arith.constant 0 : i32
    %scan3A_106 = arith.constant 10 : i32
    %scan3A_107 = arith.addi %scan3A_105, %scan3A_106 : i32
    %scan3A_108 = arith.constant 1 : i32
    %scan3A_109 = scf.for %scan3A_168 = %scan3A_105 to %scan3A_107 step %scan3A_108 iter_args(%scan3A_169 = %scan3A) -> (i32)  : i32 {
      %mul3A_170 = arith.constant 8 : i32
      %mul3A_171 = arith.muli %mul3A_170, %scan3A_168 : i32
      %add3A_172 = arith.constant 0 : i32
      %add3A_173 = arith.addi %mul3A_171, %add3A_172 : i32
      %dma_wait3A_174 = arith.constant 0 : i32
      %dma_wait3A_175 = tpu.memref_slice %arg6[%add3A_173, %dma_wait3A_174] : memref<80x125xi32, #tpu.memory_space<vmem>> -> memref<1x125xi32, #tpu.memory_space<vmem>>
      %dma_wait3A_176 = tpu.memref_squeeze %dma_wait3A_175 : memref<1x125xi32, #tpu.memory_space<vmem>> -> memref<125xi32, #tpu.memory_space<vmem>>
      %dma_wait3A_177 = arith.constant 0 : i32
      %dma_wait3A_178 = arith.constant 0 : i32
      %dma_wait3A_179 = tpu.memref_slice %arg17[%dma_wait3A_177, %dma_wait3A_178] : memref<10000x16xf32, #tpu.memory_space<vmem_shared>> -> memref<10000x16xf32, #tpu.memory_space<vmem_shared>>
      tpu.wait_indirect_dma semaphore(%arg18 : memref<!tpu.dma_semaphore, #tpu.memory_space<semaphore_mem>>) src(%dma_wait3A_179 : memref<10000x16xf32, #tpu.memory_space<vmem_shared>>) dst(%arg8 : memref<125x16xf32, #tpu.memory_space<vmem>>)
      %dma_start3A_180 = arith.constant 0 : i32
      %dma_start3A_181 = tpu.memref_slice %arg7[%add3A_173, %dma_start3A_180] : memref<80x125xi32, #tpu.memory_space<vmem>> -> memref<1x125xi32, #tpu.memory_space<vmem>>
      %dma_start3A_182 = tpu.memref_squeeze %dma_start3A_181 : memref<1x125xi32, #tpu.memory_space<vmem>> -> memref<125xi32, #tpu.memory_space<vmem>>
      %dma_start3A_183 = arith.constant 0 : i32
      %dma_start3A_184 = arith.constant 0 : i32
      %dma_start3A_185 = tpu.memref_slice %arg16[%dma_start3A_183, %dma_start3A_184] : memref<10000x16xf32, #tpu.memory_space<vmem_shared>> -> memref<10000x16xf32, #tpu.memory_space<vmem_shared>>
      tpu.enqueue_indirect_dma source(%arg8 : memref<125x16xf32, #tpu.memory_space<vmem>>) target(%dma_start3A_185 : memref<10000x16xf32, #tpu.memory_space<vmem_shared>>) offsets(%dma_start3A_182 : memref<125xi32, #tpu.memory_space<vmem>>) semaphore(%arg26 : memref<!tpu.dma_semaphore, #tpu.memory_space<semaphore_mem>>) {add = true}
      %add3A_186 = arith.constant 8 : i32
      %add3A_187 = arith.addi %add3A_173, %add3A_186 : i32
      %lt3A = arith.constant 80 : i32
      %lt3A_188 = arith.cmpi slt, %add3A_187, %lt3A : i32
      %convert_element_type3A = arith.extui %lt3A_188 : i1 to i32
      %cond3A = arith.constant 0 : i32
      %cond3A_189 = arith.cmpi ne, %convert_element_type3A, %cond3A : i32
      scf.if %cond3A_189 {
        %dma_wait3A_352 = arith.constant 0 : i32
        %dma_wait3A_353 = tpu.memref_slice %arg7[%add3A_173, %dma_wait3A_352] : memref<80x125xi32, #tpu.memory_space<vmem>> -> memref<1x125xi32, #tpu.memory_space<vmem>>
        %dma_wait3A_354 = tpu.memref_squeeze %dma_wait3A_353 : memref<1x125xi32, #tpu.memory_space<vmem>> -> memref<125xi32, #tpu.memory_space<vmem>>
        %dma_wait3A_355 = arith.constant 0 : i32
        %dma_wait3A_356 = arith.constant 0 : i32
        %dma_wait3A_357 = tpu.memref_slice %arg16[%dma_wait3A_355, %dma_wait3A_356] : memref<10000x16xf32, #tpu.memory_space<vmem_shared>> -> memref<10000x16xf32, #tpu.memory_space<vmem_shared>>
        tpu.wait_indirect_dma semaphore(%arg26 : memref<!tpu.dma_semaphore, #tpu.memory_space<semaphore_mem>>) src(%arg8 : memref<125x16xf32, #tpu.memory_space<vmem>>) dst(%dma_wait3A_357 : memref<10000x16xf32, #tpu.memory_space<vmem_shared>>)
        %add3A_358 = arith.constant 8 : i32
        %add3A_359 = arith.addi %add3A_173, %add3A_358 : i32
        %dma_start3A_360 = arith.constant 0 : i32
        %dma_start3A_361 = tpu.memref_slice %arg6[%add3A_359, %dma_start3A_360] : memref<80x125xi32, #tpu.memory_space<vmem>> -> memref<1x125xi32, #tpu.memory_space<vmem>>
        %dma_start3A_362 = tpu.memref_squeeze %dma_start3A_361 : memref<1x125xi32, #tpu.memory_space<vmem>> -> memref<125xi32, #tpu.memory_space<vmem>>
        %dma_start3A_363 = arith.constant 0 : i32
        %dma_start3A_364 = arith.constant 0 : i32
        %dma_start3A_365 = tpu.memref_slice %arg17[%dma_start3A_363, %dma_start3A_364] : memref<10000x16xf32, #tpu.memory_space<vmem_shared>> -> memref<10000x16xf32, #tpu.memory_space<vmem_shared>>
        tpu.enqueue_indirect_dma source(%dma_start3A_365 : memref<10000x16xf32, #tpu.memory_space<vmem_shared>>) target(%arg8 : memref<125x16xf32, #tpu.memory_space<vmem>>) offsets(%dma_start3A_362 : memref<125xi32, #tpu.memory_space<vmem>>) semaphore(%arg18 : memref<!tpu.dma_semaphore, #tpu.memory_space<semaphore_mem>>)
      } else {
      }
      %mul3A_190 = arith.constant 8 : i32
      %mul3A_191 = arith.muli %mul3A_190, %scan3A_168 : i32
      %add3A_192 = arith.constant 1 : i32
      %add3A_193 = arith.addi %mul3A_191, %add3A_192 : i32
      %dma_wait3A_194 = arith.constant 0 : i32
      %dma_wait3A_195 = tpu.memref_slice %arg6[%add3A_193, %dma_wait3A_194] : memref<80x125xi32, #tpu.memory_space<vmem>> -> memref<1x125xi32, #tpu.memory_space<vmem>>
      %dma_wait3A_196 = tpu.memref_squeeze %dma_wait3A_195 : memref<1x125xi32, #tpu.memory_space<vmem>> -> memref<125xi32, #tpu.memory_space<vmem>>
      %dma_wait3A_197 = arith.constant 0 : i32
      %dma_wait3A_198 = arith.constant 0 : i32
      %dma_wait3A_199 = tpu.memref_slice %arg17[%dma_wait3A_197, %dma_wait3A_198] : memref<10000x16xf32, #tpu.memory_space<vmem_shared>> -> memref<10000x16xf32, #tpu.memory_space<vmem_shared>>
      tpu.wait_indirect_dma semaphore(%arg19 : memref<!tpu.dma_semaphore, #tpu.memory_space<semaphore_mem>>) src(%dma_wait3A_199 : memref<10000x16xf32, #tpu.memory_space<vmem_shared>>) dst(%arg9 : memref<125x16xf32, #tpu.memory_space<vmem>>)
      %dma_start3A_200 = arith.constant 0 : i32
      %dma_start3A_201 = tpu.memref_slice %arg7[%add3A_193, %dma_start3A_200] : memref<80x125xi32, #tpu.memory_space<vmem>> -> memref<1x125xi32, #tpu.memory_space<vmem>>
      %dma_start3A_202 = tpu.memref_squeeze %dma_start3A_201 : memref<1x125xi32, #tpu.memory_space<vmem>> -> memref<125xi32, #tpu.memory_space<vmem>>
      %dma_start3A_203 = arith.constant 0 : i32
      %dma_start3A_204 = arith.constant 0 : i32
      %dma_start3A_205 = tpu.memref_slice %arg16[%dma_start3A_203, %dma_start3A_204] : memref<10000x16xf32, #tpu.memory_space<vmem_shared>> -> memref<10000x16xf32, #tpu.memory_space<vmem_shared>>
      tpu.enqueue_indirect_dma source(%arg9 : memref<125x16xf32, #tpu.memory_space<vmem>>) target(%dma_start3A_205 : memref<10000x16xf32, #tpu.memory_space<vmem_shared>>) offsets(%dma_start3A_202 : memref<125xi32, #tpu.memory_space<vmem>>) semaphore(%arg27 : memref<!tpu.dma_semaphore, #tpu.memory_space<semaphore_mem>>) {add = true}
      %add3A_206 = arith.constant 8 : i32
      %add3A_207 = arith.addi %add3A_193, %add3A_206 : i32
      %lt3A_208 = arith.constant 80 : i32
      %lt3A_209 = arith.cmpi slt, %add3A_207, %lt3A_208 : i32
      %convert_element_type3A_210 = arith.extui %lt3A_209 : i1 to i32
      %cond3A_211 = arith.constant 0 : i32
      %cond3A_212 = arith.cmpi ne, %convert_element_type3A_210, %cond3A_211 : i32
      scf.if %cond3A_212 {
        %dma_wait3A_352 = arith.constant 0 : i32
        %dma_wait3A_353 = tpu.memref_slice %arg7[%add3A_193, %dma_wait3A_352] : memref<80x125xi32, #tpu.memory_space<vmem>> -> memref<1x125xi32, #tpu.memory_space<vmem>>
        %dma_wait3A_354 = tpu.memref_squeeze %dma_wait3A_353 : memref<1x125xi32, #tpu.memory_space<vmem>> -> memref<125xi32, #tpu.memory_space<vmem>>
        %dma_wait3A_355 = arith.constant 0 : i32
        %dma_wait3A_356 = arith.constant 0 : i32
        %dma_wait3A_357 = tpu.memref_slice %arg16[%dma_wait3A_355, %dma_wait3A_356] : memref<10000x16xf32, #tpu.memory_space<vmem_shared>> -> memref<10000x16xf32, #tpu.memory_space<vmem_shared>>
        tpu.wait_indirect_dma semaphore(%arg27 : memref<!tpu.dma_semaphore, #tpu.memory_space<semaphore_mem>>) src(%arg9 : memref<125x16xf32, #tpu.memory_space<vmem>>) dst(%dma_wait3A_357 : memref<10000x16xf32, #tpu.memory_space<vmem_shared>>)
        %add3A_358 = arith.constant 8 : i32
        %add3A_359 = arith.addi %add3A_193, %add3A_358 : i32
        %dma_start3A_360 = arith.constant 0 : i32
        %dma_start3A_361 = tpu.memref_slice %arg6[%add3A_359, %dma_start3A_360] : memref<80x125xi32, #tpu.memory_space<vmem>> -> memref<1x125xi32, #tpu.memory_space<vmem>>
        %dma_start3A_362 = tpu.memref_squeeze %dma_start3A_361 : memref<1x125xi32, #tpu.memory_space<vmem>> -> memref<125xi32, #tpu.memory_space<vmem>>
        %dma_start3A_363 = arith.constant 0 : i32
        %dma_start3A_364 = arith.constant 0 : i32
        %dma_start3A_365 = tpu.memref_slice %arg17[%dma_start3A_363, %dma_start3A_364] : memref<10000x16xf32, #tpu.memory_space<vmem_shared>> -> memref<10000x16xf32, #tpu.memory_space<vmem_shared>>
        tpu.enqueue_indirect_dma source(%dma_start3A_365 : memref<10000x16xf32, #tpu.memory_space<vmem_shared>>) target(%arg9 : memref<125x16xf32, #tpu.memory_space<vmem>>) offsets(%dma_start3A_362 : memref<125xi32, #tpu.memory_space<vmem>>) semaphore(%arg19 : memref<!tpu.dma_semaphore, #tpu.memory_space<semaphore_mem>>)
      } else {
      }
      %mul3A_213 = arith.constant 8 : i32
      %mul3A_214 = arith.muli %mul3A_213, %scan3A_168 : i32
      %add3A_215 = arith.constant 2 : i32
      %add3A_216 = arith.addi %mul3A_214, %add3A_215 : i32
      %dma_wait3A_217 = arith.constant 0 : i32
      %dma_wait3A_218 = tpu.memref_slice %arg6[%add3A_216, %dma_wait3A_217] : memref<80x125xi32, #tpu.memory_space<vmem>> -> memref<1x125xi32, #tpu.memory_space<vmem>>
      %dma_wait3A_219 = tpu.memref_squeeze %dma_wait3A_218 : memref<1x125xi32, #tpu.memory_space<vmem>> -> memref<125xi32, #tpu.memory_space<vmem>>
      %dma_wait3A_220 = arith.constant 0 : i32
      %dma_wait3A_221 = arith.constant 0 : i32
      %dma_wait3A_222 = tpu.memref_slice %arg17[%dma_wait3A_220, %dma_wait3A_221] : memref<10000x16xf32, #tpu.memory_space<vmem_shared>> -> memref<10000x16xf32, #tpu.memory_space<vmem_shared>>
      tpu.wait_indirect_dma semaphore(%arg20 : memref<!tpu.dma_semaphore, #tpu.memory_space<semaphore_mem>>) src(%dma_wait3A_222 : memref<10000x16xf32, #tpu.memory_space<vmem_shared>>) dst(%arg10 : memref<125x16xf32, #tpu.memory_space<vmem>>)
      %dma_start3A_223 = arith.constant 0 : i32
      %dma_start3A_224 = tpu.memref_slice %arg7[%add3A_216, %dma_start3A_223] : memref<80x125xi32, #tpu.memory_space<vmem>> -> memref<1x125xi32, #tpu.memory_space<vmem>>
      %dma_start3A_225 = tpu.memref_squeeze %dma_start3A_224 : memref<1x125xi32, #tpu.memory_space<vmem>> -> memref<125xi32, #tpu.memory_space<vmem>>
      %dma_start3A_226 = arith.constant 0 : i32
      %dma_start3A_227 = arith.constant 0 : i32
      %dma_start3A_228 = tpu.memref_slice %arg16[%dma_start3A_226, %dma_start3A_227] : memref<10000x16xf32, #tpu.memory_space<vmem_shared>> -> memref<10000x16xf32, #tpu.memory_space<vmem_shared>>
      tpu.enqueue_indirect_dma source(%arg10 : memref<125x16xf32, #tpu.memory_space<vmem>>) target(%dma_start3A_228 : memref<10000x16xf32, #tpu.memory_space<vmem_shared>>) offsets(%dma_start3A_225 : memref<125xi32, #tpu.memory_space<vmem>>) semaphore(%arg28 : memref<!tpu.dma_semaphore, #tpu.memory_space<semaphore_mem>>) {add = true}
      %add3A_229 = arith.constant 8 : i32
      %add3A_230 = arith.addi %add3A_216, %add3A_229 : i32
      %lt3A_231 = arith.constant 80 : i32
      %lt3A_232 = arith.cmpi slt, %add3A_230, %lt3A_231 : i32
      %convert_element_type3A_233 = arith.extui %lt3A_232 : i1 to i32
      %cond3A_234 = arith.constant 0 : i32
      %cond3A_235 = arith.cmpi ne, %convert_element_type3A_233, %cond3A_234 : i32
      scf.if %cond3A_235 {
        %dma_wait3A_352 = arith.constant 0 : i32
        %dma_wait3A_353 = tpu.memref_slice %arg7[%add3A_216, %dma_wait3A_352] : memref<80x125xi32, #tpu.memory_space<vmem>> -> memref<1x125xi32, #tpu.memory_space<vmem>>
        %dma_wait3A_354 = tpu.memref_squeeze %dma_wait3A_353 : memref<1x125xi32, #tpu.memory_space<vmem>> -> memref<125xi32, #tpu.memory_space<vmem>>
        %dma_wait3A_355 = arith.constant 0 : i32
        %dma_wait3A_356 = arith.constant 0 : i32
        %dma_wait3A_357 = tpu.memref_slice %arg16[%dma_wait3A_355, %dma_wait3A_356] : memref<10000x16xf32, #tpu.memory_space<vmem_shared>> -> memref<10000x16xf32, #tpu.memory_space<vmem_shared>>
        tpu.wait_indirect_dma semaphore(%arg28 : memref<!tpu.dma_semaphore, #tpu.memory_space<semaphore_mem>>) src(%arg10 : memref<125x16xf32, #tpu.memory_space<vmem>>) dst(%dma_wait3A_357 : memref<10000x16xf32, #tpu.memory_space<vmem_shared>>)
        %add3A_358 = arith.constant 8 : i32
        %add3A_359 = arith.addi %add3A_216, %add3A_358 : i32
        %dma_start3A_360 = arith.constant 0 : i32
        %dma_start3A_361 = tpu.memref_slice %arg6[%add3A_359, %dma_start3A_360] : memref<80x125xi32, #tpu.memory_space<vmem>> -> memref<1x125xi32, #tpu.memory_space<vmem>>
        %dma_start3A_362 = tpu.memref_squeeze %dma_start3A_361 : memref<1x125xi32, #tpu.memory_space<vmem>> -> memref<125xi32, #tpu.memory_space<vmem>>
        %dma_start3A_363 = arith.constant 0 : i32
        %dma_start3A_364 = arith.constant 0 : i32
        %dma_start3A_365 = tpu.memref_slice %arg17[%dma_start3A_363, %dma_start3A_364] : memref<10000x16xf32, #tpu.memory_space<vmem_shared>> -> memref<10000x16xf32, #tpu.memory_space<vmem_shared>>
        tpu.enqueue_indirect_dma source(%dma_start3A_365 : memref<10000x16xf32, #tpu.memory_space<vmem_shared>>) target(%arg10 : memref<125x16xf32, #tpu.memory_space<vmem>>) offsets(%dma_start3A_362 : memref<125xi32, #tpu.memory_space<vmem>>) semaphore(%arg20 : memref<!tpu.dma_semaphore, #tpu.memory_space<semaphore_mem>>)
      } else {
      }
      %mul3A_236 = arith.constant 8 : i32
      %mul3A_237 = arith.muli %mul3A_236, %scan3A_168 : i32
      %add3A_238 = arith.constant 3 : i32
      %add3A_239 = arith.addi %mul3A_237, %add3A_238 : i32
      %dma_wait3A_240 = arith.constant 0 : i32
      %dma_wait3A_241 = tpu.memref_slice %arg6[%add3A_239, %dma_wait3A_240] : memref<80x125xi32, #tpu.memory_space<vmem>> -> memref<1x125xi32, #tpu.memory_space<vmem>>
      %dma_wait3A_242 = tpu.memref_squeeze %dma_wait3A_241 : memref<1x125xi32, #tpu.memory_space<vmem>> -> memref<125xi32, #tpu.memory_space<vmem>>
      %dma_wait3A_243 = arith.constant 0 : i32
      %dma_wait3A_244 = arith.constant 0 : i32
      %dma_wait3A_245 = tpu.memref_slice %arg17[%dma_wait3A_243, %dma_wait3A_244] : memref<10000x16xf32, #tpu.memory_space<vmem_shared>> -> memref<10000x16xf32, #tpu.memory_space<vmem_shared>>
      tpu.wait_indirect_dma semaphore(%arg21 : memref<!tpu.dma_semaphore, #tpu.memory_space<semaphore_mem>>) src(%dma_wait3A_245 : memref<10000x16xf32, #tpu.memory_space<vmem_shared>>) dst(%arg11 : memref<125x16xf32, #tpu.memory_space<vmem>>)
      %dma_start3A_246 = arith.constant 0 : i32
      %dma_start3A_247 = tpu.memref_slice %arg7[%add3A_239, %dma_start3A_246] : memref<80x125xi32, #tpu.memory_space<vmem>> -> memref<1x125xi32, #tpu.memory_space<vmem>>
      %dma_start3A_248 = tpu.memref_squeeze %dma_start3A_247 : memref<1x125xi32, #tpu.memory_space<vmem>> -> memref<125xi32, #tpu.memory_space<vmem>>
      %dma_start3A_249 = arith.constant 0 : i32
      %dma_start3A_250 = arith.constant 0 : i32
      %dma_start3A_251 = tpu.memref_slice %arg16[%dma_start3A_249, %dma_start3A_250] : memref<10000x16xf32, #tpu.memory_space<vmem_shared>> -> memref<10000x16xf32, #tpu.memory_space<vmem_shared>>
      tpu.enqueue_indirect_dma source(%arg11 : memref<125x16xf32, #tpu.memory_space<vmem>>) target(%dma_start3A_251 : memref<10000x16xf32, #tpu.memory_space<vmem_shared>>) offsets(%dma_start3A_248 : memref<125xi32, #tpu.memory_space<vmem>>) semaphore(%arg29 : memref<!tpu.dma_semaphore, #tpu.memory_space<semaphore_mem>>) {add = true}
      %add3A_252 = arith.constant 8 : i32
      %add3A_253 = arith.addi %add3A_239, %add3A_252 : i32
      %lt3A_254 = arith.constant 80 : i32
      %lt3A_255 = arith.cmpi slt, %add3A_253, %lt3A_254 : i32
      %convert_element_type3A_256 = arith.extui %lt3A_255 : i1 to i32
      %cond3A_257 = arith.constant 0 : i32
      %cond3A_258 = arith.cmpi ne, %convert_element_type3A_256, %cond3A_257 : i32
      scf.if %cond3A_258 {
        %dma_wait3A_352 = arith.constant 0 : i32
        %dma_wait3A_353 = tpu.memref_slice %arg7[%add3A_239, %dma_wait3A_352] : memref<80x125xi32, #tpu.memory_space<vmem>> -> memref<1x125xi32, #tpu.memory_space<vmem>>
        %dma_wait3A_354 = tpu.memref_squeeze %dma_wait3A_353 : memref<1x125xi32, #tpu.memory_space<vmem>> -> memref<125xi32, #tpu.memory_space<vmem>>
        %dma_wait3A_355 = arith.constant 0 : i32
        %dma_wait3A_356 = arith.constant 0 : i32
        %dma_wait3A_357 = tpu.memref_slice %arg16[%dma_wait3A_355, %dma_wait3A_356] : memref<10000x16xf32, #tpu.memory_space<vmem_shared>> -> memref<10000x16xf32, #tpu.memory_space<vmem_shared>>
        tpu.wait_indirect_dma semaphore(%arg29 : memref<!tpu.dma_semaphore, #tpu.memory_space<semaphore_mem>>) src(%arg11 : memref<125x16xf32, #tpu.memory_space<vmem>>) dst(%dma_wait3A_357 : memref<10000x16xf32, #tpu.memory_space<vmem_shared>>)
        %add3A_358 = arith.constant 8 : i32
        %add3A_359 = arith.addi %add3A_239, %add3A_358 : i32
        %dma_start3A_360 = arith.constant 0 : i32
        %dma_start3A_361 = tpu.memref_slice %arg6[%add3A_359, %dma_start3A_360] : memref<80x125xi32, #tpu.memory_space<vmem>> -> memref<1x125xi32, #tpu.memory_space<vmem>>
        %dma_start3A_362 = tpu.memref_squeeze %dma_start3A_361 : memref<1x125xi32, #tpu.memory_space<vmem>> -> memref<125xi32, #tpu.memory_space<vmem>>
        %dma_start3A_363 = arith.constant 0 : i32
        %dma_start3A_364 = arith.constant 0 : i32
        %dma_start3A_365 = tpu.memref_slice %arg17[%dma_start3A_363, %dma_start3A_364] : memref<10000x16xf32, #tpu.memory_space<vmem_shared>> -> memref<10000x16xf32, #tpu.memory_space<vmem_shared>>
        tpu.enqueue_indirect_dma source(%dma_start3A_365 : memref<10000x16xf32, #tpu.memory_space<vmem_shared>>) target(%arg11 : memref<125x16xf32, #tpu.memory_space<vmem>>) offsets(%dma_start3A_362 : memref<125xi32, #tpu.memory_space<vmem>>) semaphore(%arg21 : memref<!tpu.dma_semaphore, #tpu.memory_space<semaphore_mem>>)
      } else {
      }
      %mul3A_259 = arith.constant 8 : i32
      %mul3A_260 = arith.muli %mul3A_259, %scan3A_168 : i32
      %add3A_261 = arith.constant 4 : i32
      %add3A_262 = arith.addi %mul3A_260, %add3A_261 : i32
      %dma_wait3A_263 = arith.constant 0 : i32
      %dma_wait3A_264 = tpu.memref_slice %arg6[%add3A_262, %dma_wait3A_263] : memref<80x125xi32, #tpu.memory_space<vmem>> -> memref<1x125xi32, #tpu.memory_space<vmem>>
      %dma_wait3A_265 = tpu.memref_squeeze %dma_wait3A_264 : memref<1x125xi32, #tpu.memory_space<vmem>> -> memref<125xi32, #tpu.memory_space<vmem>>
      %dma_wait3A_266 = arith.constant 0 : i32
      %dma_wait3A_267 = arith.constant 0 : i32
      %dma_wait3A_268 = tpu.memref_slice %arg17[%dma_wait3A_266, %dma_wait3A_267] : memref<10000x16xf32, #tpu.memory_space<vmem_shared>> -> memref<10000x16xf32, #tpu.memory_space<vmem_shared>>
      tpu.wait_indirect_dma semaphore(%arg22 : memref<!tpu.dma_semaphore, #tpu.memory_space<semaphore_mem>>) src(%dma_wait3A_268 : memref<10000x16xf32, #tpu.memory_space<vmem_shared>>) dst(%arg12 : memref<125x16xf32, #tpu.memory_space<vmem>>)
      %dma_start3A_269 = arith.constant 0 : i32
      %dma_start3A_270 = tpu.memref_slice %arg7[%add3A_262, %dma_start3A_269] : memref<80x125xi32, #tpu.memory_space<vmem>> -> memref<1x125xi32, #tpu.memory_space<vmem>>
      %dma_start3A_271 = tpu.memref_squeeze %dma_start3A_270 : memref<1x125xi32, #tpu.memory_space<vmem>> -> memref<125xi32, #tpu.memory_space<vmem>>
      %dma_start3A_272 = arith.constant 0 : i32
      %dma_start3A_273 = arith.constant 0 : i32
      %dma_start3A_274 = tpu.memref_slice %arg16[%dma_start3A_272, %dma_start3A_273] : memref<10000x16xf32, #tpu.memory_space<vmem_shared>> -> memref<10000x16xf32, #tpu.memory_space<vmem_shared>>
      tpu.enqueue_indirect_dma source(%arg12 : memref<125x16xf32, #tpu.memory_space<vmem>>) target(%dma_start3A_274 : memref<10000x16xf32, #tpu.memory_space<vmem_shared>>) offsets(%dma_start3A_271 : memref<125xi32, #tpu.memory_space<vmem>>) semaphore(%arg30 : memref<!tpu.dma_semaphore, #tpu.memory_space<semaphore_mem>>) {add = true}
      %add3A_275 = arith.constant 8 : i32
      %add3A_276 = arith.addi %add3A_262, %add3A_275 : i32
      %lt3A_277 = arith.constant 80 : i32
      %lt3A_278 = arith.cmpi slt, %add3A_276, %lt3A_277 : i32
      %convert_element_type3A_279 = arith.extui %lt3A_278 : i1 to i32
      %cond3A_280 = arith.constant 0 : i32
      %cond3A_281 = arith.cmpi ne, %convert_element_type3A_279, %cond3A_280 : i32
      scf.if %cond3A_281 {
        %dma_wait3A_352 = arith.constant 0 : i32
        %dma_wait3A_353 = tpu.memref_slice %arg7[%add3A_262, %dma_wait3A_352] : memref<80x125xi32, #tpu.memory_space<vmem>> -> memref<1x125xi32, #tpu.memory_space<vmem>>
        %dma_wait3A_354 = tpu.memref_squeeze %dma_wait3A_353 : memref<1x125xi32, #tpu.memory_space<vmem>> -> memref<125xi32, #tpu.memory_space<vmem>>
        %dma_wait3A_355 = arith.constant 0 : i32
        %dma_wait3A_356 = arith.constant 0 : i32
        %dma_wait3A_357 = tpu.memref_slice %arg16[%dma_wait3A_355, %dma_wait3A_356] : memref<10000x16xf32, #tpu.memory_space<vmem_shared>> -> memref<10000x16xf32, #tpu.memory_space<vmem_shared>>
        tpu.wait_indirect_dma semaphore(%arg30 : memref<!tpu.dma_semaphore, #tpu.memory_space<semaphore_mem>>) src(%arg12 : memref<125x16xf32, #tpu.memory_space<vmem>>) dst(%dma_wait3A_357 : memref<10000x16xf32, #tpu.memory_space<vmem_shared>>)
        %add3A_358 = arith.constant 8 : i32
        %add3A_359 = arith.addi %add3A_262, %add3A_358 : i32
        %dma_start3A_360 = arith.constant 0 : i32
        %dma_start3A_361 = tpu.memref_slice %arg6[%add3A_359, %dma_start3A_360] : memref<80x125xi32, #tpu.memory_space<vmem>> -> memref<1x125xi32, #tpu.memory_space<vmem>>
        %dma_start3A_362 = tpu.memref_squeeze %dma_start3A_361 : memref<1x125xi32, #tpu.memory_space<vmem>> -> memref<125xi32, #tpu.memory_space<vmem>>
        %dma_start3A_363 = arith.constant 0 : i32
        %dma_start3A_364 = arith.constant 0 : i32
        %dma_start3A_365 = tpu.memref_slice %arg17[%dma_start3A_363, %dma_start3A_364] : memref<10000x16xf32, #tpu.memory_space<vmem_shared>> -> memref<10000x16xf32, #tpu.memory_space<vmem_shared>>
        tpu.enqueue_indirect_dma source(%dma_start3A_365 : memref<10000x16xf32, #tpu.memory_space<vmem_shared>>) target(%arg12 : memref<125x16xf32, #tpu.memory_space<vmem>>) offsets(%dma_start3A_362 : memref<125xi32, #tpu.memory_space<vmem>>) semaphore(%arg22 : memref<!tpu.dma_semaphore, #tpu.memory_space<semaphore_mem>>)
      } else {
      }
      %mul3A_282 = arith.constant 8 : i32
      %mul3A_283 = arith.muli %mul3A_282, %scan3A_168 : i32
      %add3A_284 = arith.constant 5 : i32
      %add3A_285 = arith.addi %mul3A_283, %add3A_284 : i32
      %dma_wait3A_286 = arith.constant 0 : i32
      %dma_wait3A_287 = tpu.memref_slice %arg6[%add3A_285, %dma_wait3A_286] : memref<80x125xi32, #tpu.memory_space<vmem>> -> memref<1x125xi32, #tpu.memory_space<vmem>>
      %dma_wait3A_288 = tpu.memref_squeeze %dma_wait3A_287 : memref<1x125xi32, #tpu.memory_space<vmem>> -> memref<125xi32, #tpu.memory_space<vmem>>
      %dma_wait3A_289 = arith.constant 0 : i32
      %dma_wait3A_290 = arith.constant 0 : i32
      %dma_wait3A_291 = tpu.memref_slice %arg17[%dma_wait3A_289, %dma_wait3A_290] : memref<10000x16xf32, #tpu.memory_space<vmem_shared>> -> memref<10000x16xf32, #tpu.memory_space<vmem_shared>>
      tpu.wait_indirect_dma semaphore(%arg23 : memref<!tpu.dma_semaphore, #tpu.memory_space<semaphore_mem>>) src(%dma_wait3A_291 : memref<10000x16xf32, #tpu.memory_space<vmem_shared>>) dst(%arg13 : memref<125x16xf32, #tpu.memory_space<vmem>>)
      %dma_start3A_292 = arith.constant 0 : i32
      %dma_start3A_293 = tpu.memref_slice %arg7[%add3A_285, %dma_start3A_292] : memref<80x125xi32, #tpu.memory_space<vmem>> -> memref<1x125xi32, #tpu.memory_space<vmem>>
      %dma_start3A_294 = tpu.memref_squeeze %dma_start3A_293 : memref<1x125xi32, #tpu.memory_space<vmem>> -> memref<125xi32, #tpu.memory_space<vmem>>
      %dma_start3A_295 = arith.constant 0 : i32
      %dma_start3A_296 = arith.constant 0 : i32
      %dma_start3A_297 = tpu.memref_slice %arg16[%dma_start3A_295, %dma_start3A_296] : memref<10000x16xf32, #tpu.memory_space<vmem_shared>> -> memref<10000x16xf32, #tpu.memory_space<vmem_shared>>
      tpu.enqueue_indirect_dma source(%arg13 : memref<125x16xf32, #tpu.memory_space<vmem>>) target(%dma_start3A_297 : memref<10000x16xf32, #tpu.memory_space<vmem_shared>>) offsets(%dma_start3A_294 : memref<125xi32, #tpu.memory_space<vmem>>) semaphore(%arg31 : memref<!tpu.dma_semaphore, #tpu.memory_space<semaphore_mem>>) {add = true}
      %add3A_298 = arith.constant 8 : i32
      %add3A_299 = arith.addi %add3A_285, %add3A_298 : i32
      %lt3A_300 = arith.constant 80 : i32
      %lt3A_301 = arith.cmpi slt, %add3A_299, %lt3A_300 : i32
      %convert_element_type3A_302 = arith.extui %lt3A_301 : i1 to i32
      %cond3A_303 = arith.constant 0 : i32
      %cond3A_304 = arith.cmpi ne, %convert_element_type3A_302, %cond3A_303 : i32
      scf.if %cond3A_304 {
        %dma_wait3A_352 = arith.constant 0 : i32
        %dma_wait3A_353 = tpu.memref_slice %arg7[%add3A_285, %dma_wait3A_352] : memref<80x125xi32, #tpu.memory_space<vmem>> -> memref<1x125xi32, #tpu.memory_space<vmem>>
        %dma_wait3A_354 = tpu.memref_squeeze %dma_wait3A_353 : memref<1x125xi32, #tpu.memory_space<vmem>> -> memref<125xi32, #tpu.memory_space<vmem>>
        %dma_wait3A_355 = arith.constant 0 : i32
        %dma_wait3A_356 = arith.constant 0 : i32
        %dma_wait3A_357 = tpu.memref_slice %arg16[%dma_wait3A_355, %dma_wait3A_356] : memref<10000x16xf32, #tpu.memory_space<vmem_shared>> -> memref<10000x16xf32, #tpu.memory_space<vmem_shared>>
        tpu.wait_indirect_dma semaphore(%arg31 : memref<!tpu.dma_semaphore, #tpu.memory_space<semaphore_mem>>) src(%arg13 : memref<125x16xf32, #tpu.memory_space<vmem>>) dst(%dma_wait3A_357 : memref<10000x16xf32, #tpu.memory_space<vmem_shared>>)
        %add3A_358 = arith.constant 8 : i32
        %add3A_359 = arith.addi %add3A_285, %add3A_358 : i32
        %dma_start3A_360 = arith.constant 0 : i32
        %dma_start3A_361 = tpu.memref_slice %arg6[%add3A_359, %dma_start3A_360] : memref<80x125xi32, #tpu.memory_space<vmem>> -> memref<1x125xi32, #tpu.memory_space<vmem>>
        %dma_start3A_362 = tpu.memref_squeeze %dma_start3A_361 : memref<1x125xi32, #tpu.memory_space<vmem>> -> memref<125xi32, #tpu.memory_space<vmem>>
        %dma_start3A_363 = arith.constant 0 : i32
        %dma_start3A_364 = arith.constant 0 : i32
        %dma_start3A_365 = tpu.memref_slice %arg17[%dma_start3A_363, %dma_start3A_364] : memref<10000x16xf32, #tpu.memory_space<vmem_shared>> -> memref<10000x16xf32, #tpu.memory_space<vmem_shared>>
        tpu.enqueue_indirect_dma source(%dma_start3A_365 : memref<10000x16xf32, #tpu.memory_space<vmem_shared>>) target(%arg13 : memref<125x16xf32, #tpu.memory_space<vmem>>) offsets(%dma_start3A_362 : memref<125xi32, #tpu.memory_space<vmem>>) semaphore(%arg23 : memref<!tpu.dma_semaphore, #tpu.memory_space<semaphore_mem>>)
      } else {
      }
      %mul3A_305 = arith.constant 8 : i32
      %mul3A_306 = arith.muli %mul3A_305, %scan3A_168 : i32
      %add3A_307 = arith.constant 6 : i32
      %add3A_308 = arith.addi %mul3A_306, %add3A_307 : i32
      %dma_wait3A_309 = arith.constant 0 : i32
      %dma_wait3A_310 = tpu.memref_slice %arg6[%add3A_308, %dma_wait3A_309] : memref<80x125xi32, #tpu.memory_space<vmem>> -> memref<1x125xi32, #tpu.memory_space<vmem>>
      %dma_wait3A_311 = tpu.memref_squeeze %dma_wait3A_310 : memref<1x125xi32, #tpu.memory_space<vmem>> -> memref<125xi32, #tpu.memory_space<vmem>>
      %dma_wait3A_312 = arith.constant 0 : i32
      %dma_wait3A_313 = arith.constant 0 : i32
      %dma_wait3A_314 = tpu.memref_slice %arg17[%dma_wait3A_312, %dma_wait3A_313] : memref<10000x16xf32, #tpu.memory_space<vmem_shared>> -> memref<10000x16xf32, #tpu.memory_space<vmem_shared>>
      tpu.wait_indirect_dma semaphore(%arg24 : memref<!tpu.dma_semaphore, #tpu.memory_space<semaphore_mem>>) src(%dma_wait3A_314 : memref<10000x16xf32, #tpu.memory_space<vmem_shared>>) dst(%arg14 : memref<125x16xf32, #tpu.memory_space<vmem>>)
      %dma_start3A_315 = arith.constant 0 : i32
      %dma_start3A_316 = tpu.memref_slice %arg7[%add3A_308, %dma_start3A_315] : memref<80x125xi32, #tpu.memory_space<vmem>> -> memref<1x125xi32, #tpu.memory_space<vmem>>
      %dma_start3A_317 = tpu.memref_squeeze %dma_start3A_316 : memref<1x125xi32, #tpu.memory_space<vmem>> -> memref<125xi32, #tpu.memory_space<vmem>>
      %dma_start3A_318 = arith.constant 0 : i32
      %dma_start3A_319 = arith.constant 0 : i32
      %dma_start3A_320 = tpu.memref_slice %arg16[%dma_start3A_318, %dma_start3A_319] : memref<10000x16xf32, #tpu.memory_space<vmem_shared>> -> memref<10000x16xf32, #tpu.memory_space<vmem_shared>>
      tpu.enqueue_indirect_dma source(%arg14 : memref<125x16xf32, #tpu.memory_space<vmem>>) target(%dma_start3A_320 : memref<10000x16xf32, #tpu.memory_space<vmem_shared>>) offsets(%dma_start3A_317 : memref<125xi32, #tpu.memory_space<vmem>>) semaphore(%arg32 : memref<!tpu.dma_semaphore, #tpu.memory_space<semaphore_mem>>) {add = true}
      %add3A_321 = arith.constant 8 : i32
      %add3A_322 = arith.addi %add3A_308, %add3A_321 : i32
      %lt3A_323 = arith.constant 80 : i32
      %lt3A_324 = arith.cmpi slt, %add3A_322, %lt3A_323 : i32
      %convert_element_type3A_325 = arith.extui %lt3A_324 : i1 to i32
      %cond3A_326 = arith.constant 0 : i32
      %cond3A_327 = arith.cmpi ne, %convert_element_type3A_325, %cond3A_326 : i32
      scf.if %cond3A_327 {
        %dma_wait3A_352 = arith.constant 0 : i32
        %dma_wait3A_353 = tpu.memref_slice %arg7[%add3A_308, %dma_wait3A_352] : memref<80x125xi32, #tpu.memory_space<vmem>> -> memref<1x125xi32, #tpu.memory_space<vmem>>
        %dma_wait3A_354 = tpu.memref_squeeze %dma_wait3A_353 : memref<1x125xi32, #tpu.memory_space<vmem>> -> memref<125xi32, #tpu.memory_space<vmem>>
        %dma_wait3A_355 = arith.constant 0 : i32
        %dma_wait3A_356 = arith.constant 0 : i32
        %dma_wait3A_357 = tpu.memref_slice %arg16[%dma_wait3A_355, %dma_wait3A_356] : memref<10000x16xf32, #tpu.memory_space<vmem_shared>> -> memref<10000x16xf32, #tpu.memory_space<vmem_shared>>
        tpu.wait_indirect_dma semaphore(%arg32 : memref<!tpu.dma_semaphore, #tpu.memory_space<semaphore_mem>>) src(%arg14 : memref<125x16xf32, #tpu.memory_space<vmem>>) dst(%dma_wait3A_357 : memref<10000x16xf32, #tpu.memory_space<vmem_shared>>)
        %add3A_358 = arith.constant 8 : i32
        %add3A_359 = arith.addi %add3A_308, %add3A_358 : i32
        %dma_start3A_360 = arith.constant 0 : i32
        %dma_start3A_361 = tpu.memref_slice %arg6[%add3A_359, %dma_start3A_360] : memref<80x125xi32, #tpu.memory_space<vmem>> -> memref<1x125xi32, #tpu.memory_space<vmem>>
        %dma_start3A_362 = tpu.memref_squeeze %dma_start3A_361 : memref<1x125xi32, #tpu.memory_space<vmem>> -> memref<125xi32, #tpu.memory_space<vmem>>
        %dma_start3A_363 = arith.constant 0 : i32
        %dma_start3A_364 = arith.constant 0 : i32
        %dma_start3A_365 = tpu.memref_slice %arg17[%dma_start3A_363, %dma_start3A_364] : memref<10000x16xf32, #tpu.memory_space<vmem_shared>> -> memref<10000x16xf32, #tpu.memory_space<vmem_shared>>
        tpu.enqueue_indirect_dma source(%dma_start3A_365 : memref<10000x16xf32, #tpu.memory_space<vmem_shared>>) target(%arg14 : memref<125x16xf32, #tpu.memory_space<vmem>>) offsets(%dma_start3A_362 : memref<125xi32, #tpu.memory_space<vmem>>) semaphore(%arg24 : memref<!tpu.dma_semaphore, #tpu.memory_space<semaphore_mem>>)
      } else {
      }
      %mul3A_328 = arith.constant 8 : i32
      %mul3A_329 = arith.muli %mul3A_328, %scan3A_168 : i32
      %add3A_330 = arith.constant 7 : i32
      %add3A_331 = arith.addi %mul3A_329, %add3A_330 : i32
      %dma_wait3A_332 = arith.constant 0 : i32
      %dma_wait3A_333 = tpu.memref_slice %arg6[%add3A_331, %dma_wait3A_332] : memref<80x125xi32, #tpu.memory_space<vmem>> -> memref<1x125xi32, #tpu.memory_space<vmem>>
      %dma_wait3A_334 = tpu.memref_squeeze %dma_wait3A_333 : memref<1x125xi32, #tpu.memory_space<vmem>> -> memref<125xi32, #tpu.memory_space<vmem>>
      %dma_wait3A_335 = arith.constant 0 : i32
      %dma_wait3A_336 = arith.constant 0 : i32
      %dma_wait3A_337 = tpu.memref_slice %arg17[%dma_wait3A_335, %dma_wait3A_336] : memref<10000x16xf32, #tpu.memory_space<vmem_shared>> -> memref<10000x16xf32, #tpu.memory_space<vmem_shared>>
      tpu.wait_indirect_dma semaphore(%arg25 : memref<!tpu.dma_semaphore, #tpu.memory_space<semaphore_mem>>) src(%dma_wait3A_337 : memref<10000x16xf32, #tpu.memory_space<vmem_shared>>) dst(%arg15 : memref<125x16xf32, #tpu.memory_space<vmem>>)
      %dma_start3A_338 = arith.constant 0 : i32
      %dma_start3A_339 = tpu.memref_slice %arg7[%add3A_331, %dma_start3A_338] : memref<80x125xi32, #tpu.memory_space<vmem>> -> memref<1x125xi32, #tpu.memory_space<vmem>>
      %dma_start3A_340 = tpu.memref_squeeze %dma_start3A_339 : memref<1x125xi32, #tpu.memory_space<vmem>> -> memref<125xi32, #tpu.memory_space<vmem>>
      %dma_start3A_341 = arith.constant 0 : i32
      %dma_start3A_342 = arith.constant 0 : i32
      %dma_start3A_343 = tpu.memref_slice %arg16[%dma_start3A_341, %dma_start3A_342] : memref<10000x16xf32, #tpu.memory_space<vmem_shared>> -> memref<10000x16xf32, #tpu.memory_space<vmem_shared>>
      tpu.enqueue_indirect_dma source(%arg15 : memref<125x16xf32, #tpu.memory_space<vmem>>) target(%dma_start3A_343 : memref<10000x16xf32, #tpu.memory_space<vmem_shared>>) offsets(%dma_start3A_340 : memref<125xi32, #tpu.memory_space<vmem>>) semaphore(%arg33 : memref<!tpu.dma_semaphore, #tpu.memory_space<semaphore_mem>>) {add = true}
      %add3A_344 = arith.constant 8 : i32
      %add3A_345 = arith.addi %add3A_331, %add3A_344 : i32
      %lt3A_346 = arith.constant 80 : i32
      %lt3A_347 = arith.cmpi slt, %add3A_345, %lt3A_346 : i32
      %convert_element_type3A_348 = arith.extui %lt3A_347 : i1 to i32
      %cond3A_349 = arith.constant 0 : i32
      %cond3A_350 = arith.cmpi ne, %convert_element_type3A_348, %cond3A_349 : i32
      scf.if %cond3A_350 {
        %dma_wait3A_352 = arith.constant 0 : i32
        %dma_wait3A_353 = tpu.memref_slice %arg7[%add3A_331, %dma_wait3A_352] : memref<80x125xi32, #tpu.memory_space<vmem>> -> memref<1x125xi32, #tpu.memory_space<vmem>>
        %dma_wait3A_354 = tpu.memref_squeeze %dma_wait3A_353 : memref<1x125xi32, #tpu.memory_space<vmem>> -> memref<125xi32, #tpu.memory_space<vmem>>
        %dma_wait3A_355 = arith.constant 0 : i32
        %dma_wait3A_356 = arith.constant 0 : i32
        %dma_wait3A_357 = tpu.memref_slice %arg16[%dma_wait3A_355, %dma_wait3A_356] : memref<10000x16xf32, #tpu.memory_space<vmem_shared>> -> memref<10000x16xf32, #tpu.memory_space<vmem_shared>>
        tpu.wait_indirect_dma semaphore(%arg33 : memref<!tpu.dma_semaphore, #tpu.memory_space<semaphore_mem>>) src(%arg15 : memref<125x16xf32, #tpu.memory_space<vmem>>) dst(%dma_wait3A_357 : memref<10000x16xf32, #tpu.memory_space<vmem_shared>>)
        %add3A_358 = arith.constant 8 : i32
        %add3A_359 = arith.addi %add3A_331, %add3A_358 : i32
        %dma_start3A_360 = arith.constant 0 : i32
        %dma_start3A_361 = tpu.memref_slice %arg6[%add3A_359, %dma_start3A_360] : memref<80x125xi32, #tpu.memory_space<vmem>> -> memref<1x125xi32, #tpu.memory_space<vmem>>
        %dma_start3A_362 = tpu.memref_squeeze %dma_start3A_361 : memref<1x125xi32, #tpu.memory_space<vmem>> -> memref<125xi32, #tpu.memory_space<vmem>>
        %dma_start3A_363 = arith.constant 0 : i32
        %dma_start3A_364 = arith.constant 0 : i32
        %dma_start3A_365 = tpu.memref_slice %arg17[%dma_start3A_363, %dma_start3A_364] : memref<10000x16xf32, #tpu.memory_space<vmem_shared>> -> memref<10000x16xf32, #tpu.memory_space<vmem_shared>>
        tpu.enqueue_indirect_dma source(%dma_start3A_365 : memref<10000x16xf32, #tpu.memory_space<vmem_shared>>) target(%arg15 : memref<125x16xf32, #tpu.memory_space<vmem>>) offsets(%dma_start3A_362 : memref<125xi32, #tpu.memory_space<vmem>>) semaphore(%arg25 : memref<!tpu.dma_semaphore, #tpu.memory_space<semaphore_mem>>)
      } else {
      }
      %scan3A_351 = arith.constant 0 : i32
      scf.yield %scan3A_351 : i32
    }
    %scan3A_110 = arith.constant 10 : i32
    %dma_wait3A_111 = arith.constant 72 : i32
    %dma_wait3A_112 = arith.constant 0 : i32
    %dma_wait3A_113 = tpu.memref_slice %arg7[%dma_wait3A_111, %dma_wait3A_112] : memref<80x125xi32, #tpu.memory_space<vmem>> -> memref<1x125xi32, #tpu.memory_space<vmem>>
    %dma_wait3A_114 = tpu.memref_squeeze %dma_wait3A_113 : memref<1x125xi32, #tpu.memory_space<vmem>> -> memref<125xi32, #tpu.memory_space<vmem>>
    %dma_wait3A_115 = arith.constant 0 : i32
    %dma_wait3A_116 = arith.constant 0 : i32
    %dma_wait3A_117 = tpu.memref_slice %arg16[%dma_wait3A_115, %dma_wait3A_116] : memref<10000x16xf32, #tpu.memory_space<vmem_shared>> -> memref<10000x16xf32, #tpu.memory_space<vmem_shared>>
    tpu.wait_indirect_dma semaphore(%arg26 : memref<!tpu.dma_semaphore, #tpu.memory_space<semaphore_mem>>) src(%arg8 : memref<125x16xf32, #tpu.memory_space<vmem>>) dst(%dma_wait3A_117 : memref<10000x16xf32, #tpu.memory_space<vmem_shared>>)
    %dma_wait3A_118 = arith.constant 73 : i32
    %dma_wait3A_119 = arith.constant 0 : i32
    %dma_wait3A_120 = tpu.memref_slice %arg7[%dma_wait3A_118, %dma_wait3A_119] : memref<80x125xi32, #tpu.memory_space<vmem>> -> memref<1x125xi32, #tpu.memory_space<vmem>>
    %dma_wait3A_121 = tpu.memref_squeeze %dma_wait3A_120 : memref<1x125xi32, #tpu.memory_space<vmem>> -> memref<125xi32, #tpu.memory_space<vmem>>
    %dma_wait3A_122 = arith.constant 0 : i32
    %dma_wait3A_123 = arith.constant 0 : i32
    %dma_wait3A_124 = tpu.memref_slice %arg16[%dma_wait3A_122, %dma_wait3A_123] : memref<10000x16xf32, #tpu.memory_space<vmem_shared>> -> memref<10000x16xf32, #tpu.memory_space<vmem_shared>>
    tpu.wait_indirect_dma semaphore(%arg27 : memref<!tpu.dma_semaphore, #tpu.memory_space<semaphore_mem>>) src(%arg9 : memref<125x16xf32, #tpu.memory_space<vmem>>) dst(%dma_wait3A_124 : memref<10000x16xf32, #tpu.memory_space<vmem_shared>>)
    %dma_wait3A_125 = arith.constant 74 : i32
    %dma_wait3A_126 = arith.constant 0 : i32
    %dma_wait3A_127 = tpu.memref_slice %arg7[%dma_wait3A_125, %dma_wait3A_126] : memref<80x125xi32, #tpu.memory_space<vmem>> -> memref<1x125xi32, #tpu.memory_space<vmem>>
    %dma_wait3A_128 = tpu.memref_squeeze %dma_wait3A_127 : memref<1x125xi32, #tpu.memory_space<vmem>> -> memref<125xi32, #tpu.memory_space<vmem>>
    %dma_wait3A_129 = arith.constant 0 : i32
    %dma_wait3A_130 = arith.constant 0 : i32
    %dma_wait3A_131 = tpu.memref_slice %arg16[%dma_wait3A_129, %dma_wait3A_130] : memref<10000x16xf32, #tpu.memory_space<vmem_shared>> -> memref<10000x16xf32, #tpu.memory_space<vmem_shared>>
    tpu.wait_indirect_dma semaphore(%arg28 : memref<!tpu.dma_semaphore, #tpu.memory_space<semaphore_mem>>) src(%arg10 : memref<125x16xf32, #tpu.memory_space<vmem>>) dst(%dma_wait3A_131 : memref<10000x16xf32, #tpu.memory_space<vmem_shared>>)
    %dma_wait3A_132 = arith.constant 75 : i32
    %dma_wait3A_133 = arith.constant 0 : i32
    %dma_wait3A_134 = tpu.memref_slice %arg7[%dma_wait3A_132, %dma_wait3A_133] : memref<80x125xi32, #tpu.memory_space<vmem>> -> memref<1x125xi32, #tpu.memory_space<vmem>>
    %dma_wait3A_135 = tpu.memref_squeeze %dma_wait3A_134 : memref<1x125xi32, #tpu.memory_space<vmem>> -> memref<125xi32, #tpu.memory_space<vmem>>
    %dma_wait3A_136 = arith.constant 0 : i32
    %dma_wait3A_137 = arith.constant 0 : i32
    %dma_wait3A_138 = tpu.memref_slice %arg16[%dma_wait3A_136, %dma_wait3A_137] : memref<10000x16xf32, #tpu.memory_space<vmem_shared>> -> memref<10000x16xf32, #tpu.memory_space<vmem_shared>>
    tpu.wait_indirect_dma semaphore(%arg29 : memref<!tpu.dma_semaphore, #tpu.memory_space<semaphore_mem>>) src(%arg11 : memref<125x16xf32, #tpu.memory_space<vmem>>) dst(%dma_wait3A_138 : memref<10000x16xf32, #tpu.memory_space<vmem_shared>>)
    %dma_wait3A_139 = arith.constant 76 : i32
    %dma_wait3A_140 = arith.constant 0 : i32
    %dma_wait3A_141 = tpu.memref_slice %arg7[%dma_wait3A_139, %dma_wait3A_140] : memref<80x125xi32, #tpu.memory_space<vmem>> -> memref<1x125xi32, #tpu.memory_space<vmem>>
    %dma_wait3A_142 = tpu.memref_squeeze %dma_wait3A_141 : memref<1x125xi32, #tpu.memory_space<vmem>> -> memref<125xi32, #tpu.memory_space<vmem>>
    %dma_wait3A_143 = arith.constant 0 : i32
    %dma_wait3A_144 = arith.constant 0 : i32
    %dma_wait3A_145 = tpu.memref_slice %arg16[%dma_wait3A_143, %dma_wait3A_144] : memref<10000x16xf32, #tpu.memory_space<vmem_shared>> -> memref<10000x16xf32, #tpu.memory_space<vmem_shared>>
    tpu.wait_indirect_dma semaphore(%arg30 : memref<!tpu.dma_semaphore, #tpu.memory_space<semaphore_mem>>) src(%arg12 : memref<125x16xf32, #tpu.memory_space<vmem>>) dst(%dma_wait3A_145 : memref<10000x16xf32, #tpu.memory_space<vmem_shared>>)
    %dma_wait3A_146 = arith.constant 77 : i32
    %dma_wait3A_147 = arith.constant 0 : i32
    %dma_wait3A_148 = tpu.memref_slice %arg7[%dma_wait3A_146, %dma_wait3A_147] : memref<80x125xi32, #tpu.memory_space<vmem>> -> memref<1x125xi32, #tpu.memory_space<vmem>>
    %dma_wait3A_149 = tpu.memref_squeeze %dma_wait3A_148 : memref<1x125xi32, #tpu.memory_space<vmem>> -> memref<125xi32, #tpu.memory_space<vmem>>
    %dma_wait3A_150 = arith.constant 0 : i32
    %dma_wait3A_151 = arith.constant 0 : i32
    %dma_wait3A_152 = tpu.memref_slice %arg16[%dma_wait3A_150, %dma_wait3A_151] : memref<10000x16xf32, #tpu.memory_space<vmem_shared>> -> memref<10000x16xf32, #tpu.memory_space<vmem_shared>>
    tpu.wait_indirect_dma semaphore(%arg31 : memref<!tpu.dma_semaphore, #tpu.memory_space<semaphore_mem>>) src(%arg13 : memref<125x16xf32, #tpu.memory_space<vmem>>) dst(%dma_wait3A_152 : memref<10000x16xf32, #tpu.memory_space<vmem_shared>>)
    %dma_wait3A_153 = arith.constant 78 : i32
    %dma_wait3A_154 = arith.constant 0 : i32
    %dma_wait3A_155 = tpu.memref_slice %arg7[%dma_wait3A_153, %dma_wait3A_154] : memref<80x125xi32, #tpu.memory_space<vmem>> -> memref<1x125xi32, #tpu.memory_space<vmem>>
    %dma_wait3A_156 = tpu.memref_squeeze %dma_wait3A_155 : memref<1x125xi32, #tpu.memory_space<vmem>> -> memref<125xi32, #tpu.memory_space<vmem>>
    %dma_wait3A_157 = arith.constant 0 : i32
    %dma_wait3A_158 = arith.constant 0 : i32
    %dma_wait3A_159 = tpu.memref_slice %arg16[%dma_wait3A_157, %dma_wait3A_158] : memref<10000x16xf32, #tpu.memory_space<vmem_shared>> -> memref<10000x16xf32, #tpu.memory_space<vmem_shared>>
    tpu.wait_indirect_dma semaphore(%arg32 : memref<!tpu.dma_semaphore, #tpu.memory_space<semaphore_mem>>) src(%arg14 : memref<125x16xf32, #tpu.memory_space<vmem>>) dst(%dma_wait3A_159 : memref<10000x16xf32, #tpu.memory_space<vmem_shared>>)
    %dma_wait3A_160 = arith.constant 79 : i32
    %dma_wait3A_161 = arith.constant 0 : i32
    %dma_wait3A_162 = tpu.memref_slice %arg7[%dma_wait3A_160, %dma_wait3A_161] : memref<80x125xi32, #tpu.memory_space<vmem>> -> memref<1x125xi32, #tpu.memory_space<vmem>>
    %dma_wait3A_163 = tpu.memref_squeeze %dma_wait3A_162 : memref<1x125xi32, #tpu.memory_space<vmem>> -> memref<125xi32, #tpu.memory_space<vmem>>
    %dma_wait3A_164 = arith.constant 0 : i32
    %dma_wait3A_165 = arith.constant 0 : i32
    %dma_wait3A_166 = tpu.memref_slice %arg16[%dma_wait3A_164, %dma_wait3A_165] : memref<10000x16xf32, #tpu.memory_space<vmem_shared>> -> memref<10000x16xf32, #tpu.memory_space<vmem_shared>>
    tpu.wait_indirect_dma semaphore(%arg33 : memref<!tpu.dma_semaphore, #tpu.memory_space<semaphore_mem>>) src(%arg15 : memref<125x16xf32, #tpu.memory_space<vmem>>) dst(%dma_wait3A_166 : memref<10000x16xf32, #tpu.memory_space<vmem_shared>>)
    %barrier3A_167 = arith.constant 0 : index
    tpu.barrier barrier_id(%barrier3A_167)
    "tpu.region"() ({
      %run_scoped3A = tpu.sem_alloc : memref<!tpu.dma_semaphore, #tpu.memory_space<semaphore_mem>>
      %dma_start3A_168 = arith.constant 0 : i32
      %dma_start3A_169 = tpu.memref_slice %arg5[%arg0, %mul3A_2, %dma_start3A_168] : memref<2x10000x16xf32, #tpu.memory_space<hbm>> -> memref<1x640x16xf32, #tpu.memory_space<hbm>>
      %dma_start3A_170 = tpu.memref_squeeze %dma_start3A_169 : memref<1x640x16xf32, #tpu.memory_space<hbm>> -> memref<640x16xf32, #tpu.memory_space<hbm>>
      %dma_start3A_171 = arith.constant 0 : i32
      %dma_start3A_172 = tpu.memref_slice %arg16[%mul3A_2, %dma_start3A_171] : memref<10000x16xf32, #tpu.memory_space<vmem_shared>> -> memref<640x16xf32, #tpu.memory_space<vmem_shared>>
      tpu.enqueue_dma source(%dma_start3A_172 : memref<640x16xf32, #tpu.memory_space<vmem_shared>>) target(%dma_start3A_170 : memref<640x16xf32, #tpu.memory_space<hbm>>) target_semaphore(%run_scoped3A : memref<!tpu.dma_semaphore, #tpu.memory_space<semaphore_mem>>)
      %dma_wait3A_173 = arith.constant 0 : i32
      %dma_wait3A_174 = tpu.memref_slice %arg5[%arg0, %mul3A_2, %dma_wait3A_173] : memref<2x10000x16xf32, #tpu.memory_space<hbm>> -> memref<1x640x16xf32, #tpu.memory_space<hbm>>
      %dma_wait3A_175 = tpu.memref_squeeze %dma_wait3A_174 : memref<1x640x16xf32, #tpu.memory_space<hbm>> -> memref<640x16xf32, #tpu.memory_space<hbm>>
      %dma_wait3A_176 = arith.constant 0 : i32
      %dma_wait3A_177 = tpu.memref_slice %arg16[%mul3A_2, %dma_wait3A_176] : memref<10000x16xf32, #tpu.memory_space<vmem_shared>> -> memref<640x16xf32, #tpu.memory_space<vmem_shared>>
      tpu.wait_dma2 semaphore(%run_scoped3A : memref<!tpu.dma_semaphore, #tpu.memory_space<semaphore_mem>>) src(%dma_wait3A_177 : memref<640x16xf32, #tpu.memory_space<vmem_shared>>) dst(%dma_wait3A_175 : memref<640x16xf32, #tpu.memory_space<hbm>>)
      tpu.yield
    }) : () -> ()
    return
  }
}

module attributes {stable_mosaic.version = 14 : i64} {
  func.func @body(%arg0: i32, %arg1: memref<5000x128xf32, #tpu.memory_space<vmem>>, %arg2: memref<128x32xf32, #tpu.memory_space<vmem>>, %arg3: memref<1x32xf32, #tpu.memory_space<vmem>>, %arg4: memref<5000x32xf32, #tpu.memory_space<vmem>>) attributes {dimension_semantics = [#tpu.dimension_semantics<arbitrary>], iteration_bounds = array<i64: 2>, scalar_prefetch = 0 : i64, scratch_operands = 0 : i64, tpu.core_type = #tpu.core_type<tc>, window_params = [{transform_indices = @transform_0, window_bounds = array<i64: 5000, 128>}, {pipeline_mode = #tpu.pipeline_mode<synchronous>, transform_indices = @transform_1, window_bounds = array<i64: 128, 32>}, {pipeline_mode = #tpu.pipeline_mode<synchronous>, transform_indices = @transform_2, window_bounds = array<i64: 1, 32>}, {transform_indices = @transform_3, window_bounds = array<i64: 5000, 32>}]} {
    %get3A = arith.constant 0 : index
    %get3A_0 = arith.constant 0 : index
    %get3A_1 = vector.load %arg1[%get3A, %get3A_0] : memref<5000x128xf32, #tpu.memory_space<vmem>>, vector<5000x128xf32>
    %get3A_2 = arith.constant 0 : index
    %get3A_3 = arith.constant 0 : index
    %get3A_4 = vector.load %arg2[%get3A_2, %get3A_3] : memref<128x32xf32, #tpu.memory_space<vmem>>, vector<128x32xf32>
    %dot_general3A = arith.constant dense<0.000000e+00> : vector<5000x32xf32>
    %dot_general3A_5 = tpu.matmul %get3A_1, %get3A_4, %dot_general3A {dimension_numbers = #tpu.dot_dimension_numbers<[1], [0], [0], [1], [0, 0, 1, 1], [], []>, transpose_lhs_hint = false} : vector<5000x128xf32>, vector<128x32xf32>, vector<5000x32xf32> -> vector<5000x32xf32>
    %get3A_6 = arith.constant 0 : index
    %get3A_7 = arith.constant 0 : index
    %get3A_8 = vector.load %arg3[%get3A_6, %get3A_7] : memref<1x32xf32, #tpu.memory_space<vmem>>, vector<1x32xf32>
    %add3A = vector.broadcast %get3A_8 : vector<1x32xf32> to vector<5000x32xf32>
    %add3A_9 = arith.addf %dot_general3A_5, %add3A : vector<5000x32xf32>
    %max3A = arith.constant 0.000000e+00 : f32
    %max3A_10 = vector.broadcast %max3A : f32 to vector<5000x32xf32>
    %max3A_11 = arith.maximumf %add3A_9, %max3A_10 : vector<5000x32xf32>
    %swap3A = arith.constant 0 : index
    %swap3A_12 = arith.constant 0 : index
    %swap3A_13 = vector.load %arg4[%swap3A, %swap3A_12] : memref<5000x32xf32, #tpu.memory_space<vmem>>, vector<5000x32xf32>
    tpu.vector_store %arg4[%swap3A, %swap3A_12], %max3A_11 {strides = array<i32>} : memref<5000x32xf32, #tpu.memory_space<vmem>>, vector<5000x32xf32>,
    return
  }
  func.func @transform_0(%arg0: i32) -> (i32, i32) {
    %c0_i32 = arith.constant 0 : i32
    %c0_i32_0 = arith.constant 0 : i32
    return %arg0, %c0_i32 : i32, i32
  }
  func.func @transform_1(%arg0: i32) -> (i32, i32) {
    %c0_i32 = arith.constant 0 : i32
    %c0_i32_0 = arith.constant 0 : i32
    %c0_i32_1 = arith.constant 0 : i32
    return %c0_i32, %c0_i32_0 : i32, i32
  }
  func.func @transform_2(%arg0: i32) -> (i32, i32) {
    %c0_i32 = arith.constant 0 : i32
    %c0_i32_0 = arith.constant 0 : i32
    %c0_i32_1 = arith.constant 0 : i32
    return %c0_i32, %c0_i32_0 : i32, i32
  }
  func.func @transform_3(%arg0: i32) -> (i32, i32) {
    %c0_i32 = arith.constant 0 : i32
    %c0_i32_0 = arith.constant 0 : i32
    return %arg0, %c0_i32 : i32, i32
  }
}

module attributes {stable_mosaic.version = 14 : i64} {
  func.func @body(%arg0: i32, %arg1: memref<5000x128xf32, #tpu.memory_space<vmem>>, %arg2: memref<2x5000x32xf32, #tpu.memory_space<vmem>>, %arg3: memref<2x5000x8xf32, #tpu.memory_space<vmem>>, %arg4: memref<160x64xf32, #tpu.memory_space<vmem>>, %arg5: memref<1x64xf32, #tpu.memory_space<vmem>>, %arg6: memref<64x16xf32, #tpu.memory_space<vmem>>, %arg7: memref<1x16xf32, #tpu.memory_space<vmem>>, %arg8: memref<5000x64xf32, #tpu.memory_space<vmem>>, %arg9: memref<5000x16xf32, #tpu.memory_space<vmem>>, %arg10: memref<5000x1xf32, #tpu.memory_space<vmem>>) attributes {dimension_semantics = [#tpu.dimension_semantics<arbitrary>], iteration_bounds = array<i64: 2>, scalar_prefetch = 0 : i64, scratch_operands = 0 : i64, tpu.core_type = #tpu.core_type<tc>, window_params = [{transform_indices = @transform_0, window_bounds = array<i64: 5000, 128>}, {transform_indices = @transform_1, window_bounds = array<i64: 2, 5000, 32>}, {transform_indices = @transform_2, window_bounds = array<i64: 2, 5000, 8>}, {pipeline_mode = #tpu.pipeline_mode<synchronous>, transform_indices = @transform_3, window_bounds = array<i64: 160, 64>}, {pipeline_mode = #tpu.pipeline_mode<synchronous>, transform_indices = @transform_4, window_bounds = array<i64: 1, 64>}, {pipeline_mode = #tpu.pipeline_mode<synchronous>, transform_indices = @transform_5, window_bounds = array<i64: 64, 16>}, {pipeline_mode = #tpu.pipeline_mode<synchronous>, transform_indices = @transform_6, window_bounds = array<i64: 1, 16>}, {transform_indices = @transform_7, window_bounds = array<i64: 5000, 64>}, {transform_indices = @transform_8, window_bounds = array<i64: 5000, 16>}, {transform_indices = @transform_9, window_bounds = array<i64: 5000, 1>}]} {
    %get3A = arith.constant 0 : index
    %get3A_0 = arith.constant 0 : index
    %get3A_1 = arith.constant 0 : index
    %get3A_2 = vector.load %arg3[%get3A, %get3A_0, %get3A_1] : memref<2x5000x8xf32, #tpu.memory_space<vmem>>, vector<1x5000x8xf32>
    %get3A_3 = vector.shape_cast %get3A_2 : vector<1x5000x8xf32> to vector<5000x8xf32>
    %get3A_4 = arith.constant 1 : index
    %get3A_5 = arith.constant 0 : index
    %get3A_6 = arith.constant 0 : index
    %get3A_7 = vector.load %arg3[%get3A_4, %get3A_5, %get3A_6] : memref<2x5000x8xf32, #tpu.memory_space<vmem>>, vector<1x5000x8xf32>
    %get3A_8 = vector.shape_cast %get3A_7 : vector<1x5000x8xf32> to vector<5000x8xf32>
    %add3A = arith.addf %get3A_3, %get3A_8 : vector<5000x8xf32>
    %slice3A = vector.extract_strided_slice %add3A {offsets = [0, 0], sizes = [5000, 1], strides = [1, 1]} : vector<5000x8xf32> to vector<5000x1xf32>
    %max3A = arith.constant 1.000000e+00 : f32
    %max3A_9 = vector.broadcast %max3A : f32 to vector<5000x1xf32>
    %max3A_10 = arith.maximumf %slice3A, %max3A_9 : vector<5000x1xf32>
    %div3A = arith.constant 1.000000e+00 : f32
    %div3A_11 = vector.broadcast %div3A : f32 to vector<5000x1xf32>
    %div3A_12 = arith.divf %div3A_11, %max3A_10 : vector<5000x1xf32>
    %get3A_13 = arith.constant 0 : index
    %get3A_14 = arith.constant 0 : index
    %get3A_15 = arith.constant 0 : index
    %get3A_16 = vector.load %arg2[%get3A_13, %get3A_14, %get3A_15] : memref<2x5000x32xf32, #tpu.memory_space<vmem>>, vector<1x5000x32xf32>
    %get3A_17 = vector.shape_cast %get3A_16 : vector<1x5000x32xf32> to vector<5000x32xf32>
    %get3A_18 = arith.constant 1 : index
    %get3A_19 = arith.constant 0 : index
    %get3A_20 = arith.constant 0 : index
    %get3A_21 = vector.load %arg2[%get3A_18, %get3A_19, %get3A_20] : memref<2x5000x32xf32, #tpu.memory_space<vmem>>, vector<1x5000x32xf32>
    %get3A_22 = vector.shape_cast %get3A_21 : vector<1x5000x32xf32> to vector<5000x32xf32>
    %add3A_23 = arith.addf %get3A_17, %get3A_22 : vector<5000x32xf32>
    %mul3A = vector.broadcast %div3A_12 : vector<5000x1xf32> to vector<5000x32xf32>
    %mul3A_24 = arith.mulf %add3A_23, %mul3A : vector<5000x32xf32>
    %get3A_25 = arith.constant 0 : index
    %get3A_26 = arith.constant 0 : index
    %get3A_27 = vector.load %arg1[%get3A_25, %get3A_26] : memref<5000x128xf32, #tpu.memory_space<vmem>>, vector<5000x128xf32>
    %get3A_28 = arith.constant 0 : index
    %get3A_29 = arith.constant 0 : index
    %get3A_30 = vector.load %arg4[%get3A_28, %get3A_29] : memref<160x64xf32, #tpu.memory_space<vmem>>, vector<128x64xf32>
    %dot_general3A = arith.constant dense<0.000000e+00> : vector<5000x64xf32>
    %dot_general3A_31 = tpu.matmul %get3A_27, %get3A_30, %dot_general3A {dimension_numbers = #tpu.dot_dimension_numbers<[1], [0], [0], [1], [0, 0, 1, 1], [], []>, transpose_lhs_hint = false} : vector<5000x128xf32>, vector<128x64xf32>, vector<5000x64xf32> -> vector<5000x64xf32>
    %get3A_32 = arith.constant 128 : index
    %get3A_33 = arith.constant 0 : index
    %get3A_34 = vector.load %arg4[%get3A_32, %get3A_33] : memref<160x64xf32, #tpu.memory_space<vmem>>, vector<32x64xf32>
    %dot_general3A_35 = arith.constant dense<0.000000e+00> : vector<5000x64xf32>
    %dot_general3A_36 = tpu.matmul %mul3A_24, %get3A_34, %dot_general3A_35 {dimension_numbers = #tpu.dot_dimension_numbers<[1], [0], [0], [1], [0, 0, 1, 1], [], []>, transpose_lhs_hint = false} : vector<5000x32xf32>, vector<32x64xf32>, vector<5000x64xf32> -> vector<5000x64xf32>
    %add3A_37 = arith.addf %dot_general3A_31, %dot_general3A_36 : vector<5000x64xf32>
    %get3A_38 = arith.constant 0 : index
    %get3A_39 = arith.constant 0 : index
    %get3A_40 = vector.load %arg5[%get3A_38, %get3A_39] : memref<1x64xf32, #tpu.memory_space<vmem>>, vector<1x64xf32>
    %add3A_41 = vector.broadcast %get3A_40 : vector<1x64xf32> to vector<5000x64xf32>
    %add3A_42 = arith.addf %add3A_37, %add3A_41 : vector<5000x64xf32>
    %max3A_43 = arith.constant 0.000000e+00 : f32
    %max3A_44 = vector.broadcast %max3A_43 : f32 to vector<5000x64xf32>
    %max3A_45 = arith.maximumf %add3A_42, %max3A_44 : vector<5000x64xf32>
    %swap3A = arith.constant 0 : index
    %swap3A_46 = arith.constant 0 : index
    %swap3A_47 = vector.load %arg8[%swap3A, %swap3A_46] : memref<5000x64xf32, #tpu.memory_space<vmem>>, vector<5000x64xf32>
    tpu.vector_store %arg8[%swap3A, %swap3A_46], %max3A_45 {strides = array<i32>} : memref<5000x64xf32, #tpu.memory_space<vmem>>, vector<5000x64xf32>,
    %get3A_48 = arith.constant 0 : index
    %get3A_49 = arith.constant 0 : index
    %get3A_50 = vector.load %arg6[%get3A_48, %get3A_49] : memref<64x16xf32, #tpu.memory_space<vmem>>, vector<64x16xf32>
    %dot_general3A_51 = arith.constant dense<0.000000e+00> : vector<5000x16xf32>
    %dot_general3A_52 = tpu.matmul %max3A_45, %get3A_50, %dot_general3A_51 {dimension_numbers = #tpu.dot_dimension_numbers<[1], [0], [0], [1], [0, 0, 1, 1], [], []>, transpose_lhs_hint = false} : vector<5000x64xf32>, vector<64x16xf32>, vector<5000x16xf32> -> vector<5000x16xf32>
    %get3A_53 = arith.constant 0 : index
    %get3A_54 = arith.constant 0 : index
    %get3A_55 = vector.load %arg7[%get3A_53, %get3A_54] : memref<1x16xf32, #tpu.memory_space<vmem>>, vector<1x16xf32>
    %add3A_56 = vector.broadcast %get3A_55 : vector<1x16xf32> to vector<5000x16xf32>
    %add3A_57 = arith.addf %dot_general3A_52, %add3A_56 : vector<5000x16xf32>
    %max3A_58 = arith.constant 0.000000e+00 : f32
    %max3A_59 = vector.broadcast %max3A_58 : f32 to vector<5000x16xf32>
    %max3A_60 = arith.maximumf %add3A_57, %max3A_59 : vector<5000x16xf32>
    %swap3A_61 = arith.constant 0 : index
    %swap3A_62 = arith.constant 0 : index
    %swap3A_63 = vector.load %arg9[%swap3A_61, %swap3A_62] : memref<5000x16xf32, #tpu.memory_space<vmem>>, vector<5000x16xf32>
    tpu.vector_store %arg9[%swap3A_61, %swap3A_62], %max3A_60 {strides = array<i32>} : memref<5000x16xf32, #tpu.memory_space<vmem>>, vector<5000x16xf32>,
    %swap3A_64 = arith.constant 0 : index
    %swap3A_65 = arith.constant 0 : index
    %swap3A_66 = vector.load %arg10[%swap3A_64, %swap3A_65] : memref<5000x1xf32, #tpu.memory_space<vmem>>, vector<5000x1xf32>
    tpu.vector_store %arg10[%swap3A_64, %swap3A_65], %div3A_12 {strides = array<i32>} : memref<5000x1xf32, #tpu.memory_space<vmem>>, vector<5000x1xf32>,
    return
  }
  func.func @transform_0(%arg0: i32) -> (i32, i32) {
    %c0_i32 = arith.constant 0 : i32
    %c0_i32_0 = arith.constant 0 : i32
    return %arg0, %c0_i32 : i32, i32
  }
  func.func @transform_1(%arg0: i32) -> (i32, i32, i32) {
    %c0_i32 = arith.constant 0 : i32
    %c0_i32_0 = arith.constant 0 : i32
    %c0_i32_1 = arith.constant 0 : i32
    return %c0_i32, %arg0, %c0_i32_0 : i32, i32, i32
  }
  func.func @transform_2(%arg0: i32) -> (i32, i32, i32) {
    %c0_i32 = arith.constant 0 : i32
    %c0_i32_0 = arith.constant 0 : i32
    %c0_i32_1 = arith.constant 0 : i32
    return %c0_i32, %arg0, %c0_i32_0 : i32, i32, i32
  }
  func.func @transform_3(%arg0: i32) -> (i32, i32) {
    %c0_i32 = arith.constant 0 : i32
    %c0_i32_0 = arith.constant 0 : i32
    %c0_i32_1 = arith.constant 0 : i32
    return %c0_i32, %c0_i32_0 : i32, i32
  }
  func.func @transform_4(%arg0: i32) -> (i32, i32) {
    %c0_i32 = arith.constant 0 : i32
    %c0_i32_0 = arith.constant 0 : i32
    %c0_i32_1 = arith.constant 0 : i32
    return %c0_i32, %c0_i32_0 : i32, i32
  }
  func.func @transform_5(%arg0: i32) -> (i32, i32) {
    %c0_i32 = arith.constant 0 : i32
    %c0_i32_0 = arith.constant 0 : i32
    %c0_i32_1 = arith.constant 0 : i32
    return %c0_i32, %c0_i32_0 : i32, i32
  }
  func.func @transform_6(%arg0: i32) -> (i32, i32) {
    %c0_i32 = arith.constant 0 : i32
    %c0_i32_0 = arith.constant 0 : i32
    %c0_i32_1 = arith.constant 0 : i32
    return %c0_i32, %c0_i32_0 : i32, i32
  }
  func.func @transform_7(%arg0: i32) -> (i32, i32) {
    %c0_i32 = arith.constant 0 : i32
    %c0_i32_0 = arith.constant 0 : i32
    return %arg0, %c0_i32 : i32, i32
  }
  func.func @transform_8(%arg0: i32) -> (i32, i32) {
    %c0_i32 = arith.constant 0 : i32
    %c0_i32_0 = arith.constant 0 : i32
    return %arg0, %c0_i32 : i32, i32
  }
  func.func @transform_9(%arg0: i32) -> (i32, i32) {
    %c0_i32 = arith.constant 0 : i32
    %c0_i32_0 = arith.constant 0 : i32
    return %arg0, %c0_i32 : i32, i32
  }
}

module attributes {stable_mosaic.version = 14 : i64} {
  func.func @body(%arg0: i32, %arg1: memref<5000x64xf32, #tpu.memory_space<vmem>>, %arg2: memref<2x5000x16xf32, #tpu.memory_space<vmem>>, %arg3: memref<5000x1xf32, #tpu.memory_space<vmem>>, %arg4: memref<80x32xf32, #tpu.memory_space<vmem>>, %arg5: memref<1x32xf32, #tpu.memory_space<vmem>>, %arg6: memref<32x1xf32, #tpu.memory_space<vmem>>, %arg7: memref<1x1xf32, #tpu.memory_space<vmem>>, %arg8: memref<5000x1xf32, #tpu.memory_space<vmem>>) attributes {dimension_semantics = [#tpu.dimension_semantics<arbitrary>], iteration_bounds = array<i64: 2>, scalar_prefetch = 0 : i64, scratch_operands = 0 : i64, tpu.core_type = #tpu.core_type<tc>, window_params = [{transform_indices = @transform_0, window_bounds = array<i64: 5000, 64>}, {transform_indices = @transform_1, window_bounds = array<i64: 2, 5000, 16>}, {transform_indices = @transform_2, window_bounds = array<i64: 5000, 1>}, {pipeline_mode = #tpu.pipeline_mode<synchronous>, transform_indices = @transform_3, window_bounds = array<i64: 80, 32>}, {pipeline_mode = #tpu.pipeline_mode<synchronous>, transform_indices = @transform_4, window_bounds = array<i64: 1, 32>}, {pipeline_mode = #tpu.pipeline_mode<synchronous>, transform_indices = @transform_5, window_bounds = array<i64: 32, 1>}, {pipeline_mode = #tpu.pipeline_mode<synchronous>, transform_indices = @transform_6, window_bounds = array<i64: 1, 1>}, {transform_indices = @transform_7, window_bounds = array<i64: 5000, 1>}]} {
    %get3A = arith.constant 0 : index
    %get3A_0 = arith.constant 0 : index
    %get3A_1 = arith.constant 0 : index
    %get3A_2 = vector.load %arg2[%get3A, %get3A_0, %get3A_1] : memref<2x5000x16xf32, #tpu.memory_space<vmem>>, vector<1x5000x16xf32>
    %get3A_3 = vector.shape_cast %get3A_2 : vector<1x5000x16xf32> to vector<5000x16xf32>
    %get3A_4 = arith.constant 1 : index
    %get3A_5 = arith.constant 0 : index
    %get3A_6 = arith.constant 0 : index
    %get3A_7 = vector.load %arg2[%get3A_4, %get3A_5, %get3A_6] : memref<2x5000x16xf32, #tpu.memory_space<vmem>>, vector<1x5000x16xf32>
    %get3A_8 = vector.shape_cast %get3A_7 : vector<1x5000x16xf32> to vector<5000x16xf32>
    %add3A = arith.addf %get3A_3, %get3A_8 : vector<5000x16xf32>
    %get3A_9 = arith.constant 0 : index
    %get3A_10 = arith.constant 0 : index
    %get3A_11 = vector.load %arg3[%get3A_9, %get3A_10] : memref<5000x1xf32, #tpu.memory_space<vmem>>, vector<5000x1xf32>
    %mul3A = vector.broadcast %get3A_11 : vector<5000x1xf32> to vector<5000x16xf32>
    %mul3A_12 = arith.mulf %add3A, %mul3A : vector<5000x16xf32>
    %get3A_13 = arith.constant 0 : index
    %get3A_14 = arith.constant 0 : index
    %get3A_15 = vector.load %arg1[%get3A_13, %get3A_14] : memref<5000x64xf32, #tpu.memory_space<vmem>>, vector<5000x64xf32>
    %get3A_16 = arith.constant 0 : index
    %get3A_17 = arith.constant 0 : index
    %get3A_18 = vector.load %arg4[%get3A_16, %get3A_17] : memref<80x32xf32, #tpu.memory_space<vmem>>, vector<64x32xf32>
    %dot_general3A = arith.constant dense<0.000000e+00> : vector<5000x32xf32>
    %dot_general3A_19 = tpu.matmul %get3A_15, %get3A_18, %dot_general3A {dimension_numbers = #tpu.dot_dimension_numbers<[1], [0], [0], [1], [0, 0, 1, 1], [], []>, transpose_lhs_hint = false} : vector<5000x64xf32>, vector<64x32xf32>, vector<5000x32xf32> -> vector<5000x32xf32>
    %get3A_20 = arith.constant 64 : index
    %get3A_21 = arith.constant 0 : index
    %get3A_22 = vector.load %arg4[%get3A_20, %get3A_21] : memref<80x32xf32, #tpu.memory_space<vmem>>, vector<16x32xf32>
    %dot_general3A_23 = arith.constant dense<0.000000e+00> : vector<5000x32xf32>
    %dot_general3A_24 = tpu.matmul %mul3A_12, %get3A_22, %dot_general3A_23 {dimension_numbers = #tpu.dot_dimension_numbers<[1], [0], [0], [1], [0, 0, 1, 1], [], []>, transpose_lhs_hint = false} : vector<5000x16xf32>, vector<16x32xf32>, vector<5000x32xf32> -> vector<5000x32xf32>
    %add3A_25 = arith.addf %dot_general3A_19, %dot_general3A_24 : vector<5000x32xf32>
    %get3A_26 = arith.constant 0 : index
    %get3A_27 = arith.constant 0 : index
    %get3A_28 = vector.load %arg5[%get3A_26, %get3A_27] : memref<1x32xf32, #tpu.memory_space<vmem>>, vector<1x32xf32>
    %add3A_29 = vector.broadcast %get3A_28 : vector<1x32xf32> to vector<5000x32xf32>
    %add3A_30 = arith.addf %add3A_25, %add3A_29 : vector<5000x32xf32>
    %max3A = arith.constant 0.000000e+00 : f32
    %max3A_31 = vector.broadcast %max3A : f32 to vector<5000x32xf32>
    %max3A_32 = arith.maximumf %add3A_30, %max3A_31 : vector<5000x32xf32>
    %get3A_33 = arith.constant 0 : index
    %get3A_34 = arith.constant 0 : index
    %get3A_35 = vector.load %arg6[%get3A_33, %get3A_34] : memref<32x1xf32, #tpu.memory_space<vmem>>, vector<32x1xf32>
    %dot_general3A_36 = arith.constant dense<0.000000e+00> : vector<5000x1xf32>
    %dot_general3A_37 = tpu.matmul %max3A_32, %get3A_35, %dot_general3A_36 {dimension_numbers = #tpu.dot_dimension_numbers<[1], [0], [0], [1], [0, 0, 1, 1], [], []>, transpose_lhs_hint = false} : vector<5000x32xf32>, vector<32x1xf32>, vector<5000x1xf32> -> vector<5000x1xf32>
    %get3A_38 = arith.constant 0 : index
    %get3A_39 = arith.constant 0 : index
    %get3A_40 = vector.load %arg7[%get3A_38, %get3A_39] : memref<1x1xf32, #tpu.memory_space<vmem>>, vector<1x1xf32>
    %add3A_41 = vector.broadcast %get3A_40 : vector<1x1xf32> to vector<5000x1xf32>
    %add3A_42 = arith.addf %dot_general3A_37, %add3A_41 : vector<5000x1xf32>
    %swap3A = arith.constant 0 : index
    %swap3A_43 = arith.constant 0 : index
    %swap3A_44 = vector.load %arg8[%swap3A, %swap3A_43] : memref<5000x1xf32, #tpu.memory_space<vmem>>, vector<5000x1xf32>
    tpu.vector_store %arg8[%swap3A, %swap3A_43], %add3A_42 {strides = array<i32>} : memref<5000x1xf32, #tpu.memory_space<vmem>>, vector<5000x1xf32>,
    return
  }
  func.func @transform_0(%arg0: i32) -> (i32, i32) {
    %c0_i32 = arith.constant 0 : i32
    %c0_i32_0 = arith.constant 0 : i32
    return %arg0, %c0_i32 : i32, i32
  }
  func.func @transform_1(%arg0: i32) -> (i32, i32, i32) {
    %c0_i32 = arith.constant 0 : i32
    %c0_i32_0 = arith.constant 0 : i32
    %c0_i32_1 = arith.constant 0 : i32
    return %c0_i32, %arg0, %c0_i32_0 : i32, i32, i32
  }
  func.func @transform_2(%arg0: i32) -> (i32, i32) {
    %c0_i32 = arith.constant 0 : i32
    %c0_i32_0 = arith.constant 0 : i32
    return %arg0, %c0_i32 : i32, i32
  }
  func.func @transform_3(%arg0: i32) -> (i32, i32) {
    %c0_i32 = arith.constant 0 : i32
    %c0_i32_0 = arith.constant 0 : i32
    %c0_i32_1 = arith.constant 0 : i32
    return %c0_i32, %c0_i32_0 : i32, i32
  }
  func.func @transform_4(%arg0: i32) -> (i32, i32) {
    %c0_i32 = arith.constant 0 : i32
    %c0_i32_0 = arith.constant 0 : i32
    %c0_i32_1 = arith.constant 0 : i32
    return %c0_i32, %c0_i32_0 : i32, i32
  }
  func.func @transform_5(%arg0: i32) -> (i32, i32) {
    %c0_i32 = arith.constant 0 : i32
    %c0_i32_0 = arith.constant 0 : i32
    %c0_i32_1 = arith.constant 0 : i32
    return %c0_i32, %c0_i32_0 : i32, i32
  }
  func.func @transform_6(%arg0: i32) -> (i32, i32) {
    %c0_i32 = arith.constant 0 : i32
    %c0_i32_0 = arith.constant 0 : i32
    %c0_i32_1 = arith.constant 0 : i32
    return %c0_i32, %c0_i32_0 : i32, i32
  }
  func.func @transform_7(%arg0: i32) -> (i32, i32) {
    %c0_i32 = arith.constant 0 : i32
    %c0_i32_0 = arith.constant 0 : i32
    return %arg0, %c0_i32 : i32, i32
  }
}

</mosaic_0001>

<sc_bundles>
// kernel: kernel.10.cloned.1.call-start
scs
__scs_entry_jumppad:
0x0: {  	(pc) =	sbr.rel $0x88, $3  }
0x1: {  	(tag) =	ssettag $0x0;
	lr =	simm.s32 $0x1  }
0x2: {  	[smem:$0x3F95] =	sst lr;
	_ =	strace $0xD0000000  }
0x3: {  	_ = 	snop  }
0x4: {  	_ = 	snop  }
0x5: {  	_ = 	snop  }
0x6: {  	_ = 	snop  }
0x7: {  	_ = 	snop  }
__scs_overlays_trampoline_lowered:
0x8: {  	[smem:$0x3FA4] =	sst s0  }
0x9: {  	[smem:$0x3FA5] =	sst s1  }
0xa: {  	[smem:$0x3FA6] =	sst s2  }
0xb: {  	[smem:$0x3FA7] =	sst s3  }
0xc: {  	[smem:$0x3FA8] =	sst s4  }
0xd: {  	[smem:$0x3FA9] =	sst s5  }
0xe: {  	[smem:$0x3FAA] =	sst s6  }
0xf: {  	[smem:$0x3FAB] =	sst s7  }
0x10: {  	[smem:$0x3FAC] =	sst s8  }
0x11: {  	[smem:$0x3FAD] =	sst s9;
	s0 =	simm.s32 @!p0 $0x0  }
0x12: {  	s1 =	sld [smem:$0x3F93];
	s0 =	simm.s32 @p0 $0x1  }
0x13: {  	[smem:$0x3FAE] =	sst s0;
	s0 =	simm.s32 @!p1 $0x0  }
0x14: {  	s2 =	sld [smem:$0x3F92];
	s0 =	simm.s32 @p1 $0x1  }
0x15: {  	[smem:$0x3FAF] =	sst s0;
	s0 =	simm.s32 @!p2 $0x0  }
0x16: {  	s3 =	sld [smem:$0x3FDB];
	s0 =	simm.s32 @p2 $0x1  }
0x17: {  	s4 =	simm.s32 $0x1BF5;
	[smem:$0x3FB1] =	sst s0  }
0x18: {  	s0 =	sld [smem:$0x3F94];
	_ =	swait.ge [sflag:s4], $0x0  }
0x19: {  	s7 =	sld [smem:$0x3F95]  }
0x1a: {  	s8 =	sadd.s32 $0xFFFFE003, lr  }
0x1b: {  	s9 =	sadd.s32 $0xFFFFFEF7, lr;
	s5 =	simm.s32 $0xFFFFFFFF;
	p2 =	slt.u32 s8, $0xFFFFF086  }
0x1c: {  	p1 =	slt.u32 s9, $0xF7A;
	s5 =	simm.s32 @!p2 $0x0  }
0x1d: {  	s5 =	simm.s32 @p1 $0x1;
	p0 =	seq.s32 s7, s2  }
0x1e: {  	s7 =	smul.u32 @!p0 $0xF7A, s2;
	p2 =	seq.s32 @!p0 s5, $0x0  }
0x1f: {  	s9 =	smul.u32 $0xF7A, s1;
	s8 =	simm.s32 @!p0 $0x1BF5;
	p2 =	por !p2, p0  }
0x20: {  	[sflag:s8] =	ssyncset.s32 @!p0 $0xFFFFF086;
	s6 =	sadd.s32 @!p0 s3, s7;
	s7 =	simm.s32 @!p0 $0x108  }
0x21: {  	s3 =	sadd.s32 s3, s9;
	s6 =	sadd.s32 @!p0 $0x88, s6;
	s7 =	simm.s32 @p2 $0x1082  }
0x22: {  	[simem:s7], [sflag:s8] =	dma.local @!p0 [hbm:s6], $0xF7A  }
0x23: {  	s9 =	sor.u32 $0xD0000000, s2;
	s6 =	simm.s32 $0x108;
	_ =	swait.ge @!p0 [sflag:s8], $0x0  }
0x24: {  	s3 =	sadd.s32 $0x88, s3;
	s6 =	simm.s32 @!p1 $0x1082;
	[sflag:s4] =	ssyncset.s32 $0xFFFFF086  }
0x25: {  	[simem:s6], [sflag:s4] =	dma.local [hbm:s3], $0xF7A  }
0x26: {  	[smem:$0x3F95] =	sst s1;
	(tag) =	ssettag s2;
	_ =	strace s9  }
0x27: {  	s1 =	sld [smem:$0x3FA5]  }
0x28: {  	s2 =	sld [smem:$0x3FA6]  }
0x29: {  	s4 =	sld [smem:$0x3FA8]  }
0x2a: {  	p0 =	seq.s32 s5, $0x0;
	s5 =	sld [smem:$0x3FA9]  }
0x2b: {  	s6 =	sld [smem:$0x3FAA]  }
0x2c: {  	s7 =	sld [smem:$0x3FAB]  }
0x2d: {  	s3 =	simm.s32 $0x108;
	s8 =	sld [smem:$0x3FAC]  }
0x2e: {  	s3 =	simm.s32 @!p0 $0x1082;
	s9 =	sld [smem:$0x3FAD]  }
0x2f: {  	lr =	sadd.s32 s0, s3;
	s0 =	sld [smem:$0x3FA4]  }
0x30: {  	s3 =	sld [smem:$0x3FA7]  }
0x31: {  	[smem:$0x3FB0] =	sst s10  }
0x32: {  	s10 =	sld [smem:$0x3FAE];
	_ =	sdelay $0x3  }
0x33: {  	p0 =	seq.s32 s10, $0x1;
	s10 =	sld [smem:$0x3FB0];
	_ =	sdelay $0x3  }
0x34: {  	[smem:$0x3FB0] =	sst s10  }
0x35: {  	s10 =	sld [smem:$0x3FAF];
	_ =	sdelay $0x3  }
0x36: {  	p1 =	seq.s32 s10, $0x1;
	s10 =	sld [smem:$0x3FB0];
	_ =	sdelay $0x3  }
0x37: {  	[smem:$0x3FB0] =	sst s10  }
0x38: {  	s10 =	sld [smem:$0x3FB1]  }
0x39: {  	_ = 	snop;
	(pc) =	sbr.ind lr, $3  }
0x3a: {  	_ = 	snop  }
0x3b: {  	_ = 	snop  }
0x3c: {  	p2 =	seq.s32 s10, $0x1;
	s10 =	sld [smem:$0x3FB0]  }
0x3d: {  	_ =	shalt  }
0x3e: {  	_ =	shalt  }
0x3f: {  	_ =	shalt  }
0x40: {  	_ =	shalt  }
0x41: {  	_ =	shalt  }
0x42: {  	_ =	shalt  }
0x43: {  	_ =	shalt  }
0x44: {  	_ =	shalt  }
0x45: {  	_ =	shalt  }
0x46: {  	_ =	shalt  }
0x47: {  	_ =	shalt  }
0x48: {  	_ =	shalt  }
0x49: {  	_ =	shalt  }
0x4a: {  	_ =	shalt  }
0x4b: {  	_ =	shalt  }
0x4c: {  	_ =	shalt  }
0x4d: {  	_ =	shalt  }
0x4e: {  	_ =	shalt  }
0x4f: {  	_ =	shalt  }
0x50: {  	_ =	shalt  }
0x51: {  	_ =	shalt  }
0x52: {  	_ =	shalt  }
0x53: {  	_ =	shalt  }
0x54: {  	_ =	shalt  }
0x55: {  	_ =	shalt  }
0x56: {  	_ =	shalt  }
0x57: {  	_ =	shalt  }
0x58: {  	_ =	shalt  }
0x59: {  	_ =	shalt  }
0x5a: {  	_ =	shalt  }
0x5b: {  	_ =	shalt  }
0x5c: {  	_ =	shalt  }
0x5d: {  	_ =	shalt  }
0x5e: {  	_ =	shalt  }
0x5f: {  	_ =	shalt  }
0x60: {  	_ =	shalt  }
0x61: {  	_ =	shalt  }
0x62: {  	_ =	shalt  }
0x63: {  	_ =	shalt  }
0x64: {  	_ =	shalt  }
0x65: {  	_ =	shalt  }
0x66: {  	_ =	shalt  }
0x67: {  	_ =	shalt  }
0x68: {  	_ =	shalt  }
0x69: {  	_ =	shalt  }
0x6a: {  	_ =	shalt  }
0x6b: {  	_ =	shalt  }
0x6c: {  	_ =	shalt  }
0x6d: {  	_ =	shalt  }
0x6e: {  	_ =	shalt  }
0x6f: {  	_ =	shalt  }
0x70: {  	_ =	shalt  }
0x71: {  	_ =	shalt  }
0x72: {  	_ =	shalt  }
0x73: {  	_ =	shalt  }
0x74: {  	_ =	shalt  }
0x75: {  	_ =	shalt  }
0x76: {  	_ =	shalt  }
0x77: {  	_ =	shalt  }
0x78: {  	_ =	shalt  }
0x79: {  	_ =	shalt  }
0x7a: {  	_ =	shalt  }
0x7b: {  	_ =	shalt  }
0x7c: {  	_ =	shalt  }
0x7d: {  	_ =	shalt  }
0x7e: {  	_ =	shalt  }
0x7f: {  	_ =	shalt  }
0x80: {  	_ =	shalt  }
0x81: {  	_ =	shalt  }
0x82: {  	_ =	shalt  }
0x83: {  	_ =	shalt  }
0x84: {  	_ =	shalt  }
0x85: {  	_ =	shalt  }
0x86: {  	_ =	shalt  }
0x87: {  	_ =	shalt  }
.Lfunc_end0:
.L_simem_size_0:
called_computation.1_lowered:
.L_overlay_start_0:
0x88: {  	s2 =	sld [smem:$0x3FD9]  }
0x89: {  	s3 =	sld [smem:$0x3FFE];
	_ =	sdelay $0x1  }
0x8a: {  	s1 =	srdreg.scid  }
0x8b: {  	s0 =	sand.u32 $0x1, s1  }
0x8c: {  	s16 =	sshll.u32 s0, $0xA;
	s2 =	sadd.s32 s3, s2  }
0x8d: {  	s2 =	sadd.s32 s2, s16  }
0x8e: {  	[smem:$0x3FBC] =	sst s2  }
0x8f: {  	_ = 	snop  }
0x90: {  	(tm) =	ssettm $0x1  }
0x91: {  	s17 =	sld [smem:$0x3FFB];
	_ =	sdelay $0x3  }
0x92: {  	_ =	strace s17  }
0x93: {  	s2 =	sld [smem:$0x3FFC];
	_ =	sdelay $0x3  }
0x94: {  	_ =	strace s2  }
0x95: {  	s2 =	sld [smem:$0x3FFD];
	_ =	sdelay $0x3  }
0x96: {  	_ =	strace s2  }
0x97: {  	_ =	strace $0x8FFFFFFF  }
0x98: {  	s18 =	sld [smem:$0x3FDB];
	_ =	sdelay $0x1  }
0x99: {  	s19 =	simm.s32 $_scs_section_size  }
0x9a: {  	s4 =	simm.s32 $_size__tile_overlayer_lowered;
	s5 =	simm.s32 $_tile_overlayer_lowered  }
0x9b: {  	s22 =	simm.s32 $0x1BFF;
	s21 =	sshll.u32 s5, $0x1;
	s2 =	sadd.s32 s19, s18  }
0x9c: {  	s6 =	simm.s32 $0x0;
	s20 =	sshll.u32 s4, $0x1;
	s4 =	sadd.s32 s21, s2  }
0x9d: {  	[timem:s6], [sflag:s22] =	dma.local [hbm:s4], s20  }
0x9e: {  	_ =	swait.ge [sflag:s22], s20  }
0x9f: {  	s3 =	ssub.s32 $0x0, s20;
	[sflag:s22] =	ssyncset.done $0x0  }
0xa0: {  	[sflag:s22] =	ssyncadd.s32 s3;
	_ =	sdelay $0x1  }
0xa1: {  	s23 =	simm.s32 $0x1B8B  }
0xa2: {  	_ =	swait.ge [sflag:s23], $0x1  }
0xa3: {  	[sflag:s23] =	ssyncset.done $0x0  }
0xa4: {  	s25 =	simm.s32 $0x1B8E;
	s24 =	sld [smem:$0x3FFE];
	[sflag:s23] =	ssyncadd.s32 $0xFFFFFFFF  }
0xa5: {  	s26 =	simm.s32 $execute0_lowered;
	[smem:$0x3FD2] =	sst s25  }
0xa6: {  	s4 =	sshll.u32 s26, $0x1;
	_ =	strace $0x80000049;
	[dreg:$0x1] =	wrdreg $0xFFFFFFFF  }
0xa7: {  	s28 =	simm.s32 $_size_execute0_lowered;
	s2 =	sadd.s32 s2, s4;
	[dreg:$0x0] =	wrdreg $0x0  }
0xa8: {  	s4 =	sshll.u32 s28, $0x1;
	[dreg:$0x2] =	wrdreg s2  }
0xa9: {  	[dreg:$0x3] =	wrdreg s4  }
0xaa: {  	[dreg:$0x4] =	wrdreg $0xC0  }
0xab: {  	_ =	task [dreg:s6], $0x5FFFF  }
0xac: {  	[dreg:$0x1] =	wrdreg $0xFFFFFFFF  }
0xad: {  	[dreg:$0x0] =	wrdreg $0x60  }
0xae: {  	[dreg:$0x2] =	wrdreg s24  }
0xaf: {  	[dreg:$0x3] =	wrdreg $0x8E800  }
0xb0: {  	[dreg:$0x4] =	wrdreg $0xB5900  }
0xb1: {  	[dreg:$0x5] =	wrdreg $0x9  }
0xb2: {  	_ =	task.clear_ibuf [dreg:s6], $0x6FFFF;
	_ =	strace $0x90000049  }
0xb3: {  	s29 =	simm.s32 $0x9;
	_ =	strace $0x8000004B  }
0xb4: {  	_ =	swait.ge [sflag:s29], $0x1  }
0xb5: {  	[sflag:s29] =	ssyncadd.s32 $0xFFFFFFFF  }
0xb6: {  	_ =	strace $0x9000004B  }
0xb7: {  	_ =	sfence  }
0xb8: {  	s30 =	sld [smem:$0x0];
	_ =	sdelay $0x2  }
0xb9: {  	s31 =	sshll.u32 s1, $0xD;
	s1 =	sshrl.u32 s1, $0x2  }
0xba: {  	s3 =	sand.u32 $0x4000, s31;
	s1 =	sadd.s32 s1, s30  }
0xbb: {  	s0 =	sor.u32 s3, s0;
	s1 =	sshll.u32 s1, $0x11  }
0xbc: {  	s0 =	sor.u32 s1, s0  }
0xbd: {  	s0 =	sadd.s32 $0x8F2B, s0  }
0xbe: {  	[sflag:s0] =	ssyncadd.remote.s32 $0x1  }
0xbf: {  	_ =	sfence.sel $0xFFFF  }
0xc0: {  	[dreg:$0x0] =	wrdreg $0xFFFFFFFF;
	(pc) =	sbr.abs _section_cstart, $3  }
0xc1: {  	[dreg:$0x1] =	wrdreg $0xFFFFFFFF  }
0xc2: {  	_ =	task.clear_ibuf [dreg:s6], $0x2FFFF;
	_ =	strace $0x9FFFFFFF  }
0xc3: {  	(tm) =	ssettm $0x7FFFFFFF  }
tec
execute0_lowered:
.L_overlay_start_1:
0x0: {  	(tag) =	ssettag $0x1  }
0x1: {  	s0 =	rddreg [dreg:$0x0]  }
0x2: {  	s2 =	rddreg [dreg:$0x1]  }
0x3: {  	s3 =	rddreg [dreg:$0x2]  }
0x4: {  	s8 =	stileid.u32;
	s1 =	srdreg.scid  }
0x5: {  	s7 =	simm.s32 $0x0;
	s17 =	simm.s32 $0x1;
	s31 =	simm.s32 $0x6F40  }
0x6: {  	s28 =	simm.s32 $0x5;
	s29 =	simm.s32 $0x7;
	s30 =	simm.s32 $0x8  }
0x7: {  	s13 =	simm.s32 $0xB;
	s9 =	simm.s32 $0x10;
	s10 =	simm.s32 $0x11  }
0x8: {  	s11 =	simm.s32 $0x0;
	s4 =	smul.u32 $0x2700, s8;
	s1 =	sand.u32 $0x1, s1  }
0x9: {  	s5 =	sshll.u32 s8, $0x1;
	[smem:$0x7FF] =	sst s7;
	s23 =	sshll.u32 s8, $0x6  }
0xa: {  	s5 =	sor.u32 s1, s5;
	s6 =	smul.u32 $0x27100, s1;
	_ =	strace $0x8000004A  }
0xb: {  	s1 =	ssub.s32 $0x2, s1;
	s8 =	sor.u32 $0x1C03, s23;
	[dreg:$0x7] =	wrdreg s23  }
0xc: {  	s25 =	sor.u32 $0x1C04, s23;
	s23 =	simm.s32 $0x7EE0;
	s18 =	sshrl.u32 s4, $0x3  }
0xd: {  	s5 =	smul.u32 $0x2800, s5;
	s19 =	sshrl.u32 s1, $0x1;
	[dreg:$0x8] =	wrdreg s8  }
0xe: {  	s21 =	sadd.s32 s4, s2;
	[dreg:$0xc] =	wrdreg s25;
	s25 =	simm.s32 $0x86B0  }
0xf: {  	s7 =	sadd.s32 s18, s0;
	s6 =	sadd.s32 s4, s6;
	s1 =	ssub.s32 s1, s19  }
0x10: {  	s4 =	sadd.s32 s4, s3;
	s14 =	sshrl.u32 s21, $0x3;
	s19 =	simm.s32 $0x3  }
0x11: {  	s21 =	simm.s32 $0x7D;
	s5 =	sshrl.u32 s5, $0x3;
	s22 =	sadd.s32 $0x20200, s7  }
0x12: {  	s6 =	sshrl.u32 s6, $0x3;
	s7 =	sadd.s32 $0x2400, s7;
	[dreg:$0x6] =	wrdreg s22  }
0x13: {  	s24 =	smax.u32 s1, $0x1;
	s26 =	sshrl.u32 s4, $0x3;
	[dreg:$0x9] =	wrdreg s7  }
0x14: {  	s1 =	simm.s32 $0xA;
	s5 =	sadd.s32 s5, s0;
	[dreg:$0xb] =	wrdreg s24  }
.Ltmp0:
0x15: {  	s0 =	sadd.s32 s6, s0;
	[dreg:$0xd] =	wrdreg s26;
	(pc) =	sbr.rel .LBB2_1-.Ltmp0, $4  }
0x16: {  	s22 =	simm.s32 $0x5000;
	s26 =	simm.s32 $0x5FA0;
	s20 =	sadd.s32 $0xC200, s5  }
0x17: {  	s24 =	simm.s32 $0xC;
	s5 =	sadd.s32 $0x16200, s5;
	[dreg:$0x4] =	wrdreg s20  }
0x18: {  	s6 =	simm.s32 $0xE;
	s0 =	sadd.s32 $0x25200, s0;
	[dreg:$0x5] =	wrdreg s5  }
0x19: {  	s7 =	simm.s32 $0xF;
	[dreg:$0xa] =	wrdreg s0;
	s5 =	simm.s32 $0xD  }
.LBB2_4:
0x1a: {  	_ =	swait.ge [sflag:s30], $0x7D0  }
0x1b: {  	[sflag:s30] =	ssyncset.done $0x0  }
0x1c: {  	s0 =	simm.s32 $0x9;
	[sflag:s30] =	ssyncadd.s32 $0xFFFFF830  }
0x1d: {  	[spmem:s2] =	stream.indirect.scatter.add.f32 [tilespmem:s25], [sflag:$0x10], $0x10, s4, s21, $0xb8;
	[tilespmem:$0xDCA0] =	vst v63  }
0x1e: {  	_ =	swait.ge [sflag:s0], $0x7D0  }
0x1f: {  	[sflag:s0] =	ssyncset.done $0x0  }
0x20: {  	[sflag:s0] =	ssyncadd.s32 $0xFFFFF830  }
0x21: {  	_ =	swait.ge [sflag:s1], $0x7D0  }
0x22: {  	[sflag:s1] =	ssyncset.done $0x0  }
0x23: {  	[sflag:s1] =	ssyncadd.s32 $0xFFFFF830  }
0x24: {  	_ =	swait.ge [sflag:s13], $0x7D0  }
0x25: {  	[sflag:s13] =	ssyncset.done $0x0  }
0x26: {  	[sflag:s13] =	ssyncadd.s32 $0xFFFFF830  }
0x27: {  	_ =	swait.ge [sflag:s24], $0x7D0  }
0x28: {  	[sflag:s24] =	ssyncset.done $0x0  }
0x29: {  	[sflag:s24] =	ssyncadd.s32 $0xFFFFF830  }
0x2a: {  	_ =	swait.ge [sflag:s5], $0x7D0  }
0x2b: {  	[sflag:s5] =	ssyncset.done $0x0  }
0x2c: {  	[sflag:s5] =	ssyncadd.s32 $0xFFFFF830  }
0x2d: {  	_ =	swait.ge [sflag:s6], $0x7D0  }
0x2e: {  	[sflag:s6] =	ssyncset.done $0x0  }
0x2f: {  	[sflag:s6] =	ssyncadd.s32 $0xFFFFF830  }
0x30: {  	_ =	swait.ge [sflag:s7], $0x7D0  }
0x31: {  	[sflag:s7] =	ssyncset.done $0x0  }
0x32: {  	[sflag:s7] =	ssyncadd.s32 $0xFFFFF830  }
0x33: {  	_ =	swait.ge [sflag:s9], $0x7D0  }
0x34: {  	[sflag:s9] =	ssyncset.done $0x0  }
0x35: {  	[sflag:s9] =	ssyncadd.s32 $0xFFFFF830  }
0x36: {  	[bflag:$0x0] =	sbarrier.arrive $0xFFFF  }
0x37: {  	s16 =	rddreg [dreg:$0x7]  }
0x38: {  	s18 =	rddreg [dreg:$0xa];
	s0 =	sor.u32 $0x1C11, s16  }
0x39: {  	[hbm:s18], [sflag:s0] =	dma.local [spmem:s14], $0x500  }
0x3a: {  	_ =	swait.ge [sflag:s10], $0x500  }
0x3b: {  	s11 =	sadd.s32 $0x1, s11;
	s20 =	rddreg [dreg:$0xb]  }
0x3c: {  	p0 =	sne.s32 s11, s20  }
.Ltmp1:
0x3d: {  	_ = 	snop;
	(pc) =	sbr.rel @!p0 .LBB2_5-.Ltmp1, $3  }
0x3e: {  	_ =	sdelay $0x1  }
0x3f: {  	[sflag:s10] =	ssyncset.done $0x0  }
0x40: {  	[sflag:s10] =	ssyncadd.s32 $0xFFFFFB00  }
.LBB2_1:
0x41: {  	s4 =	rddreg [dreg:$0x4]  }
0x42: {  	s16 =	rddreg [dreg:$0x5]  }
0x43: {  	s0 =	simm.s32 $0x0;
	s18 =	rddreg [dreg:$0x6]  }
0x44: {  	[tilespmem:s0], [sflag:$0x1] =	stream.linear.gather [hbm4b:s4+s0], $0x2800, $0x38;
	[tilespmem:$0xDCA0] =	vst v63  }
0x45: {  	s8 =	simm.s32 $0x2800;
	s20 =	rddreg [dreg:$0x8]  }
0x46: {  	[tilespmem:s8], [sflag:$0x2] =	stream.linear.gather [hbm4b:s16+s0], $0x2800, $0x38;
	[tilespmem:$0xDCA0] =	vst v63  }
0x47: {  	[spmem:s14], [sflag:s20] =	dma.local [hbm:s18], $0x500  }
0x48: {  	s4 =	rddreg [dreg:$0x9]  }
0x49: {  	s8 =	rddreg [dreg:$0xc]  }
0x4a: {  	s12 =	rddreg [dreg:$0xd]  }
0x4b: {  	[spmem:s12], [sflag:s8] =	dma.local [hbm:s4], $0x500  }
0x4c: {  	_ =	swait.ge [sflag:s17], $0x2800  }
0x4d: {  	[sflag:s17] =	ssyncset.done $0x0  }
0x4e: {  	s12 =	simm.s32 $0x2;
	[sflag:s17] =	ssyncadd.s32 $0xFFFFD800  }
0x4f: {  	_ =	swait.ge [sflag:s12], $0x2800  }
0x50: {  	[sflag:s12] =	ssyncset.done $0x0  }
0x51: {  	[sflag:s12] =	ssyncadd.s32 $0xFFFFD800  }
0x52: {  	_ =	swait.ge [sflag:s19], $0x500  }
0x53: {  	[sflag:s19] =	ssyncset.done $0x0  }
0x54: {  	s15 =	simm.s32 $0x4;
	[sflag:s19] =	ssyncadd.s32 $0xFFFFFB00  }
0x55: {  	_ =	swait.ge [sflag:s15], $0x500  }
0x56: {  	[sflag:s15] =	ssyncset.done $0x0  }
0x57: {  	[sflag:s15] =	ssyncadd.s32 $0xFFFFFB00  }
0x58: {  	[bflag:$0x0] =	sbarrier.arrive $0xFFFF  }
0x59: {  	[tilespmem:s22], [sflag:$0x1] =	stream.indirect.gather [spmem:s3], $0x10, s0, s21, $0xb8;
	[tilespmem:$0xDCA0] =	vst v63  }
0x5a: {  	s16 =	simm.s32 $0x80;
	s18 =	simm.s32 $0x57D0  }
0x5b: {  	[tilespmem:s18], [sflag:$0x2] =	stream.indirect.gather [spmem:s3], $0x10, s16, s21, $0xb8;
	[tilespmem:$0xDCA0] =	vst v63  }
0x5c: {  	s20 =	simm.s32 $0x100  }
0x5d: {  	[tilespmem:s26], [sflag:$0x3] =	stream.indirect.gather [spmem:s3], $0x10, s20, s21, $0xb8;
	[tilespmem:$0xDCA0] =	vst v63  }
0x5e: {  	s4 =	simm.s32 $0x180;
	s8 =	simm.s32 $0x6770  }
0x5f: {  	[tilespmem:s8], [sflag:$0x4] =	stream.indirect.gather [spmem:s3], $0x10, s4, s21, $0xb8;
	[tilespmem:$0xDCA0] =	vst v63  }
0x60: {  	s12 =	simm.s32 $0x200  }
0x61: {  	[tilespmem:s31], [sflag:$0x5] =	stream.indirect.gather [spmem:s3], $0x10, s12, s21, $0xb8;
	[tilespmem:$0xDCA0] =	vst v63  }
0x62: {  	s15 =	simm.s32 $0x280;
	s16 =	simm.s32 $0x7710  }
0x63: {  	[tilespmem:s16], [sflag:$0x6] =	stream.indirect.gather [spmem:s3], $0x10, s15, s21, $0xb8;
	[tilespmem:$0xDCA0] =	vst v63  }
0x64: {  	s18 =	simm.s32 $0x300  }
0x65: {  	[tilespmem:s23], [sflag:$0x7] =	stream.indirect.gather [spmem:s3], $0x10, s18, s21, $0xb8;
	[tilespmem:$0xDCA0] =	vst v63  }
0x66: {  	s20 =	simm.s32 $0x380;
	s12 =	simm.s32 $0x0  }
0x67: {  	[tilespmem:s25], [sflag:$0x8] =	stream.indirect.gather [spmem:s3], $0x10, s20, s21, $0xb8;
	[tilespmem:$0xDCA0] =	vst v63  }
.LBB2_2:
0x68: {  	_ =	swait.ge [sflag:s17], $0x7D0  }
0x69: {  	s15 =	sshra.s32 s12, $0x2;
	[sflag:s17] =	ssyncset.done $0x0  }
0x6a: {  	p0 =	seq.s32 s12, $0x9000;
	s4 =	sadd.s32 $0x2800, s15;
	[sflag:s17] =	ssyncadd.s32 $0xFFFFF830  }
0x6b: {  	[spmem:s2] =	stream.indirect.scatter.add.f32 [tilespmem:s22], [sflag:$0x9], $0x10, s4, s21, $0xb8;
	[tilespmem:$0xDCA0] =	vst v63  }
0x6c: {  	s4 =	simm.s32 @p0 $0x2  }
0x6d: {  	_ =	swait.ge @p0 [sflag:s4], $0x7D0  }
0x6e: {  	[sflag:s4] =	ssyncset.done @p0 $0x0  }
0x6f: {  	[sflag:s4] =	ssyncadd.s32 @p0 $0xFFFFF830;
	s4 =	sshra.s32 @p0 s12, $0x2  }
0x70: {  	s18 =	simm.s32 @p0 $0x7D;
	s16 =	simm.s32 @p0 $0x57D0;
	s8 =	sadd.s32 @p0 $0x2880, s4  }
0x71: {  	[spmem:s2] =	stream.indirect.scatter.add.f32 @p0 [tilespmem:s16], [sflag:$0xA], $0x10, s8, s18, $0xb8;
	[tilespmem:$0xDCA0] =	vst v63  }
0x72: {  	s8 =	simm.s32 @!p0 $0x9  }
0x73: {  	_ =	swait.ge @!p0 [sflag:s8], $0x7D0  }
0x74: {  	s0 =	simm.s32 @!p0 $0x5000;
	s16 =	sshra.s32 @!p0 s12, $0x2;
	[sflag:s8] =	ssyncset.done @!p0 $0x0  }
0x75: {  	s20 =	sadd.s32 @!p0 $0x400, s16;
	[sflag:s8] =	ssyncadd.s32 @!p0 $0xFFFFF830;
	s8 =	simm.s32 @!p0 $0x7D  }
0x76: {  	[tilespmem:s0], [sflag:$0x1] =	stream.indirect.gather @!p0 [spmem:s3], $0x10, s20, s8, $0xb8;
	[tilespmem:$0xDCA0] =	vst v63  }
0x77: {  	s0 =	simm.s32 @!p0 $0x2  }
0x78: {  	_ =	swait.ge @!p0 [sflag:s0], $0x7D0  }
0x79: {  	[sflag:s0] =	ssyncset.done @!p0 $0x0  }
0x7a: {  	s20 =	simm.s32 @!p0 $0x57D0;
	[sflag:s0] =	ssyncadd.s32 @!p0 $0xFFFFF830;
	s0 =	sadd.s32 @!p0 $0x2880, s16  }
0x7b: {  	[spmem:s2] =	stream.indirect.scatter.add.f32 @!p0 [tilespmem:s20], [sflag:$0xA], $0x10, s0, s8, $0xb8;
	[tilespmem:$0xDCA0] =	vst v63  }
0x7c: {  	s0 =	simm.s32 @!p0 $0xA  }
0x7d: {  	_ =	swait.ge @!p0 [sflag:s0], $0x7D0  }
0x7e: {  	[sflag:s0] =	ssyncset.done @!p0 $0x0  }
0x7f: {  	[sflag:s0] =	ssyncadd.s32 @!p0 $0xFFFFF830;
	s0 =	sadd.s32 @!p0 $0x480, s16  }
0x80: {  	[tilespmem:s20], [sflag:$0x2] =	stream.indirect.gather @!p0 [spmem:s3], $0x10, s0, s8, $0xb8;
	[tilespmem:$0xDCA0] =	vst v63  }
0x81: {  	_ =	swait.ge [sflag:s19], $0x7D0  }
0x82: {  	[sflag:s19] =	ssyncset.done $0x0  }
0x83: {  	s20 =	sadd.s32 $0x2900, s15;
	s0 =	simm.s32 @p0 $0x4;
	[sflag:s19] =	ssyncadd.s32 $0xFFFFF830  }
0x84: {  	[spmem:s2] =	stream.indirect.scatter.add.f32 [tilespmem:s26], [sflag:$0xB], $0x10, s20, s21, $0xb8;
	[tilespmem:$0xDCA0] =	vst v63  }
0x85: {  	_ =	swait.ge @p0 [sflag:s0], $0x7D0  }
0x86: {  	[sflag:s0] =	ssyncset.done @p0 $0x0  }
0x87: {  	s20 =	simm.s32 @p0 $0x6770;
	[sflag:s0] =	ssyncadd.s32 @p0 $0xFFFFF830;
	s0 =	sadd.s32 @p0 $0x2980, s4  }
0x88: {  	[spmem:s2] =	stream.indirect.scatter.add.f32 @p0 [tilespmem:s20], [sflag:$0xC], $0x10, s0, s18, $0xb8;
	[tilespmem:$0xDCA0] =	vst v63  }
0x89: {  	s0 =	simm.s32 @!p0 $0xB  }
0x8a: {  	_ =	swait.ge @!p0 [sflag:s0], $0x7D0  }
0x8b: {  	[sflag:s0] =	ssyncset.done @!p0 $0x0  }
0x8c: {  	s20 =	simm.s32 @!p0 $0x5FA0;
	[sflag:s0] =	ssyncadd.s32 @!p0 $0xFFFFF830;
	s0 =	sadd.s32 @!p0 $0x500, s16  }
0x8d: {  	[tilespmem:s20], [sflag:$0x3] =	stream.indirect.gather @!p0 [spmem:s3], $0x10, s0, s8, $0xb8;
	[tilespmem:$0xDCA0] =	vst v63  }
0x8e: {  	s0 =	simm.s32 @!p0 $0x4  }
0x8f: {  	_ =	swait.ge @!p0 [sflag:s0], $0x7D0  }
0x90: {  	[sflag:s0] =	ssyncset.done @!p0 $0x0  }
0x91: {  	s20 =	simm.s32 @!p0 $0x6770;
	[sflag:s0] =	ssyncadd.s32 @!p0 $0xFFFFF830;
	s0 =	sadd.s32 @!p0 $0x2980, s16  }
0x92: {  	[spmem:s2] =	stream.indirect.scatter.add.f32 @!p0 [tilespmem:s20], [sflag:$0xC], $0x10, s0, s8, $0xb8;
	[tilespmem:$0xDCA0] =	vst v63  }
0x93: {  	s0 =	simm.s32 @!p0 $0xC  }
0x94: {  	_ =	swait.ge @!p0 [sflag:s0], $0x7D0  }
0x95: {  	[sflag:s0] =	ssyncset.done @!p0 $0x0  }
0x96: {  	[sflag:s0] =	ssyncadd.s32 @!p0 $0xFFFFF830;
	s0 =	sadd.s32 @!p0 $0x580, s16  }
0x97: {  	[tilespmem:s20], [sflag:$0x4] =	stream.indirect.gather @!p0 [spmem:s3], $0x10, s0, s8, $0xb8;
	[tilespmem:$0xDCA0] =	vst v63  }
0x98: {  	_ =	swait.ge [sflag:s28], $0x7D0  }
0x99: {  	[sflag:s28] =	ssyncset.done $0x0  }
0x9a: {  	s20 =	sadd.s32 $0x2A00, s15;
	s0 =	simm.s32 @p0 $0x6;
	[sflag:s28] =	ssyncadd.s32 $0xFFFFF830  }
0x9b: {  	[spmem:s2] =	stream.indirect.scatter.add.f32 [tilespmem:s31], [sflag:$0xD], $0x10, s20, s21, $0xb8;
	[tilespmem:$0xDCA0] =	vst v63  }
0x9c: {  	_ =	swait.ge @p0 [sflag:s0], $0x7D0  }
0x9d: {  	[sflag:s0] =	ssyncset.done @p0 $0x0  }
0x9e: {  	[sflag:s0] =	ssyncadd.s32 @p0 $0xFFFFF830;
	s0 =	sadd.s32 @p0 $0x2A80, s4;
	s4 =	simm.s32 @p0 $0x7710  }
0x9f: {  	[spmem:s2] =	stream.indirect.scatter.add.f32 @p0 [tilespmem:s4], [sflag:$0xE], $0x10, s0, s18, $0xb8;
	[tilespmem:$0xDCA0] =	vst v63  }
0xa0: {  	s0 =	simm.s32 @!p0 $0xD  }
0xa1: {  	_ =	swait.ge @!p0 [sflag:s0], $0x7D0  }
0xa2: {  	[sflag:s0] =	ssyncset.done @!p0 $0x0  }
0xa3: {  	s4 =	simm.s32 @!p0 $0x6F40;
	[sflag:s0] =	ssyncadd.s32 @!p0 $0xFFFFF830;
	s0 =	sadd.s32 @!p0 $0x600, s16  }
0xa4: {  	[tilespmem:s4], [sflag:$0x5] =	stream.indirect.gather @!p0 [spmem:s3], $0x10, s0, s8, $0xb8;
	[tilespmem:$0xDCA0] =	vst v63  }
0xa5: {  	s0 =	simm.s32 @!p0 $0x6  }
0xa6: {  	_ =	swait.ge @!p0 [sflag:s0], $0x7D0  }
0xa7: {  	[sflag:s0] =	ssyncset.done @!p0 $0x0  }
0xa8: {  	s4 =	simm.s32 @!p0 $0x7710;
	[sflag:s0] =	ssyncadd.s32 @!p0 $0xFFFFF830;
	s0 =	sadd.s32 @!p0 $0x2A80, s16  }
0xa9: {  	[spmem:s2] =	stream.indirect.scatter.add.f32 @!p0 [tilespmem:s4], [sflag:$0xE], $0x10, s0, s8, $0xb8;
	[tilespmem:$0xDCA0] =	vst v63  }
0xaa: {  	s0 =	simm.s32 @!p0 $0xE  }
0xab: {  	_ =	swait.ge @!p0 [sflag:s0], $0x7D0  }
0xac: {  	[sflag:s0] =	ssyncset.done @!p0 $0x0  }
0xad: {  	[sflag:s0] =	ssyncadd.s32 @!p0 $0xFFFFF830;
	s0 =	sadd.s32 @!p0 $0x680, s16  }
0xae: {  	[tilespmem:s4], [sflag:$0x6] =	stream.indirect.gather @!p0 [spmem:s3], $0x10, s0, s8, $0xb8;
	[tilespmem:$0xDCA0] =	vst v63  }
.Ltmp2:
0xaf: {  	_ = 	snop;
	(pc) =	sbr.rel @p0 .LBB2_4-.Ltmp2, $4  }
0xb0: {  	_ =	swait.ge [sflag:s29], $0x7D0  }
0xb1: {  	[sflag:s29] =	ssyncset.done $0x0  }
0xb2: {  	s20 =	sadd.s32 $0x2B00, s15;
	s4 =	sadd.s32 $0x2B80, s15;
	[sflag:s29] =	ssyncadd.s32 $0xFFFFF830  }
0xb3: {  	[spmem:s2] =	stream.indirect.scatter.add.f32 [tilespmem:s23], [sflag:$0xF], $0x10, s20, s21, $0xb8;
	[tilespmem:$0xDCA0] =	vst v63  }
0xb4: {  	_ =	swait.ge [sflag:s7], $0x7D0  }
0xb5: {  	[sflag:s7] =	ssyncset.done $0x0  }
0xb6: {  	s0 =	sadd.s32 $0x700, s15;
	[sflag:s7] =	ssyncadd.s32 $0xFFFFF830  }
0xb7: {  	[tilespmem:s23], [sflag:$0x7] =	stream.indirect.gather [spmem:s3], $0x10, s0, s21, $0xb8;
	[tilespmem:$0xDCA0] =	vst v63  }
0xb8: {  	_ =	swait.ge [sflag:s30], $0x7D0  }
0xb9: {  	[sflag:s30] =	ssyncset.done $0x0  }
0xba: {  	[sflag:s30] =	ssyncadd.s32 $0xFFFFF830  }
0xbb: {  	[spmem:s2] =	stream.indirect.scatter.add.f32 [tilespmem:s25], [sflag:$0x10], $0x10, s4, s21, $0xb8;
	[tilespmem:$0xDCA0] =	vst v63  }
.Ltmp3:
0xbc: {  	_ = 	snop;
	(pc) =	sbr.rel .LBB2_2-.Ltmp3, $4  }
0xbd: {  	_ =	swait.ge [sflag:s9], $0x7D0  }
0xbe: {  	[sflag:s9] =	ssyncset.done $0x0  }
0xbf: {  	s20 =	sadd.s32 $0x780, s15;
	s12 =	sadd.s32 $0x1000, s12;
	[sflag:s9] =	ssyncadd.s32 $0xFFFFF830  }
0xc0: {  	[tilespmem:s25], [sflag:$0x8] =	stream.indirect.gather [spmem:s3], $0x10, s20, s21, $0xb8;
	[tilespmem:$0xDCA0] =	vst v63  }
.LBB2_5:
0xc1: {  	_ =	sfence.sel $0x180000  }
0xc2: {  	[bflag:$0x0] =	sbarrier.arrive $0xFFFF  }
0xc3: {  	_ =	strace $0x9000004A  }
0xc4: {  	s0 =	stileid.u32;
	[bflag:$0x2] =	sbarrier.arrive $0xFFFF  }
0xc5: {  	p0 =	sne.s32 s0, $0x0;
	s0 =	rddreg [dreg:$0x3]  }
0xc6: {  	s0 =	sadd.s32 @!p0 $0x100000, s0  }
0xc7: {  	[sflag:s0] =	ssyncadd.tile.s32 @!p0 $0x1;
	_ =	shalt  }
.Lfunc_end2:
_tile_overlayer_lowered:
.L_overlay_start_2:
0xc8: {  	(tag) =	ssettag $0x2  }
0xc9: {  	s0 =	rddreg [dreg:$0x0];
	s2 =	stileid.u32  }
0xca: {  	s1 =	rddreg [dreg:$0x1];
	p0 =	sne.s32 s2, $0x0  }
0xcb: {  	s3 =	rddreg [dreg:$0x2];
	[bflag:$0x3] =	sbarrier.arrive $0xFFFF;
	s2 =	simm.s32 @!p0 $0x1C11  }
0xcc: {  	[timem:s3], [sflag:s2] =	dma.local @!p0 [hbm:s0], s1  }
0xcd: {  	s0 =	simm.s32 @!p0 $0x11  }
0xce: {  	_ =	swait.ge @!p0 [sflag:s0], s1  }
0xcf: {  	s1 =	ssub.s32 @!p0 $0x0, s1;
	[sflag:s0] =	ssyncset.done @!p0 $0x0  }
0xd0: {  	[sflag:s0] =	ssyncadd.s32 @!p0 s1  }
0xd1: {  	[bflag:$0x3] =	sbarrier.arrive $0xFFFF  }
0xd2: {  	_ =	shalt  }

// kernel: kernel.7.cloned.1.call-start
scs
__scs_entry_jumppad:
0x0: {  	(pc) =	sbr.rel $0x88, $3  }
0x1: {  	(tag) =	ssettag $0x0;
	lr =	simm.s32 $0x1  }
0x2: {  	[smem:$0x3F95] =	sst lr;
	_ =	strace $0xD0000000  }
0x3: {  	_ = 	snop  }
0x4: {  	_ = 	snop  }
0x5: {  	_ = 	snop  }
0x6: {  	_ = 	snop  }
0x7: {  	_ = 	snop  }
__scs_overlays_trampoline_lowered:
0x8: {  	[smem:$0x3FA4] =	sst s0  }
0x9: {  	[smem:$0x3FA5] =	sst s1  }
0xa: {  	[smem:$0x3FA6] =	sst s2  }
0xb: {  	[smem:$0x3FA7] =	sst s3  }
0xc: {  	[smem:$0x3FA8] =	sst s4  }
0xd: {  	[smem:$0x3FA9] =	sst s5  }
0xe: {  	[smem:$0x3FAA] =	sst s6  }
0xf: {  	[smem:$0x3FAB] =	sst s7  }
0x10: {  	[smem:$0x3FAC] =	sst s8  }
0x11: {  	[smem:$0x3FAD] =	sst s9;
	s0 =	simm.s32 @!p0 $0x0  }
0x12: {  	s1 =	sld [smem:$0x3F93];
	s0 =	simm.s32 @p0 $0x1  }
0x13: {  	[smem:$0x3FAE] =	sst s0;
	s0 =	simm.s32 @!p1 $0x0  }
0x14: {  	s2 =	sld [smem:$0x3F92];
	s0 =	simm.s32 @p1 $0x1  }
0x15: {  	[smem:$0x3FAF] =	sst s0;
	s0 =	simm.s32 @!p2 $0x0  }
0x16: {  	s3 =	sld [smem:$0x3FDB];
	s0 =	simm.s32 @p2 $0x1  }
0x17: {  	s4 =	simm.s32 $0x1BF5;
	[smem:$0x3FB1] =	sst s0  }
0x18: {  	s0 =	sld [smem:$0x3F94];
	_ =	swait.ge [sflag:s4], $0x0  }
0x19: {  	s7 =	sld [smem:$0x3F95]  }
0x1a: {  	s8 =	sadd.s32 $0xFFFFE003, lr  }
0x1b: {  	s9 =	sadd.s32 $0xFFFFFEF7, lr;
	s5 =	simm.s32 $0xFFFFFFFF;
	p2 =	slt.u32 s8, $0xFFFFF086  }
0x1c: {  	p1 =	slt.u32 s9, $0xF7A;
	s5 =	simm.s32 @!p2 $0x0  }
0x1d: {  	s5 =	simm.s32 @p1 $0x1;
	p0 =	seq.s32 s7, s2  }
0x1e: {  	s7 =	smul.u32 @!p0 $0xF7A, s2;
	p2 =	seq.s32 @!p0 s5, $0x0  }
0x1f: {  	s9 =	smul.u32 $0xF7A, s1;
	s8 =	simm.s32 @!p0 $0x1BF5;
	p2 =	por !p2, p0  }
0x20: {  	[sflag:s8] =	ssyncset.s32 @!p0 $0xFFFFF086;
	s6 =	sadd.s32 @!p0 s3, s7;
	s7 =	simm.s32 @!p0 $0x108  }
0x21: {  	s3 =	sadd.s32 s3, s9;
	s6 =	sadd.s32 @!p0 $0x88, s6;
	s7 =	simm.s32 @p2 $0x1082  }
0x22: {  	[simem:s7], [sflag:s8] =	dma.local @!p0 [hbm:s6], $0xF7A  }
0x23: {  	s9 =	sor.u32 $0xD0000000, s2;
	s6 =	simm.s32 $0x108;
	_ =	swait.ge @!p0 [sflag:s8], $0x0  }
0x24: {  	s3 =	sadd.s32 $0x88, s3;
	s6 =	simm.s32 @!p1 $0x1082;
	[sflag:s4] =	ssyncset.s32 $0xFFFFF086  }
0x25: {  	[simem:s6], [sflag:s4] =	dma.local [hbm:s3], $0xF7A  }
0x26: {  	[smem:$0x3F95] =	sst s1;
	(tag) =	ssettag s2;
	_ =	strace s9  }
0x27: {  	s1 =	sld [smem:$0x3FA5]  }
0x28: {  	s2 =	sld [smem:$0x3FA6]  }
0x29: {  	s4 =	sld [smem:$0x3FA8]  }
0x2a: {  	p0 =	seq.s32 s5, $0x0;
	s5 =	sld [smem:$0x3FA9]  }
0x2b: {  	s6 =	sld [smem:$0x3FAA]  }
0x2c: {  	s7 =	sld [smem:$0x3FAB]  }
0x2d: {  	s3 =	simm.s32 $0x108;
	s8 =	sld [smem:$0x3FAC]  }
0x2e: {  	s3 =	simm.s32 @!p0 $0x1082;
	s9 =	sld [smem:$0x3FAD]  }
0x2f: {  	lr =	sadd.s32 s0, s3;
	s0 =	sld [smem:$0x3FA4]  }
0x30: {  	s3 =	sld [smem:$0x3FA7]  }
0x31: {  	[smem:$0x3FB0] =	sst s10  }
0x32: {  	s10 =	sld [smem:$0x3FAE];
	_ =	sdelay $0x3  }
0x33: {  	p0 =	seq.s32 s10, $0x1;
	s10 =	sld [smem:$0x3FB0];
	_ =	sdelay $0x3  }
0x34: {  	[smem:$0x3FB0] =	sst s10  }
0x35: {  	s10 =	sld [smem:$0x3FAF];
	_ =	sdelay $0x3  }
0x36: {  	p1 =	seq.s32 s10, $0x1;
	s10 =	sld [smem:$0x3FB0];
	_ =	sdelay $0x3  }
0x37: {  	[smem:$0x3FB0] =	sst s10  }
0x38: {  	s10 =	sld [smem:$0x3FB1]  }
0x39: {  	_ = 	snop;
	(pc) =	sbr.ind lr, $3  }
0x3a: {  	_ = 	snop  }
0x3b: {  	_ = 	snop  }
0x3c: {  	p2 =	seq.s32 s10, $0x1;
	s10 =	sld [smem:$0x3FB0]  }
0x3d: {  	_ =	shalt  }
0x3e: {  	_ =	shalt  }
0x3f: {  	_ =	shalt  }
0x40: {  	_ =	shalt  }
0x41: {  	_ =	shalt  }
0x42: {  	_ =	shalt  }
0x43: {  	_ =	shalt  }
0x44: {  	_ =	shalt  }
0x45: {  	_ =	shalt  }
0x46: {  	_ =	shalt  }
0x47: {  	_ =	shalt  }
0x48: {  	_ =	shalt  }
0x49: {  	_ =	shalt  }
0x4a: {  	_ =	shalt  }
0x4b: {  	_ =	shalt  }
0x4c: {  	_ =	shalt  }
0x4d: {  	_ =	shalt  }
0x4e: {  	_ =	shalt  }
0x4f: {  	_ =	shalt  }
0x50: {  	_ =	shalt  }
0x51: {  	_ =	shalt  }
0x52: {  	_ =	shalt  }
0x53: {  	_ =	shalt  }
0x54: {  	_ =	shalt  }
0x55: {  	_ =	shalt  }
0x56: {  	_ =	shalt  }
0x57: {  	_ =	shalt  }
0x58: {  	_ =	shalt  }
0x59: {  	_ =	shalt  }
0x5a: {  	_ =	shalt  }
0x5b: {  	_ =	shalt  }
0x5c: {  	_ =	shalt  }
0x5d: {  	_ =	shalt  }
0x5e: {  	_ =	shalt  }
0x5f: {  	_ =	shalt  }
0x60: {  	_ =	shalt  }
0x61: {  	_ =	shalt  }
0x62: {  	_ =	shalt  }
0x63: {  	_ =	shalt  }
0x64: {  	_ =	shalt  }
0x65: {  	_ =	shalt  }
0x66: {  	_ =	shalt  }
0x67: {  	_ =	shalt  }
0x68: {  	_ =	shalt  }
0x69: {  	_ =	shalt  }
0x6a: {  	_ =	shalt  }
0x6b: {  	_ =	shalt  }
0x6c: {  	_ =	shalt  }
0x6d: {  	_ =	shalt  }
0x6e: {  	_ =	shalt  }
0x6f: {  	_ =	shalt  }
0x70: {  	_ =	shalt  }
0x71: {  	_ =	shalt  }
0x72: {  	_ =	shalt  }
0x73: {  	_ =	shalt  }
0x74: {  	_ =	shalt  }
0x75: {  	_ =	shalt  }
0x76: {  	_ =	shalt  }
0x77: {  	_ =	shalt  }
0x78: {  	_ =	shalt  }
0x79: {  	_ =	shalt  }
0x7a: {  	_ =	shalt  }
0x7b: {  	_ =	shalt  }
0x7c: {  	_ =	shalt  }
0x7d: {  	_ =	shalt  }
0x7e: {  	_ =	shalt  }
0x7f: {  	_ =	shalt  }
0x80: {  	_ =	shalt  }
0x81: {  	_ =	shalt  }
0x82: {  	_ =	shalt  }
0x83: {  	_ =	shalt  }
0x84: {  	_ =	shalt  }
0x85: {  	_ =	shalt  }
0x86: {  	_ =	shalt  }
0x87: {  	_ =	shalt  }
.Lfunc_end0:
.L_simem_size_0:
called_computation_lowered:
.L_overlay_start_0:
0x88: {  	s2 =	sld [smem:$0x3FD9]  }
0x89: {  	s3 =	sld [smem:$0x3FFE];
	_ =	sdelay $0x1  }
0x8a: {  	s1 =	srdreg.scid  }
0x8b: {  	s0 =	sand.u32 $0x1, s1  }
0x8c: {  	s17 =	sshll.u32 s0, $0xA;
	s2 =	sadd.s32 s3, s2  }
0x8d: {  	s2 =	sadd.s32 s2, s17  }
0x8e: {  	[smem:$0x3FBC] =	sst s2  }
0x8f: {  	_ = 	snop  }
0x90: {  	s2 =	sld [smem:$0x3FD0];
	(tm) =	ssettm $0x1  }
0x91: {  	s18 =	sld [smem:$0x3FFB];
	_ =	sdelay $0x3  }
0x92: {  	_ =	strace s18  }
0x93: {  	s3 =	sld [smem:$0x3FFC];
	_ =	sdelay $0x3  }
0x94: {  	_ =	strace s3  }
0x95: {  	s3 =	sld [smem:$0x3FFD];
	_ =	sdelay $0x3  }
0x96: {  	_ =	strace s3  }
0x97: {  	_ =	strace $0x8FFFFFFF  }
0x98: {  	s19 =	sld [smem:$0x3FDB];
	_ =	sdelay $0x1  }
0x99: {  	s4 =	simm.s32 $_scs_section_size  }
0x9a: {  	s5 =	simm.s32 $_size__tile_overlayer_lowered;
	s6 =	simm.s32 $_tile_overlayer_lowered  }
0x9b: {  	s22 =	simm.s32 $0x1BFF;
	s21 =	sshll.u32 s6, $0x1;
	s3 =	sadd.s32 s4, s19  }
0x9c: {  	s7 =	simm.s32 $0x0;
	s20 =	sshll.u32 s5, $0x1;
	s5 =	sadd.s32 s21, s3  }
0x9d: {  	[timem:s7], [sflag:s22] =	dma.local [hbm:s5], s20  }
0x9e: {  	_ =	swait.ge [sflag:s22], s20  }
0x9f: {  	s4 =	ssub.s32 $0x0, s20;
	[sflag:s22] =	ssyncset.done $0x0  }
0xa0: {  	[sflag:s22] =	ssyncadd.s32 s4;
	_ =	sdelay $0x1  }
0xa1: {  	s23 =	simm.s32 $0x1B8B  }
0xa2: {  	_ =	swait.ge [sflag:s23], $0x1  }
0xa3: {  	[sflag:s23] =	ssyncset.done $0x0  }
0xa4: {  	s25 =	simm.s32 $0x1B8E;
	s24 =	sld [smem:$0x3FFE];
	[sflag:s23] =	ssyncadd.s32 $0xFFFFFFFF  }
0xa5: {  	s26 =	simm.s32 $execute0_lowered;
	[smem:$0x3FD2] =	sst s25  }
0xa6: {  	s5 =	sshll.u32 s26, $0x1;
	_ =	strace $0x80000046;
	[dreg:$0x1] =	wrdreg $0xFFFFFFFF  }
0xa7: {  	s28 =	simm.s32 $_size_execute0_lowered;
	s3 =	sadd.s32 s3, s5;
	[dreg:$0x0] =	wrdreg $0x0  }
0xa8: {  	s5 =	sshll.u32 s28, $0x1;
	[dreg:$0x2] =	wrdreg s3  }
0xa9: {  	[dreg:$0x3] =	wrdreg s5  }
0xaa: {  	[dreg:$0x4] =	wrdreg $0xC0  }
0xab: {  	_ =	task [dreg:s7], $0x5FFFF  }
0xac: {  	[dreg:$0x1] =	wrdreg $0xFFFFFFFF  }
0xad: {  	[dreg:$0x0] =	wrdreg $0x60  }
0xae: {  	[dreg:$0x2] =	wrdreg s24  }
0xaf: {  	[dreg:$0x3] =	wrdreg s2  }
0xb0: {  	[dreg:$0x4] =	wrdreg $0xCD000  }
0xb1: {  	[dreg:$0x5] =	wrdreg $0x11B200  }
0xb2: {  	[dreg:$0x6] =	wrdreg $0x16D280  }
0xb3: {  	[dreg:$0x7] =	wrdreg $0x9  }
0xb4: {  	_ =	task.clear_ibuf [dreg:s7], $0x8FFFF;
	_ =	strace $0x90000046  }
0xb5: {  	s29 =	simm.s32 $0x9;
	_ =	strace $0x80000048  }
0xb6: {  	_ =	swait.ge [sflag:s29], $0x1  }
0xb7: {  	[sflag:s29] =	ssyncadd.s32 $0xFFFFFFFF  }
0xb8: {  	_ =	strace $0x90000048  }
0xb9: {  	_ =	sfence  }
0xba: {  	s30 =	sld [smem:$0x0];
	_ =	sdelay $0x2  }
0xbb: {  	s31 =	sshll.u32 s1, $0xD;
	s1 =	sshrl.u32 s1, $0x2  }
0xbc: {  	s3 =	sand.u32 $0x4000, s31;
	s1 =	sadd.s32 s1, s30  }
0xbd: {  	s0 =	sor.u32 s3, s0;
	s1 =	sshll.u32 s1, $0x11  }
0xbe: {  	s0 =	sor.u32 s1, s0  }
0xbf: {  	s0 =	sadd.s32 $0x8F2B, s0  }
0xc0: {  	[sflag:s0] =	ssyncadd.remote.s32 $0x1  }
0xc1: {  	_ =	sfence.sel $0xFFFF  }
0xc2: {  	[dreg:$0x0] =	wrdreg $0xFFFFFFFF;
	(pc) =	sbr.abs _section_cstart, $3  }
0xc3: {  	[dreg:$0x1] =	wrdreg $0xFFFFFFFF  }
0xc4: {  	_ =	task.clear_ibuf [dreg:s7], $0x2FFFF;
	_ =	strace $0x9FFFFFFF  }
0xc5: {  	(tm) =	ssettm $0x7FFFFFFF  }
tec
execute0_lowered:
.L_overlay_start_1:
0x0: {  	(tag) =	ssettag $0x1  }
0x1: {  	s0 =	rddreg [dreg:$0x0]  }
0x2: {  	s2 =	rddreg [dreg:$0x2];
	s13 =	stileid.u32  }
0x3: {  	s1 =	srdreg.scid;
	s4 =	rddreg [dreg:$0x3]  }
0x4: {  	s5 =	rddreg [dreg:$0x4];
	s7 =	simm.s32 $0x0;
	s29 =	simm.s32 $0x3  }
0x5: {  	s31 =	simm.s32 $0x7D;
	s30 =	simm.s32 $0xF;
	s14 =	simm.s32 $0x18  }
0x6: {  	s1 =	sand.u32 $0x1, s1;
	s3 =	sshll.u32 s13, $0x1;
	s6 =	smul.u32 $0x4E00, s13  }
0x7: {  	[smem:$0x7FF] =	sst s7;
	s8 =	smul.u32 $0x1380, s13;
	s18 =	sshll.u32 s13, $0x6  }
0x8: {  	s13 =	simm.s32 $0x10;
	s3 =	sor.u32 s1, s3;
	s9 =	smul.u32 $0x4E200, s1  }
0x9: {  	_ =	strace $0x80000047;
	s11 =	smul.u32 $0x13880, s1;
	s1 =	ssub.s32 $0x2, s1  }
0xa: {  	s20 =	sor.u32 $0x1C03, s18;
	s25 =	sor.u32 $0x1C04, s18;
	[dreg:$0x8] =	wrdreg s18  }
0xb: {  	s28 =	sor.u32 $0x1C09, s18;
	s3 =	smul.u32 $0x2800, s3;
	s15 =	sshrl.u32 s6, $0x3  }
0xc: {  	s10 =	sshrl.u32 s8, $0x3;
	s12 =	sshrl.u32 s1, $0x1;
	[dreg:$0xa] =	wrdreg s20  }
0xd: {  	s17 =	sadd.s32 s6, s2;
	s21 =	sadd.s32 s8, s5;
	[dreg:$0x11] =	wrdreg s25  }
0xe: {  	[dreg:$0x13] =	wrdreg s28;
	s7 =	sadd.s32 s15, s0;
	s10 =	sadd.s32 s10, s0  }
0xf: {  	s9 =	sadd.s32 s6, s9;
	s11 =	sadd.s32 s8, s11;
	s1 =	ssub.s32 s1, s12  }
0x10: {  	s6 =	sadd.s32 s6, s4;
	s20 =	sshrl.u32 s21, $0x3;
	s21 =	simm.s32 $0x9  }
0x11: {  	s8 =	simm.s32 $0x5;
	s12 =	simm.s32 $0x17;
	s15 =	simm.s32 $0x19  }
0x12: {  	s3 =	sshrl.u32 s3, $0x3;
	s9 =	sshrl.u32 s9, $0x3;
	s11 =	sshrl.u32 s11, $0x3  }
0x13: {  	s19 =	sadd.s32 $0x20200, s7;
	s7 =	sadd.s32 $0x2400, s7;
	[dreg:$0x14] =	wrdreg s20  }
0x14: {  	s22 =	sadd.s32 $0x2A000, s10;
	s24 =	smax.u32 s1, $0x1;
	[dreg:$0x9] =	wrdreg s19  }
0x15: {  	s26 =	sshrl.u32 s6, $0x3;
	s1 =	simm.s32 $0xADC0;
	[dreg:$0xb] =	wrdreg s7  }
0x16: {  	s10 =	simm.s32 $0x7;
	s3 =	sadd.s32 s3, s0;
	[dreg:$0xc] =	wrdreg s22  }
0x17: {  	s9 =	sadd.s32 s9, s0;
	s0 =	sadd.s32 s11, s0;
	[dreg:$0xf] =	wrdreg s24  }
0x18: {  	s19 =	sshrl.u32 s17, $0x3;
	[dreg:$0x12] =	wrdreg s26;
	s22 =	simm.s32 $0xA  }
0x19: {  	s26 =	simm.s32 $0x1;
	s16 =	sadd.s32 $0xC200, s3;
	[dreg:$0x10] =	wrdreg s19  }
.Ltmp0:
0x1a: {  	s3 =	sadd.s32 $0x16200, s3;
	[dreg:$0x6] =	wrdreg s16;
	(pc) =	sbr.rel .LBB2_1-.Ltmp0, $4  }
0x1b: {  	s17 =	simm.s32 $0x8E80;
	s23 =	sadd.s32 $0x31800, s9;
	[dreg:$0x7] =	wrdreg s3  }
0x1c: {  	s7 =	simm.s32 $0xBD60;
	s0 =	sadd.s32 $0x2C800, s0;
	[dreg:$0xd] =	wrdreg s23  }
0x1d: {  	s11 =	simm.s32 $0x8;
	[dreg:$0xe] =	wrdreg s0;
	s23 =	simm.s32 $0x16940  }
0x1e: {  	s3 =	simm.s32 $0x5000;
	s0 =	simm.s32 $0x6F40;
	s16 =	simm.s32 $0x0  }
.LBB2_4:
0x1f: {  	_ =	swait.ge [sflag:s11], $0xFA0  }
0x20: {  	[sflag:s11] =	ssyncset.done $0x0  }
0x21: {  	[sflag:s11] =	ssyncadd.s32 $0xFFFFF060  }
0x22: {  	[spmem:s2] =	stream.indirect.scatter.add.f32 [tilespmem:s7], [sflag:$0x10], $0x20, s6, s31, $0xb8;
	[tilespmem:$0x180B0] =	vst v63  }
0x23: {  	s21 =	simm.s32 $0x9  }
0x24: {  	[spmem:s5] =	stream.indirect.scatter.add.f32 [tilespmem:s23], [sflag:$0x18], $0x8, s6, s31, $0xb8;
	[tilespmem:$0x180B0] =	vst v63  }
0x25: {  	_ =	swait.ge [sflag:s21], $0xFA0  }
0x26: {  	[sflag:s21] =	ssyncset.done $0x0  }
0x27: {  	s18 =	simm.s32 $0x11;
	[sflag:s21] =	ssyncadd.s32 $0xFFFFF060  }
0x28: {  	_ =	swait.ge [sflag:s18], $0x3E8  }
0x29: {  	[sflag:s18] =	ssyncset.done $0x0  }
0x2a: {  	s22 =	simm.s32 $0xA;
	[sflag:s18] =	ssyncadd.s32 $0xFFFFFC18  }
0x2b: {  	_ =	swait.ge [sflag:s22], $0xFA0  }
0x2c: {  	[sflag:s22] =	ssyncset.done $0x0  }
0x2d: {  	s19 =	simm.s32 $0x12;
	[sflag:s22] =	ssyncadd.s32 $0xFFFFF060  }
0x2e: {  	_ =	swait.ge [sflag:s19], $0x3E8  }
0x2f: {  	[sflag:s19] =	ssyncset.done $0x0  }
0x30: {  	s20 =	simm.s32 $0xB;
	[sflag:s19] =	ssyncadd.s32 $0xFFFFFC18  }
0x31: {  	_ =	swait.ge [sflag:s20], $0xFA0  }
0x32: {  	[sflag:s20] =	ssyncset.done $0x0  }
0x33: {  	s24 =	simm.s32 $0x13;
	[sflag:s20] =	ssyncadd.s32 $0xFFFFF060  }
0x34: {  	_ =	swait.ge [sflag:s24], $0x3E8  }
0x35: {  	[sflag:s24] =	ssyncset.done $0x0  }
0x36: {  	s25 =	simm.s32 $0xC;
	[sflag:s24] =	ssyncadd.s32 $0xFFFFFC18  }
0x37: {  	_ =	swait.ge [sflag:s25], $0xFA0  }
0x38: {  	[sflag:s25] =	ssyncset.done $0x0  }
0x39: {  	s28 =	simm.s32 $0x14;
	[sflag:s25] =	ssyncadd.s32 $0xFFFFF060  }
0x3a: {  	_ =	swait.ge [sflag:s28], $0x3E8  }
0x3b: {  	[sflag:s28] =	ssyncset.done $0x0  }
0x3c: {  	s9 =	simm.s32 $0xD;
	[sflag:s28] =	ssyncadd.s32 $0xFFFFFC18  }
0x3d: {  	_ =	swait.ge [sflag:s9], $0xFA0  }
0x3e: {  	[sflag:s9] =	ssyncset.done $0x0  }
0x3f: {  	s18 =	simm.s32 $0x15;
	[sflag:s9] =	ssyncadd.s32 $0xFFFFF060  }
0x40: {  	_ =	swait.ge [sflag:s18], $0x3E8  }
0x41: {  	[sflag:s18] =	ssyncset.done $0x0  }
0x42: {  	s19 =	simm.s32 $0xE;
	[sflag:s18] =	ssyncadd.s32 $0xFFFFFC18  }
0x43: {  	_ =	swait.ge [sflag:s19], $0xFA0  }
0x44: {  	[sflag:s19] =	ssyncset.done $0x0  }
0x45: {  	s20 =	simm.s32 $0x16;
	[sflag:s19] =	ssyncadd.s32 $0xFFFFF060  }
0x46: {  	_ =	swait.ge [sflag:s20], $0x3E8  }
0x47: {  	[sflag:s20] =	ssyncset.done $0x0  }
0x48: {  	[sflag:s20] =	ssyncadd.s32 $0xFFFFFC18  }
0x49: {  	_ =	swait.ge [sflag:s30], $0xFA0  }
0x4a: {  	[sflag:s30] =	ssyncset.done $0x0  }
0x4b: {  	[sflag:s30] =	ssyncadd.s32 $0xFFFFF060  }
0x4c: {  	_ =	swait.ge [sflag:s12], $0x3E8  }
0x4d: {  	[sflag:s12] =	ssyncset.done $0x0  }
0x4e: {  	[sflag:s12] =	ssyncadd.s32 $0xFFFFFC18  }
0x4f: {  	_ =	swait.ge [sflag:s13], $0xFA0  }
0x50: {  	[sflag:s13] =	ssyncset.done $0x0  }
0x51: {  	[sflag:s13] =	ssyncadd.s32 $0xFFFFF060  }
0x52: {  	_ =	swait.ge [sflag:s14], $0x3E8  }
0x53: {  	[sflag:s14] =	ssyncset.done $0x0  }
0x54: {  	[sflag:s14] =	ssyncadd.s32 $0xFFFFFC18  }
0x55: {  	[bflag:$0x0] =	sbarrier.arrive $0xFFFF  }
0x56: {  	s24 =	rddreg [dreg:$0x8]  }
0x57: {  	s9 =	rddreg [dreg:$0xd]  }
0x58: {  	s19 =	rddreg [dreg:$0x10];
	s6 =	sor.u32 $0x1C19, s24  }
0x59: {  	[hbm:s9], [sflag:s6] =	dma.local [spmem:s19], $0xA00  }
0x5a: {  	_ =	swait.ge [sflag:s15], $0xA00  }
0x5b: {  	[sflag:s15] =	ssyncset.done $0x0;
	s25 =	rddreg [dreg:$0xe]  }
0x5c: {  	s20 =	rddreg [dreg:$0x14];
	[sflag:s15] =	ssyncadd.s32 $0xFFFFF600  }
0x5d: {  	[hbm:s25], [sflag:s6] =	dma.local [spmem:s20], $0x280  }
0x5e: {  	_ =	swait.ge [sflag:s15], $0x280  }
0x5f: {  	s16 =	sadd.s32 $0x1, s16;
	s28 =	rddreg [dreg:$0xf]  }
0x60: {  	p0 =	sne.s32 s16, s28  }
.Ltmp1:
0x61: {  	_ = 	snop;
	(pc) =	sbr.rel @!p0 .LBB2_5-.Ltmp1, $3  }
0x62: {  	_ =	sdelay $0x1  }
0x63: {  	[sflag:s15] =	ssyncset.done $0x0  }
0x64: {  	[sflag:s15] =	ssyncadd.s32 $0xFFFFFD80  }
.LBB2_1:
0x65: {  	s6 =	rddreg [dreg:$0x6]  }
0x66: {  	s24 =	rddreg [dreg:$0x7]  }
0x67: {  	s9 =	simm.s32 $0x0;
	s25 =	rddreg [dreg:$0x9]  }
0x68: {  	[tilespmem:s9], [sflag:$0x1] =	stream.linear.gather [hbm4b:s6+s9], $0x2800, $0x38;
	[tilespmem:$0x180B0] =	vst v63  }
0x69: {  	s18 =	simm.s32 $0x2800;
	s28 =	rddreg [dreg:$0xa]  }
0x6a: {  	[tilespmem:s18], [sflag:$0x2] =	stream.linear.gather [hbm4b:s24+s9], $0x2800, $0x38;
	[tilespmem:$0x180B0] =	vst v63  }
0x6b: {  	[spmem:s19], [sflag:s28] =	dma.local [hbm:s25], $0xA00  }
0x6c: {  	s6 =	rddreg [dreg:$0xb]  }
0x6d: {  	s18 =	rddreg [dreg:$0x11]  }
0x6e: {  	s19 =	rddreg [dreg:$0x12]  }
0x6f: {  	[spmem:s19], [sflag:s18] =	dma.local [hbm:s6], $0xA00  }
0x70: {  	s6 =	rddreg [dreg:$0xc]  }
0x71: {  	s18 =	rddreg [dreg:$0x13]  }
0x72: {  	[spmem:s20], [sflag:s18] =	dma.local [hbm:s6], $0x280  }
0x73: {  	s6 =	rddreg [dreg:$0x1]  }
0x74: {  	[tilespmem:s23], [sflag:$0xA] =	stream.linear.gather [hbm4b:s6+s9], $0x3E8, $0x38;
	[tilespmem:$0x180B0] =	vst v63  }
0x75: {  	_ =	swait.ge [sflag:s21], $0x280  }
0x76: {  	[sflag:s21] =	ssyncset.done $0x0  }
0x77: {  	[sflag:s21] =	ssyncadd.s32 $0xFFFFFD80  }
0x78: {  	_ =	swait.ge [sflag:s22], $0x3E8  }
0x79: {  	[sflag:s22] =	ssyncset.done $0x0  }
0x7a: {  	[sflag:s22] =	ssyncadd.s32 $0xFFFFFC18  }
0x7b: {  	_ =	swait.ge [sflag:s26], $0x2800  }
0x7c: {  	[sflag:s26] =	ssyncset.done $0x0  }
0x7d: {  	s22 =	simm.s32 $0x2;
	[sflag:s26] =	ssyncadd.s32 $0xFFFFD800  }
0x7e: {  	_ =	swait.ge [sflag:s22], $0x2800  }
0x7f: {  	[sflag:s22] =	ssyncset.done $0x0  }
0x80: {  	[sflag:s22] =	ssyncadd.s32 $0xFFFFD800  }
0x81: {  	_ =	swait.ge [sflag:s29], $0xA00  }
0x82: {  	[sflag:s29] =	ssyncset.done $0x0  }
0x83: {  	s24 =	simm.s32 $0x4;
	[sflag:s29] =	ssyncadd.s32 $0xFFFFF600  }
0x84: {  	_ =	swait.ge [sflag:s24], $0xA00  }
0x85: {  	[sflag:s24] =	ssyncset.done $0x0  }
0x86: {  	[sflag:s24] =	ssyncadd.s32 $0xFFFFF600  }
0x87: {  	[bflag:$0x0] =	sbarrier.arrive $0xFFFF  }
0x88: {  	[tilespmem:s3], [sflag:$0x1] =	stream.indirect.gather [spmem:s4], $0x20, s9, s31, $0xb8;
	[tilespmem:$0x180B0] =	vst v63  }
0x89: {  	s25 =	simm.s32 $0x80;
	s28 =	simm.s32 $0x5FA0  }
0x8a: {  	[tilespmem:s28], [sflag:$0x2] =	stream.indirect.gather [spmem:s4], $0x20, s25, s31, $0xb8;
	[tilespmem:$0x180B0] =	vst v63  }
0x8b: {  	s18 =	simm.s32 $0x100  }
0x8c: {  	[tilespmem:s0], [sflag:$0x3] =	stream.indirect.gather [spmem:s4], $0x20, s18, s31, $0xb8;
	[tilespmem:$0x180B0] =	vst v63  }
0x8d: {  	s19 =	simm.s32 $0x180;
	s20 =	simm.s32 $0x7EE0  }
0x8e: {  	[tilespmem:s20], [sflag:$0x4] =	stream.indirect.gather [spmem:s4], $0x20, s19, s31, $0xb8;
	[tilespmem:$0x180B0] =	vst v63  }
0x8f: {  	s21 =	simm.s32 $0x200  }
0x90: {  	[tilespmem:s17], [sflag:$0x5] =	stream.indirect.gather [spmem:s4], $0x20, s21, s31, $0xb8;
	[tilespmem:$0x180B0] =	vst v63  }
0x91: {  	s22 =	simm.s32 $0x280;
	s24 =	simm.s32 $0x9E20  }
0x92: {  	[tilespmem:s24], [sflag:$0x6] =	stream.indirect.gather [spmem:s4], $0x20, s22, s31, $0xb8;
	[tilespmem:$0x180B0] =	vst v63  }
0x93: {  	s25 =	simm.s32 $0x300  }
0x94: {  	[tilespmem:s1], [sflag:$0x7] =	stream.indirect.gather [spmem:s4], $0x20, s25, s31, $0xb8;
	[tilespmem:$0x180B0] =	vst v63  }
0x95: {  	s28 =	simm.s32 $0x380;
	s19 =	simm.s32 $0x0  }
0x96: {  	[tilespmem:s7], [sflag:$0x8] =	stream.indirect.gather [spmem:s4], $0x20, s28, s31, $0xb8;
	[tilespmem:$0x180B0] =	vst v63  }
.LBB2_2:
0x97: {  	_ =	swait.ge [sflag:s26], $0xFA0  }
0x98: {  	s20 =	sshra.s32 s19, $0x2;
	[sflag:s26] =	ssyncset.done $0x0  }
0x99: {  	s6 =	sadd.s32 $0x2800, s20;
	[sflag:s26] =	ssyncadd.s32 $0xFFFFF060  }
0x9a: {  	[spmem:s2] =	stream.indirect.scatter.add.f32 [tilespmem:s3], [sflag:$0x9], $0x20, s6, s31, $0xb8;
	[tilespmem:$0x180B0] =	vst v63  }
0x9b: {  	p0 =	seq.s32 s19, $0x9000  }
0x9c: {  	[spmem:s5] =	stream.indirect.scatter.add.f32 [tilespmem:s23], [sflag:$0x11], $0x8, s6, s31, $0xb8;
	[tilespmem:$0x180B0] =	vst v63  }
0x9d: {  	s6 =	simm.s32 @p0 $0x2  }
0x9e: {  	_ =	swait.ge @p0 [sflag:s6], $0xFA0  }
0x9f: {  	[sflag:s6] =	ssyncset.done @p0 $0x0  }
0xa0: {  	[sflag:s6] =	ssyncadd.s32 @p0 $0xFFFFF060;
	s6 =	sshra.s32 @p0 s19, $0x2  }
0xa1: {  	s28 =	simm.s32 @p0 $0x7D;
	s18 =	simm.s32 @p0 $0x5FA0;
	s9 =	sadd.s32 @p0 $0x2880, s6  }
0xa2: {  	[spmem:s2] =	stream.indirect.scatter.add.f32 @p0 [tilespmem:s18], [sflag:$0xA], $0x20, s9, s28, $0xb8;
	[tilespmem:$0x180B0] =	vst v63  }
0xa3: {  	s18 =	simm.s32 @p0 $0x16940  }
0xa4: {  	[spmem:s5] =	stream.indirect.scatter.add.f32 @p0 [tilespmem:s18], [sflag:$0x12], $0x8, s9, s28, $0xb8;
	[tilespmem:$0x180B0] =	vst v63  }
0xa5: {  	s9 =	simm.s32 @!p0 $0x9  }
0xa6: {  	_ =	swait.ge @!p0 [sflag:s9], $0xFA0  }
0xa7: {  	[sflag:s9] =	ssyncset.done @!p0 $0x0  }
0xa8: {  	[sflag:s9] =	ssyncadd.s32 @!p0 $0xFFFFF060;
	s9 =	simm.s32 @!p0 $0x11  }
0xa9: {  	_ =	swait.ge @!p0 [sflag:s9], $0x3E8  }
0xaa: {  	s21 =	sshra.s32 @!p0 s19, $0x2;
	s24 =	simm.s32 @!p0 $0x5000;
	[sflag:s9] =	ssyncset.done @!p0 $0x0  }
0xab: {  	s22 =	sadd.s32 @!p0 $0x400, s21;
	[sflag:s9] =	ssyncadd.s32 @!p0 $0xFFFFFC18;
	s9 =	simm.s32 @!p0 $0x7D  }
0xac: {  	[tilespmem:s24], [sflag:$0x1] =	stream.indirect.gather @!p0 [spmem:s4], $0x20, s22, s9, $0xb8;
	[tilespmem:$0x180B0] =	vst v63  }
0xad: {  	s22 =	simm.s32 @!p0 $0x2  }
0xae: {  	_ =	swait.ge @!p0 [sflag:s22], $0xFA0  }
0xaf: {  	[sflag:s22] =	ssyncset.done @!p0 $0x0  }
0xb0: {  	s25 =	simm.s32 @!p0 $0x5FA0;
	s24 =	sadd.s32 @!p0 $0x2880, s21;
	[sflag:s22] =	ssyncadd.s32 @!p0 $0xFFFFF060  }
0xb1: {  	[spmem:s2] =	stream.indirect.scatter.add.f32 @!p0 [tilespmem:s25], [sflag:$0xA], $0x20, s24, s9, $0xb8;
	[tilespmem:$0x180B0] =	vst v63  }
0xb2: {  	s22 =	simm.s32 @!p0 $0x16940  }
0xb3: {  	[spmem:s5] =	stream.indirect.scatter.add.f32 @!p0 [tilespmem:s22], [sflag:$0x12], $0x8, s24, s9, $0xb8;
	[tilespmem:$0x180B0] =	vst v63  }
0xb4: {  	s24 =	simm.s32 @!p0 $0xA  }
0xb5: {  	_ =	swait.ge @!p0 [sflag:s24], $0xFA0  }
0xb6: {  	[sflag:s24] =	ssyncset.done @!p0 $0x0  }
0xb7: {  	[sflag:s24] =	ssyncadd.s32 @!p0 $0xFFFFF060;
	s24 =	simm.s32 @!p0 $0x12  }
0xb8: {  	_ =	swait.ge @!p0 [sflag:s24], $0x3E8  }
0xb9: {  	[sflag:s24] =	ssyncset.done @!p0 $0x0  }
0xba: {  	[sflag:s24] =	ssyncadd.s32 @!p0 $0xFFFFFC18;
	s24 =	sadd.s32 @!p0 $0x480, s21  }
0xbb: {  	[tilespmem:s25], [sflag:$0x2] =	stream.indirect.gather @!p0 [spmem:s4], $0x20, s24, s9, $0xb8;
	[tilespmem:$0x180B0] =	vst v63  }
0xbc: {  	_ =	swait.ge [sflag:s29], $0xFA0  }
0xbd: {  	[sflag:s29] =	ssyncset.done $0x0  }
0xbe: {  	s25 =	sadd.s32 $0x2900, s20;
	[sflag:s29] =	ssyncadd.s32 $0xFFFFF060  }
0xbf: {  	[spmem:s2] =	stream.indirect.scatter.add.f32 [tilespmem:s0], [sflag:$0xB], $0x20, s25, s31, $0xb8;
	[tilespmem:$0x180B0] =	vst v63  }
0xc0: {  	s24 =	simm.s32 @p0 $0x4  }
0xc1: {  	[spmem:s5] =	stream.indirect.scatter.add.f32 [tilespmem:s23], [sflag:$0x13], $0x8, s25, s31, $0xb8;
	[tilespmem:$0x180B0] =	vst v63  }
0xc2: {  	_ =	swait.ge @p0 [sflag:s24], $0xFA0  }
0xc3: {  	[sflag:s24] =	ssyncset.done @p0 $0x0  }
0xc4: {  	s25 =	simm.s32 @p0 $0x7EE0;
	[sflag:s24] =	ssyncadd.s32 @p0 $0xFFFFF060;
	s24 =	sadd.s32 @p0 $0x2980, s6  }
0xc5: {  	[spmem:s2] =	stream.indirect.scatter.add.f32 @p0 [tilespmem:s25], [sflag:$0xC], $0x20, s24, s28, $0xb8;
	[tilespmem:$0x180B0] =	vst v63  }
0xc6: {  	_ = 	snop  }
0xc7: {  	[spmem:s5] =	stream.indirect.scatter.add.f32 @p0 [tilespmem:s18], [sflag:$0x14], $0x8, s24, s28, $0xb8;
	[tilespmem:$0x180B0] =	vst v63  }
0xc8: {  	s24 =	simm.s32 @!p0 $0xB  }
0xc9: {  	_ =	swait.ge @!p0 [sflag:s24], $0xFA0  }
0xca: {  	[sflag:s24] =	ssyncset.done @!p0 $0x0  }
0xcb: {  	[sflag:s24] =	ssyncadd.s32 @!p0 $0xFFFFF060;
	s24 =	simm.s32 @!p0 $0x13  }
0xcc: {  	_ =	swait.ge @!p0 [sflag:s24], $0x3E8  }
0xcd: {  	[sflag:s24] =	ssyncset.done @!p0 $0x0  }
0xce: {  	s25 =	simm.s32 @!p0 $0x6F40;
	[sflag:s24] =	ssyncadd.s32 @!p0 $0xFFFFFC18;
	s24 =	sadd.s32 @!p0 $0x500, s21  }
0xcf: {  	[tilespmem:s25], [sflag:$0x3] =	stream.indirect.gather @!p0 [spmem:s4], $0x20, s24, s9, $0xb8;
	[tilespmem:$0x180B0] =	vst v63  }
0xd0: {  	s24 =	simm.s32 @!p0 $0x4  }
0xd1: {  	_ =	swait.ge @!p0 [sflag:s24], $0xFA0  }
0xd2: {  	[sflag:s24] =	ssyncset.done @!p0 $0x0  }
0xd3: {  	s25 =	simm.s32 @!p0 $0x7EE0;
	[sflag:s24] =	ssyncadd.s32 @!p0 $0xFFFFF060;
	s24 =	sadd.s32 @!p0 $0x2980, s21  }
0xd4: {  	[spmem:s2] =	stream.indirect.scatter.add.f32 @!p0 [tilespmem:s25], [sflag:$0xC], $0x20, s24, s9, $0xb8;
	[tilespmem:$0x180B0] =	vst v63  }
0xd5: {  	_ = 	snop  }
0xd6: {  	[spmem:s5] =	stream.indirect.scatter.add.f32 @!p0 [tilespmem:s22], [sflag:$0x14], $0x8, s24, s9, $0xb8;
	[tilespmem:$0x180B0] =	vst v63  }
0xd7: {  	s24 =	simm.s32 @!p0 $0xC  }
0xd8: {  	_ =	swait.ge @!p0 [sflag:s24], $0xFA0  }
0xd9: {  	[sflag:s24] =	ssyncset.done @!p0 $0x0  }
0xda: {  	[sflag:s24] =	ssyncadd.s32 @!p0 $0xFFFFF060;
	s24 =	simm.s32 @!p0 $0x14  }
0xdb: {  	_ =	swait.ge @!p0 [sflag:s24], $0x3E8  }
0xdc: {  	[sflag:s24] =	ssyncset.done @!p0 $0x0  }
0xdd: {  	[sflag:s24] =	ssyncadd.s32 @!p0 $0xFFFFFC18;
	s24 =	sadd.s32 @!p0 $0x580, s21  }
0xde: {  	[tilespmem:s25], [sflag:$0x4] =	stream.indirect.gather @!p0 [spmem:s4], $0x20, s24, s9, $0xb8;
	[tilespmem:$0x180B0] =	vst v63  }
0xdf: {  	_ =	swait.ge [sflag:s8], $0xFA0  }
0xe0: {  	[sflag:s8] =	ssyncset.done $0x0  }
0xe1: {  	s25 =	sadd.s32 $0x2A00, s20;
	[sflag:s8] =	ssyncadd.s32 $0xFFFFF060  }
0xe2: {  	[spmem:s2] =	stream.indirect.scatter.add.f32 [tilespmem:s17], [sflag:$0xD], $0x20, s25, s31, $0xb8;
	[tilespmem:$0x180B0] =	vst v63  }
0xe3: {  	s24 =	simm.s32 @p0 $0x6  }
0xe4: {  	[spmem:s5] =	stream.indirect.scatter.add.f32 [tilespmem:s23], [sflag:$0x15], $0x8, s25, s31, $0xb8;
	[tilespmem:$0x180B0] =	vst v63  }
0xe5: {  	_ =	swait.ge @p0 [sflag:s24], $0xFA0  }
0xe6: {  	[sflag:s24] =	ssyncset.done @p0 $0x0  }
0xe7: {  	s6 =	sadd.s32 @p0 $0x2A80, s6;
	[sflag:s24] =	ssyncadd.s32 @p0 $0xFFFFF060;
	s24 =	simm.s32 @p0 $0x9E20  }
0xe8: {  	[spmem:s2] =	stream.indirect.scatter.add.f32 @p0 [tilespmem:s24], [sflag:$0xE], $0x20, s6, s28, $0xb8;
	[tilespmem:$0x180B0] =	vst v63  }
0xe9: {  	_ = 	snop  }
0xea: {  	[spmem:s5] =	stream.indirect.scatter.add.f32 @p0 [tilespmem:s18], [sflag:$0x16], $0x8, s6, s28, $0xb8;
	[tilespmem:$0x180B0] =	vst v63  }
0xeb: {  	s6 =	simm.s32 @!p0 $0xD  }
0xec: {  	_ =	swait.ge @!p0 [sflag:s6], $0xFA0  }
0xed: {  	[sflag:s6] =	ssyncset.done @!p0 $0x0  }
0xee: {  	[sflag:s6] =	ssyncadd.s32 @!p0 $0xFFFFF060;
	s6 =	simm.s32 @!p0 $0x15  }
0xef: {  	_ =	swait.ge @!p0 [sflag:s6], $0x3E8  }
0xf0: {  	[sflag:s6] =	ssyncset.done @!p0 $0x0  }
0xf1: {  	s18 =	simm.s32 @!p0 $0x8E80;
	[sflag:s6] =	ssyncadd.s32 @!p0 $0xFFFFFC18;
	s6 =	sadd.s32 @!p0 $0x600, s21  }
0xf2: {  	[tilespmem:s18], [sflag:$0x5] =	stream.indirect.gather @!p0 [spmem:s4], $0x20, s6, s9, $0xb8;
	[tilespmem:$0x180B0] =	vst v63  }
0xf3: {  	s6 =	simm.s32 @!p0 $0x6  }
0xf4: {  	_ =	swait.ge @!p0 [sflag:s6], $0xFA0  }
0xf5: {  	[sflag:s6] =	ssyncset.done @!p0 $0x0  }
0xf6: {  	s18 =	simm.s32 @!p0 $0x9E20;
	[sflag:s6] =	ssyncadd.s32 @!p0 $0xFFFFF060;
	s6 =	sadd.s32 @!p0 $0x2A80, s21  }
0xf7: {  	[spmem:s2] =	stream.indirect.scatter.add.f32 @!p0 [tilespmem:s18], [sflag:$0xE], $0x20, s6, s9, $0xb8;
	[tilespmem:$0x180B0] =	vst v63  }
0xf8: {  	_ = 	snop  }
0xf9: {  	[spmem:s5] =	stream.indirect.scatter.add.f32 @!p0 [tilespmem:s22], [sflag:$0x16], $0x8, s6, s9, $0xb8;
	[tilespmem:$0x180B0] =	vst v63  }
0xfa: {  	s6 =	simm.s32 @!p0 $0xE  }
0xfb: {  	_ =	swait.ge @!p0 [sflag:s6], $0xFA0  }
0xfc: {  	[sflag:s6] =	ssyncset.done @!p0 $0x0  }
0xfd: {  	[sflag:s6] =	ssyncadd.s32 @!p0 $0xFFFFF060;
	s6 =	simm.s32 @!p0 $0x16  }
0xfe: {  	_ =	swait.ge @!p0 [sflag:s6], $0x3E8  }
0xff: {  	[sflag:s6] =	ssyncset.done @!p0 $0x0  }
0x100: {  	[sflag:s6] =	ssyncadd.s32 @!p0 $0xFFFFFC18;
	s6 =	sadd.s32 @!p0 $0x680, s21  }
0x101: {  	[tilespmem:s18], [sflag:$0x6] =	stream.indirect.gather @!p0 [spmem:s4], $0x20, s6, s9, $0xb8;
	[tilespmem:$0x180B0] =	vst v63  }
0x102: {  	_ =	swait.ge [sflag:s10], $0xFA0  }
.Ltmp2:
0x103: {  	[sflag:s10] =	ssyncset.done $0x0;
	(pc) =	sbr.rel @p0 .LBB2_4-.Ltmp2, $4  }
0x104: {  	s28 =	sadd.s32 $0x2B00, s20;
	[sflag:s10] =	ssyncadd.s32 $0xFFFFF060  }
0x105: {  	[spmem:s2] =	stream.indirect.scatter.add.f32 [tilespmem:s1], [sflag:$0xF], $0x20, s28, s31, $0xb8;
	[tilespmem:$0x180B0] =	vst v63  }
0x106: {  	s6 =	sadd.s32 $0x2B80, s20  }
0x107: {  	[spmem:s5] =	stream.indirect.scatter.add.f32 [tilespmem:s23], [sflag:$0x17], $0x8, s28, s31, $0xb8;
	[tilespmem:$0x180B0] =	vst v63  }
0x108: {  	_ =	swait.ge [sflag:s30], $0xFA0  }
0x109: {  	[sflag:s30] =	ssyncset.done $0x0  }
0x10a: {  	[sflag:s30] =	ssyncadd.s32 $0xFFFFF060  }
0x10b: {  	_ =	swait.ge [sflag:s12], $0x3E8  }
0x10c: {  	[sflag:s12] =	ssyncset.done $0x0  }
0x10d: {  	s9 =	sadd.s32 $0x700, s20;
	[sflag:s12] =	ssyncadd.s32 $0xFFFFFC18  }
0x10e: {  	[tilespmem:s1], [sflag:$0x7] =	stream.indirect.gather [spmem:s4], $0x20, s9, s31, $0xb8;
	[tilespmem:$0x180B0] =	vst v63  }
0x10f: {  	_ =	swait.ge [sflag:s11], $0xFA0  }
0x110: {  	[sflag:s11] =	ssyncset.done $0x0  }
0x111: {  	[sflag:s11] =	ssyncadd.s32 $0xFFFFF060  }
0x112: {  	[spmem:s2] =	stream.indirect.scatter.add.f32 [tilespmem:s7], [sflag:$0x10], $0x20, s6, s31, $0xb8;
	[tilespmem:$0x180B0] =	vst v63  }
0x113: {  	_ = 	snop  }
0x114: {  	[spmem:s5] =	stream.indirect.scatter.add.f32 [tilespmem:s23], [sflag:$0x18], $0x8, s6, s31, $0xb8;
	[tilespmem:$0x180B0] =	vst v63  }
0x115: {  	_ =	swait.ge [sflag:s13], $0xFA0  }
0x116: {  	[sflag:s13] =	ssyncset.done $0x0  }
.Ltmp3:
0x117: {  	[sflag:s13] =	ssyncadd.s32 $0xFFFFF060;
	(pc) =	sbr.rel .LBB2_2-.Ltmp3, $4  }
0x118: {  	_ =	swait.ge [sflag:s14], $0x3E8  }
0x119: {  	[sflag:s14] =	ssyncset.done $0x0  }
0x11a: {  	s28 =	sadd.s32 $0x780, s20;
	s19 =	sadd.s32 $0x1000, s19;
	[sflag:s14] =	ssyncadd.s32 $0xFFFFFC18  }
0x11b: {  	[tilespmem:s7], [sflag:$0x8] =	stream.indirect.gather [spmem:s4], $0x20, s28, s31, $0xb8;
	[tilespmem:$0x180B0] =	vst v63  }
.LBB2_5:
0x11c: {  	_ =	sfence.sel $0x180000  }
0x11d: {  	[bflag:$0x0] =	sbarrier.arrive $0xFFFF  }
0x11e: {  	_ =	strace $0x90000047  }
0x11f: {  	s0 =	stileid.u32;
	[bflag:$0x2] =	sbarrier.arrive $0xFFFF  }
0x120: {  	p0 =	sne.s32 s0, $0x0;
	s0 =	rddreg [dreg:$0x5]  }
0x121: {  	s0 =	sadd.s32 @!p0 $0x100000, s0  }
0x122: {  	[sflag:s0] =	ssyncadd.tile.s32 @!p0 $0x1;
	_ =	shalt  }
.Lfunc_end2:
_tile_overlayer_lowered:
.L_overlay_start_2:
0x123: {  	(tag) =	ssettag $0x2  }
0x124: {  	s0 =	rddreg [dreg:$0x0];
	s2 =	stileid.u32  }
0x125: {  	s1 =	rddreg [dreg:$0x1];
	p0 =	sne.s32 s2, $0x0  }
0x126: {  	s3 =	rddreg [dreg:$0x2];
	[bflag:$0x3] =	sbarrier.arrive $0xFFFF;
	s2 =	simm.s32 @!p0 $0x1C19  }
0x127: {  	[timem:s3], [sflag:s2] =	dma.local @!p0 [hbm:s0], s1  }
0x128: {  	s0 =	simm.s32 @!p0 $0x19  }
0x129: {  	_ =	swait.ge @!p0 [sflag:s0], s1  }
0x12a: {  	s1 =	ssub.s32 @!p0 $0x0, s1;
	[sflag:s0] =	ssyncset.done @!p0 $0x0  }
0x12b: {  	[sflag:s0] =	ssyncadd.s32 @!p0 s1  }
0x12c: {  	[bflag:$0x3] =	sbarrier.arrive $0xFFFF  }
0x12d: {  	_ =	shalt  }

</sc_bundles>
